<compile_context>
chip_gen: v7x
topology: tpu7x:2x2x1
jax: 0.10.2.dev20260603
libtpu: 0.0.44.dev20260713+nightly
codegen_flags: <defaults>
</compile_context>

<pallas_src>
import functools

import jax
import jax.numpy as jnp
from jax import lax
from jax.experimental import pallas as pl
from jax.experimental.pallas import tpu as pltpu
from jax.experimental.pallas import tpu_sc as plsc

_H = 4
_C = 32


def _proj_body(x_ref, wq_ref, bq_ref, wk_ref, bk_ref, wv_ref, bv_ref,
               aqm_ref, akm_ref, v_ref, aq_ref):
    x = x_ref[...]
    q = jnp.dot(x, wq_ref[...], preferred_element_type=jnp.float32) + bq_ref[...]
    k = jnp.dot(x, wk_ref[...], preferred_element_type=jnp.float32) + bk_ref[...]
    v_ref[...] = jnp.dot(x, wv_ref[...], preferred_element_type=jnp.float32) + bv_ref[...]
    aq_ref[...] = (jnp.dot(q, aqm_ref[...], preferred_element_type=jnp.float32)
                   + jnp.dot(k, akm_ref[...], preferred_element_type=jnp.float32))


def _add_body(p_ref, o_ref):
    o_ref[...] = p_ref[0] + p_ref[1]


def _make_edge_kernel(n_nodes, n_edges):
    NW = 32
    K = 80
    e_per = n_edges // NW
    n_chunks = e_per // K
    rchunk = 80
    n_rc = n_nodes // rchunk

    mesh = plsc.VectorSubcoreMesh(core_axis_name="c", subcore_axis_name="s")

    @functools.partial(
        pl.kernel,
        mesh=mesh,
        compiler_params=pltpu.CompilerParams(needs_layout_passes=False,
                                             use_tc_tiling_on_sc=False),
        out_type=jax.ShapeDtypeStruct((2, n_nodes, _H * _C), jnp.float32),
        scratch_types=[
            pltpu.VMEM((K,), jnp.int32),
            pltpu.VMEM((K,), jnp.int32),
            pltpu.VMEM((2 * _H, K), jnp.int32),
            pltpu.VMEM((2 * _H, K), jnp.float32),
            pltpu.VMEM((K, _H * _C), jnp.float32),
            pltpu.VMEM((rchunk, _H * _C), jnp.float32),
            pltpu.VMEM_SHARED((n_nodes, _H * _C), jnp.float32),
            pltpu.SemaphoreType.DMA,
            pltpu.SemaphoreType.DMA,
            pltpu.SemaphoreType.DMA,
        ],
    )
    def edge_kernel(row_hbm, col_hbm, v_hbm, s_hbm, out_hbm,
                    row_v, col_v, si_v, sg_v, vb_v, zb_v, acc,
                    sem0, sem1, sem2):
        cid = lax.axis_index("c")
        sid = lax.axis_index("s")
        wid = cid * 16 + sid

        def _zero(t, carry):
            i = t // 8
            j = t % 8
            zb_v[i, pl.ds(j * 16, 16)] = jnp.zeros((16,), jnp.float32)
            return carry
        lax.fori_loop(0, rchunk * 8, _zero, None)
        for i in range((n_rc + 15) // 16):
            rc = i * 16 + sid

            @pl.when(rc < n_rc)
            def _():
                pltpu.sync_copy(zb_v, acc.at[pl.ds(rc * rchunk, rchunk)])
        plsc.subcore_barrier()

        def _chunk(i, carry):
            base = wid * e_per + i * K
            pltpu.sync_copy(row_hbm.at[pl.ds(base, K)], row_v)
            pltpu.sync_copy(col_hbm.at[pl.ds(base, K)], col_v)
            g3 = pltpu.async_copy(v_hbm.at[col_v], vb_v, sem2)
            for g in range(K // 16):
                sl = pl.ds(g * 16, 16)
                r8 = row_v[sl] * 8
                c8 = col_v[sl] * 8
                for h in range(_H):
                    si_v[h, sl] = r8 + h
                    si_v[_H + h, sl] = c8 + (_H + h)
            gs = [pltpu.async_copy(s_hbm.at[si_v.at[j]], sg_v.at[j], sem0)
                  for j in range(2 * _H)]
            for g_ in gs:
                g_.wait()
            g3.wait()
            for g in range(K // 16):
                e0 = g * 16
                sl = pl.ds(e0, 16)
                ts = []
                for h in range(_H):
                    t = sg_v[h, sl] + sg_v[_H + h, sl]
                    ts.append(jnp.where(t >= 0.0, t, 0.2 * t))
                m = jnp.maximum(jnp.maximum(ts[0], ts[1]),
                                jnp.maximum(ts[2], ts[3]))
                es = [jnp.exp(t - m) for t in ts]
                den = es[0] + es[1] + es[2] + es[3]
                inv = 1.0 / den
                ws = [e_ * inv for e_ in es]

                dnums = lax.GatherDimensionNumbers(
                    offset_dims=(), collapsed_slice_dims=(0,),
                    start_index_map=(0,))

                def _scale(el, carry2):
                    e = e0 + el
                    splat = jnp.full((16, 1), el, jnp.int32)
                    for h in range(_H):
                        a = lax.gather(
                            ws[h], splat, dnums, slice_sizes=(1,),
                            mode=lax.GatherScatterMode.PROMISE_IN_BOUNDS)
                        for j in range(2):
                            c0 = h * _C + j * 16
                            vb_v[e, pl.ds(c0, 16)] = vb_v[e, pl.ds(c0, 16)] * a
                    return carry2
                lax.fori_loop(0, 16, _scale, None)
            pltpu.sync_copy(vb_v, acc.at[row_v], add=True)
            return carry
        lax.fori_loop(0, n_chunks, _chunk, None)

        plsc.subcore_barrier()
        for i in range((n_rc + 15) // 16):
            rc = i * 16 + sid

            @pl.when(rc < n_rc)
            def _():
                sl = pl.ds(rc * rchunk, rchunk)
                pltpu.sync_copy(acc.at[sl], zb_v)
                pltpu.sync_copy(zb_v, out_hbm.at[cid, sl])

    return edge_kernel


def _sample(mu, lv, bmu, blv, key):
    k1, k2 = jax.random.split(key)
    w = mu + jnp.exp(0.5 * lv) * jax.random.normal(k1, mu.shape, dtype=mu.dtype)
    b = bmu + jnp.exp(0.5 * blv) * jax.random.normal(k2, bmu.shape, dtype=bmu.dtype)
    return w, b


def kernel(x, edge_index, wq_mu, wq_lv, bq_mu, bq_lv, wk_mu, wk_lv, bk_mu,
           bk_lv, wv_mu, wv_lv, bv_mu, bv_lv, att):
    n, d_in = x.shape
    out_dim = _H * _C
    n_edges = edge_index.shape[1]

    skey = jax.random.key(42)
    kq, kk, kv = jax.random.split(skey, 3)
    wq, bq = _sample(wq_mu, wq_lv, bq_mu, bq_lv, kq)
    wk, bk = _sample(wk_mu, wk_lv, bk_mu, bk_lv, kk)
    wv, bv = _sample(wv_mu, wv_lv, bv_mu, bv_lv, kv)

    rows = jnp.arange(out_dim)
    heads = rows // _C
    att_q = att[0, :, :_C].reshape(-1)
    att_k = att[0, :, _C:].reshape(-1)
    aq_mat = jnp.zeros((out_dim, 8), jnp.float32).at[rows, heads].set(att_q)
    ak_mat = jnp.zeros((out_dim, 8), jnp.float32).at[rows, heads + _H].set(att_k)

    v, s = pl.pallas_call(
        _proj_body,
        out_shape=(jax.ShapeDtypeStruct((n, out_dim), jnp.float32),
                   jax.ShapeDtypeStruct((n, 8), jnp.float32)),
    )(x, wq.T, bq.reshape(1, -1), wk.T, bk.reshape(1, -1),
      wv.T, bv.reshape(1, -1), aq_mat, ak_mat)

    edge_kernel = _make_edge_kernel(n, n_edges)
    parts = edge_kernel(edge_index[0], edge_index[1], v, s.reshape(-1))

    out = pl.pallas_call(
        _add_body,
        out_shape=jax.ShapeDtypeStruct((n, out_dim), jnp.float32),
    )(parts)
    return out

# --- scband reference (transcript-rebuilt; emitter-appended) ---
"""Pipeline reference for scband-bayesian-gatconv-12841952215423 (READ-ONLY COPY).

The authoritative reference and input builder live on the scoring server;
editing this copy changes nothing except your own understanding.
"""

import jax, jax.numpy as jnp
import numpy as np

H = 4
C = 32

def _blin(x, wmu, wlv, bmu, blv, key):
    k1, k2 = jax.random.split(key)
    w = wmu + jnp.exp(0.5 * wlv) * jax.random.normal(k1, wmu.shape, dtype=wmu.dtype)
    b = bmu + jnp.exp(0.5 * blv) * jax.random.normal(k2, bmu.shape, dtype=bmu.dtype)
    return x @ w.T + b

def setup_inputs(seed=0):
    key = jax.random.key(seed)
    ks = jax.random.split(key, 16)
    N, E, IN = 10000, 320000, 128
    OUT = H * C
    inp = {}
    inp['x'] = jax.random.normal(ks[0], (N, IN), dtype=jnp.float32)
    inp['edge_index'] = jax.random.randint(ks[1], (2, E), 0, N, dtype=jnp.int32)
    inp['wq_mu'] = jax.random.normal(ks[2], (OUT, IN), dtype=jnp.float32) * 0.1
    inp['wq_lv'] = jax.random.normal(ks[3], (OUT, IN), dtype=jnp.float32) * 0.1 - 5.0
    inp['bq_mu'] = jax.random.normal(ks[4], (OUT,), dtype=jnp.float32) * 0.1
    inp['bq_lv'] = jax.random.normal(ks[5], (OUT,), dtype=jnp.float32) * 0.1 - 5.0
    inp['wk_mu'] = jax.random.normal(ks[6], (OUT, IN), dtype=jnp.float32) * 0.1
    inp['wk_lv'] = jax.random.normal(ks[7], (OUT, IN), dtype=jnp.float32) * 0.1 - 5.0
    inp['bk_mu'] = jax.random.normal(ks[8], (OUT,), dtype=jnp.float32) * 0.1
    inp['bk_lv'] = jax.random.normal(ks[9], (OUT,), dtype=jnp.float32) * 0.1 - 5.0
    inp['wv_mu'] = jax.random.normal(ks[10], (OUT, IN), dtype=jnp.float32) * 0.1
    inp['wv_lv'] = jax.random.normal(ks[11], (OUT, IN), dtype=jnp.float32) * 0.1 - 5.0
    inp['bv_mu'] = jax.random.normal(ks[12], (OUT,), dtype=jnp.float32) * 0.1
    inp['bv_lv'] = jax.random.normal(ks[13], (OUT,), dtype=jnp.float32) * 0.1 - 5.0
    limit = float(np.sqrt(6.0 / (H + 2 * C)))
    inp['att'] = jax.random.uniform(ks[14], (1, H, 2 * C), dtype=jnp.float32, minval=-limit, maxval=limit)
    return inp

def reference(x, edge_index, wq_mu, wq_lv, bq_mu, bq_lv, wk_mu, wk_lv, bk_mu, bk_lv, wv_mu, wv_lv, bv_mu, bv_lv, att):
    skey = jax.random.key(42)
    kq, kk, kv = jax.random.split(skey, 3)
    q = _blin(x, wq_mu, wq_lv, bq_mu, bq_lv, kq).reshape(-1, H, C)
    k = _blin(x, wk_mu, wk_lv, bk_mu, bk_lv, kk).reshape(-1, H, C)
    v = _blin(x, wv_mu, wv_lv, bv_mu, bv_lv, kv).reshape(-1, H, C)
    row = edge_index[0]
    col = edge_index[1]
    alpha = (jnp.concatenate([q[row], k[col]], axis=-1) * att).sum(axis=-1)
    alpha = jax.nn.leaky_relu(alpha, negative_slope=0.2)
    alpha = jax.nn.softmax(alpha, axis=1)
    msg = v[col] * alpha[:, :, None]
    out = jnp.zeros((x.shape[0], H, C), dtype=x.dtype).at[row].add(msg)
    return out.reshape(-1, H * C)

if __name__ == "__main__":
    import jax
    _d = setup_inputs()
    print(jax.jit(kernel)(*tuple(_d.values())))

</pallas_src>

<mosaic_0001>
#map = affine_map<(d0, d1) -> (0)>
#map1 = affine_map<(d0, d1) -> (0, 0)>
#map2 = affine_map<(d0, d1) -> (0, 0, 0)>
module attributes {stable_mosaic.version = 14 : i64} {
  func.func @edge_kernel(%arg0: i32, %arg1: i32, %arg2: memref<320000xi32, #tpu.memory_space<hbm>>, %arg3: memref<320000xi32, #tpu.memory_space<hbm>>, %arg4: memref<10000x128xf32, #tpu.memory_space<hbm>>, %arg5: memref<80000xf32, #tpu.memory_space<hbm>>, %arg6: memref<2x10000x128xf32, #tpu.memory_space<hbm>>, %arg7: memref<80xi32, #tpu.memory_space<vmem>>, %arg8: memref<80xi32, #tpu.memory_space<vmem>>, %arg9: memref<8x80xi32, #tpu.memory_space<vmem>>, %arg10: memref<8x80xf32, #tpu.memory_space<vmem>>, %arg11: memref<80x128xf32, #tpu.memory_space<vmem>>, %arg12: memref<80x128xf32, #tpu.memory_space<vmem>>, %arg13: memref<10000x128xf32, #tpu.memory_space<vmem_shared>>, %arg14: memref<!tpu.dma_semaphore, #tpu.memory_space<semaphore_mem>>, %arg15: memref<!tpu.dma_semaphore, #tpu.memory_space<semaphore_mem>>, %arg16: memref<!tpu.dma_semaphore, #tpu.memory_space<semaphore_mem>>) attributes {dimension_semantics = [#tpu.dimension_semantics<core_parallel>, #tpu.dimension_semantics<subcore_parallel>], iteration_bounds = array<i64: 2, 16>, scalar_prefetch = 0 : i64, scratch_operands = 10 : i64, tpu.core_type = #tpu.core_type<sc_vector_subcore>, window_params = [{transform_indices = #map}, {transform_indices = #map}, {transform_indices = #map1}, {transform_indices = #map}, {transform_indices = #map2}]} {
    %mul3A = arith.constant 16 : i32
    %mul3A_0 = arith.muli %arg0, %mul3A : i32
    %add3A = arith.addi %mul3A_0, %arg1 : i32
    %scan3A = arith.constant 0 : i32
    %scan3A_1 = arith.constant 640 : i32
    %scan3A_2 = arith.addi %scan3A, %scan3A_1 : i32
    %scan3A_3 = arith.constant 1 : i32
    scf.for %scan3A_120 = %scan3A to %scan3A_2 step %scan3A_3  : i32 {
      %jit3A = arith.constant 8 : i32
      %div3A = arith.divsi %scan3A_120, %jit3A : i32
      %sign3A = arith.constant 0 : i32
      %sign3A_121 = arith.cmpi sgt, %scan3A_120, %sign3A : i32
      %sign3A_122 = arith.extui %sign3A_121 : i1 to i32
      %sign3A_123 = arith.constant 0 : i32
      %sign3A_124 = arith.cmpi slt, %scan3A_120, %sign3A_123 : i32
      %sign3A_125 = arith.extui %sign3A_124 : i1 to i32
      %sign3A_126 = arith.subi %sign3A_122, %sign3A_125 : i32
      %sign3A_127 = arith.constant 0 : i32
      %sign3A_128 = arith.cmpi sgt, %jit3A, %sign3A_127 : i32
      %sign3A_129 = arith.extui %sign3A_128 : i1 to i32
      %sign3A_130 = arith.constant 0 : i32
      %sign3A_131 = arith.cmpi slt, %jit3A, %sign3A_130 : i32
      %sign3A_132 = arith.extui %sign3A_131 : i1 to i32
      %sign3A_133 = arith.subi %sign3A_129, %sign3A_132 : i32
      %ne3A = arith.cmpi ne, %sign3A_126, %sign3A_133 : i32
      %rem3A = arith.remsi %scan3A_120, %jit3A : i32
      %ne3A_134 = arith.constant 0 : i32
      %ne3A_135 = arith.cmpi ne, %rem3A, %ne3A_134 : i32
      %and3A = arith.andi %ne3A, %ne3A_135 : i1
      %sub3A = arith.constant 1 : i32
      %sub3A_136 = arith.subi %div3A, %sub3A : i32
      %select_n3A = arith.select %and3A, %sub3A_136, %div3A : i32
      %jit3A_137 = arith.constant 8 : i32
      %eq3A = arith.constant 0 : i32
      %eq3A_138 = arith.cmpi eq, %jit3A_137, %eq3A : i32
      %jit3A_139 = arith.constant 1 : i32
      %select_n3A_140 = arith.select %eq3A_138, %jit3A_139, %jit3A_137 : i32
      %rem3A_141 = arith.remsi %scan3A_120, %select_n3A_140 : i32
      %ne3A_142 = arith.constant 0 : i32
      %ne3A_143 = arith.cmpi ne, %rem3A_141, %ne3A_142 : i32
      %lt3A_144 = arith.constant 0 : i32
      %lt3A_145 = arith.cmpi slt, %rem3A_141, %lt3A_144 : i32
      %lt3A_146 = arith.constant 0 : i32
      %lt3A_147 = arith.cmpi slt, %select_n3A_140, %lt3A_146 : i32
      %ne3A_148 = arith.xori %lt3A_145, %lt3A_147 : i1
      %and3A_149 = arith.andi %ne3A_148, %ne3A_143 : i1
      %add3A_150 = arith.addi %rem3A_141, %select_n3A_140 : i32
      %select_n3A_151 = arith.select %and3A_149, %add3A_150, %rem3A_141 : i32
      %broadcast_in_dim3A = arith.constant 0.000000e+00 : f32
      %broadcast_in_dim3A_152 = vector.broadcast %broadcast_in_dim3A : f32 to vector<16xf32>
      %mul3A_153 = arith.constant 16 : i32
      %mul3A_154 = arith.muli %select_n3A_151, %mul3A_153 : i32
      %swap3A = arith.index_cast %select_n3A : i32 to index
      %swap3A_155 = arith.index_cast %mul3A_154 : i32 to index
      %swap3A_156 = tpu.vector_load %arg12[%swap3A, %swap3A_155] {strides = array<i32>} : memref<80x128xf32, #tpu.memory_space<vmem>>, vector<16xf32>,
      tpu.vector_store %arg12[%swap3A, %swap3A_155], %broadcast_in_dim3A_152 {strides = array<i32>} : memref<80x128xf32, #tpu.memory_space<vmem>>, vector<16xf32>,
    }
    %scan3A_4 = arith.constant 640 : i32
    %add3A_5 = arith.constant 0 : i32
    %add3A_6 = arith.addi %add3A_5, %arg1 : i32
    %lt3A = arith.constant 125 : i32
    %lt3A_7 = arith.cmpi slt, %add3A_6, %lt3A : i32
    %convert_element_type3A = arith.extui %lt3A_7 : i1 to i32
    %cond3A = arith.constant 0 : i32
    %cond3A_8 = arith.cmpi ne, %convert_element_type3A, %cond3A : i32
    scf.if %cond3A_8 {
      %mul3A_120 = arith.constant 80 : i32
      %mul3A_121 = arith.muli %add3A_6, %mul3A_120 : i32
      "tpu.region"() ({
        %run_scoped3A = tpu.sem_alloc : memref<!tpu.dma_semaphore, #tpu.memory_space<semaphore_mem>>
        %dma_start3A = arith.constant 0 : i32
        %dma_start3A_122 = tpu.memref_slice %arg13[%mul3A_121, %dma_start3A] : memref<10000x128xf32, #tpu.memory_space<vmem_shared>> -> memref<80x128xf32, #tpu.memory_space<vmem_shared>>
        %dma_start3A_123 = arith.constant 0 : i32
        %dma_start3A_124 = tpu.memref_slice %arg13[%mul3A_121, %dma_start3A_123] : memref<10000x128xf32, #tpu.memory_space<vmem_shared>> -> memref<80x128xf32, #tpu.memory_space<vmem_shared>>
        tpu.enqueue_dma source(%arg12 : memref<80x128xf32, #tpu.memory_space<vmem>>) target(%dma_start3A_124 : memref<80x128xf32, #tpu.memory_space<vmem_shared>>) target_semaphore(%run_scoped3A : memref<!tpu.dma_semaphore, #tpu.memory_space<semaphore_mem>>)
        %dma_wait3A = arith.constant 0 : i32
        %dma_wait3A_125 = tpu.memref_slice %arg13[%mul3A_121, %dma_wait3A] : memref<10000x128xf32, #tpu.memory_space<vmem_shared>> -> memref<80x128xf32, #tpu.memory_space<vmem_shared>>
        %dma_wait3A_126 = arith.constant 0 : i32
        %dma_wait3A_127 = tpu.memref_slice %arg13[%mul3A_121, %dma_wait3A_126] : memref<10000x128xf32, #tpu.memory_space<vmem_shared>> -> memref<80x128xf32, #tpu.memory_space<vmem_shared>>
        tpu.wait_dma2 semaphore(%run_scoped3A : memref<!tpu.dma_semaphore, #tpu.memory_space<semaphore_mem>>) src(%arg12 : memref<80x128xf32, #tpu.memory_space<vmem>>) dst(%dma_wait3A_127 : memref<80x128xf32, #tpu.memory_space<vmem_shared>>)
        tpu.yield
      }) : () -> ()
    } else {
    }
    %add3A_9 = arith.constant 16 : i32
    %add3A_10 = arith.addi %add3A_9, %arg1 : i32
    %lt3A_11 = arith.constant 125 : i32
    %lt3A_12 = arith.cmpi slt, %add3A_10, %lt3A_11 : i32
    %convert_element_type3A_13 = arith.extui %lt3A_12 : i1 to i32
    %cond3A_14 = arith.constant 0 : i32
    %cond3A_15 = arith.cmpi ne, %convert_element_type3A_13, %cond3A_14 : i32
    scf.if %cond3A_15 {
      %mul3A_120 = arith.constant 80 : i32
      %mul3A_121 = arith.muli %add3A_10, %mul3A_120 : i32
      "tpu.region"() ({
        %run_scoped3A = tpu.sem_alloc : memref<!tpu.dma_semaphore, #tpu.memory_space<semaphore_mem>>
        %dma_start3A = arith.constant 0 : i32
        %dma_start3A_122 = tpu.memref_slice %arg13[%mul3A_121, %dma_start3A] : memref<10000x128xf32, #tpu.memory_space<vmem_shared>> -> memref<80x128xf32, #tpu.memory_space<vmem_shared>>
        %dma_start3A_123 = arith.constant 0 : i32
        %dma_start3A_124 = tpu.memref_slice %arg13[%mul3A_121, %dma_start3A_123] : memref<10000x128xf32, #tpu.memory_space<vmem_shared>> -> memref<80x128xf32, #tpu.memory_space<vmem_shared>>
        tpu.enqueue_dma source(%arg12 : memref<80x128xf32, #tpu.memory_space<vmem>>) target(%dma_start3A_124 : memref<80x128xf32, #tpu.memory_space<vmem_shared>>) target_semaphore(%run_scoped3A : memref<!tpu.dma_semaphore, #tpu.memory_space<semaphore_mem>>)
        %dma_wait3A = arith.constant 0 : i32
        %dma_wait3A_125 = tpu.memref_slice %arg13[%mul3A_121, %dma_wait3A] : memref<10000x128xf32, #tpu.memory_space<vmem_shared>> -> memref<80x128xf32, #tpu.memory_space<vmem_shared>>
        %dma_wait3A_126 = arith.constant 0 : i32
        %dma_wait3A_127 = tpu.memref_slice %arg13[%mul3A_121, %dma_wait3A_126] : memref<10000x128xf32, #tpu.memory_space<vmem_shared>> -> memref<80x128xf32, #tpu.memory_space<vmem_shared>>
        tpu.wait_dma2 semaphore(%run_scoped3A : memref<!tpu.dma_semaphore, #tpu.memory_space<semaphore_mem>>) src(%arg12 : memref<80x128xf32, #tpu.memory_space<vmem>>) dst(%dma_wait3A_127 : memref<80x128xf32, #tpu.memory_space<vmem_shared>>)
        tpu.yield
      }) : () -> ()
    } else {
    }
    %add3A_16 = arith.constant 32 : i32
    %add3A_17 = arith.addi %add3A_16, %arg1 : i32
    %lt3A_18 = arith.constant 125 : i32
    %lt3A_19 = arith.cmpi slt, %add3A_17, %lt3A_18 : i32
    %convert_element_type3A_20 = arith.extui %lt3A_19 : i1 to i32
    %cond3A_21 = arith.constant 0 : i32
    %cond3A_22 = arith.cmpi ne, %convert_element_type3A_20, %cond3A_21 : i32
    scf.if %cond3A_22 {
      %mul3A_120 = arith.constant 80 : i32
      %mul3A_121 = arith.muli %add3A_17, %mul3A_120 : i32
      "tpu.region"() ({
        %run_scoped3A = tpu.sem_alloc : memref<!tpu.dma_semaphore, #tpu.memory_space<semaphore_mem>>
        %dma_start3A = arith.constant 0 : i32
        %dma_start3A_122 = tpu.memref_slice %arg13[%mul3A_121, %dma_start3A] : memref<10000x128xf32, #tpu.memory_space<vmem_shared>> -> memref<80x128xf32, #tpu.memory_space<vmem_shared>>
        %dma_start3A_123 = arith.constant 0 : i32
        %dma_start3A_124 = tpu.memref_slice %arg13[%mul3A_121, %dma_start3A_123] : memref<10000x128xf32, #tpu.memory_space<vmem_shared>> -> memref<80x128xf32, #tpu.memory_space<vmem_shared>>
        tpu.enqueue_dma source(%arg12 : memref<80x128xf32, #tpu.memory_space<vmem>>) target(%dma_start3A_124 : memref<80x128xf32, #tpu.memory_space<vmem_shared>>) target_semaphore(%run_scoped3A : memref<!tpu.dma_semaphore, #tpu.memory_space<semaphore_mem>>)
        %dma_wait3A = arith.constant 0 : i32
        %dma_wait3A_125 = tpu.memref_slice %arg13[%mul3A_121, %dma_wait3A] : memref<10000x128xf32, #tpu.memory_space<vmem_shared>> -> memref<80x128xf32, #tpu.memory_space<vmem_shared>>
        %dma_wait3A_126 = arith.constant 0 : i32
        %dma_wait3A_127 = tpu.memref_slice %arg13[%mul3A_121, %dma_wait3A_126] : memref<10000x128xf32, #tpu.memory_space<vmem_shared>> -> memref<80x128xf32, #tpu.memory_space<vmem_shared>>
        tpu.wait_dma2 semaphore(%run_scoped3A : memref<!tpu.dma_semaphore, #tpu.memory_space<semaphore_mem>>) src(%arg12 : memref<80x128xf32, #tpu.memory_space<vmem>>) dst(%dma_wait3A_127 : memref<80x128xf32, #tpu.memory_space<vmem_shared>>)
        tpu.yield
      }) : () -> ()
    } else {
    }
    %add3A_23 = arith.constant 48 : i32
    %add3A_24 = arith.addi %add3A_23, %arg1 : i32
    %lt3A_25 = arith.constant 125 : i32
    %lt3A_26 = arith.cmpi slt, %add3A_24, %lt3A_25 : i32
    %convert_element_type3A_27 = arith.extui %lt3A_26 : i1 to i32
    %cond3A_28 = arith.constant 0 : i32
    %cond3A_29 = arith.cmpi ne, %convert_element_type3A_27, %cond3A_28 : i32
    scf.if %cond3A_29 {
      %mul3A_120 = arith.constant 80 : i32
      %mul3A_121 = arith.muli %add3A_24, %mul3A_120 : i32
      "tpu.region"() ({
        %run_scoped3A = tpu.sem_alloc : memref<!tpu.dma_semaphore, #tpu.memory_space<semaphore_mem>>
        %dma_start3A = arith.constant 0 : i32
        %dma_start3A_122 = tpu.memref_slice %arg13[%mul3A_121, %dma_start3A] : memref<10000x128xf32, #tpu.memory_space<vmem_shared>> -> memref<80x128xf32, #tpu.memory_space<vmem_shared>>
        %dma_start3A_123 = arith.constant 0 : i32
        %dma_start3A_124 = tpu.memref_slice %arg13[%mul3A_121, %dma_start3A_123] : memref<10000x128xf32, #tpu.memory_space<vmem_shared>> -> memref<80x128xf32, #tpu.memory_space<vmem_shared>>
        tpu.enqueue_dma source(%arg12 : memref<80x128xf32, #tpu.memory_space<vmem>>) target(%dma_start3A_124 : memref<80x128xf32, #tpu.memory_space<vmem_shared>>) target_semaphore(%run_scoped3A : memref<!tpu.dma_semaphore, #tpu.memory_space<semaphore_mem>>)
        %dma_wait3A = arith.constant 0 : i32
        %dma_wait3A_125 = tpu.memref_slice %arg13[%mul3A_121, %dma_wait3A] : memref<10000x128xf32, #tpu.memory_space<vmem_shared>> -> memref<80x128xf32, #tpu.memory_space<vmem_shared>>
        %dma_wait3A_126 = arith.constant 0 : i32
        %dma_wait3A_127 = tpu.memref_slice %arg13[%mul3A_121, %dma_wait3A_126] : memref<10000x128xf32, #tpu.memory_space<vmem_shared>> -> memref<80x128xf32, #tpu.memory_space<vmem_shared>>
        tpu.wait_dma2 semaphore(%run_scoped3A : memref<!tpu.dma_semaphore, #tpu.memory_space<semaphore_mem>>) src(%arg12 : memref<80x128xf32, #tpu.memory_space<vmem>>) dst(%dma_wait3A_127 : memref<80x128xf32, #tpu.memory_space<vmem_shared>>)
        tpu.yield
      }) : () -> ()
    } else {
    }
    %add3A_30 = arith.constant 64 : i32
    %add3A_31 = arith.addi %add3A_30, %arg1 : i32
    %lt3A_32 = arith.constant 125 : i32
    %lt3A_33 = arith.cmpi slt, %add3A_31, %lt3A_32 : i32
    %convert_element_type3A_34 = arith.extui %lt3A_33 : i1 to i32
    %cond3A_35 = arith.constant 0 : i32
    %cond3A_36 = arith.cmpi ne, %convert_element_type3A_34, %cond3A_35 : i32
    scf.if %cond3A_36 {
      %mul3A_120 = arith.constant 80 : i32
      %mul3A_121 = arith.muli %add3A_31, %mul3A_120 : i32
      "tpu.region"() ({
        %run_scoped3A = tpu.sem_alloc : memref<!tpu.dma_semaphore, #tpu.memory_space<semaphore_mem>>
        %dma_start3A = arith.constant 0 : i32
        %dma_start3A_122 = tpu.memref_slice %arg13[%mul3A_121, %dma_start3A] : memref<10000x128xf32, #tpu.memory_space<vmem_shared>> -> memref<80x128xf32, #tpu.memory_space<vmem_shared>>
        %dma_start3A_123 = arith.constant 0 : i32
        %dma_start3A_124 = tpu.memref_slice %arg13[%mul3A_121, %dma_start3A_123] : memref<10000x128xf32, #tpu.memory_space<vmem_shared>> -> memref<80x128xf32, #tpu.memory_space<vmem_shared>>
        tpu.enqueue_dma source(%arg12 : memref<80x128xf32, #tpu.memory_space<vmem>>) target(%dma_start3A_124 : memref<80x128xf32, #tpu.memory_space<vmem_shared>>) target_semaphore(%run_scoped3A : memref<!tpu.dma_semaphore, #tpu.memory_space<semaphore_mem>>)
        %dma_wait3A = arith.constant 0 : i32
        %dma_wait3A_125 = tpu.memref_slice %arg13[%mul3A_121, %dma_wait3A] : memref<10000x128xf32, #tpu.memory_space<vmem_shared>> -> memref<80x128xf32, #tpu.memory_space<vmem_shared>>
        %dma_wait3A_126 = arith.constant 0 : i32
        %dma_wait3A_127 = tpu.memref_slice %arg13[%mul3A_121, %dma_wait3A_126] : memref<10000x128xf32, #tpu.memory_space<vmem_shared>> -> memref<80x128xf32, #tpu.memory_space<vmem_shared>>
        tpu.wait_dma2 semaphore(%run_scoped3A : memref<!tpu.dma_semaphore, #tpu.memory_space<semaphore_mem>>) src(%arg12 : memref<80x128xf32, #tpu.memory_space<vmem>>) dst(%dma_wait3A_127 : memref<80x128xf32, #tpu.memory_space<vmem_shared>>)
        tpu.yield
      }) : () -> ()
    } else {
    }
    %add3A_37 = arith.constant 80 : i32
    %add3A_38 = arith.addi %add3A_37, %arg1 : i32
    %lt3A_39 = arith.constant 125 : i32
    %lt3A_40 = arith.cmpi slt, %add3A_38, %lt3A_39 : i32
    %convert_element_type3A_41 = arith.extui %lt3A_40 : i1 to i32
    %cond3A_42 = arith.constant 0 : i32
    %cond3A_43 = arith.cmpi ne, %convert_element_type3A_41, %cond3A_42 : i32
    scf.if %cond3A_43 {
      %mul3A_120 = arith.constant 80 : i32
      %mul3A_121 = arith.muli %add3A_38, %mul3A_120 : i32
      "tpu.region"() ({
        %run_scoped3A = tpu.sem_alloc : memref<!tpu.dma_semaphore, #tpu.memory_space<semaphore_mem>>
        %dma_start3A = arith.constant 0 : i32
        %dma_start3A_122 = tpu.memref_slice %arg13[%mul3A_121, %dma_start3A] : memref<10000x128xf32, #tpu.memory_space<vmem_shared>> -> memref<80x128xf32, #tpu.memory_space<vmem_shared>>
        %dma_start3A_123 = arith.constant 0 : i32
        %dma_start3A_124 = tpu.memref_slice %arg13[%mul3A_121, %dma_start3A_123] : memref<10000x128xf32, #tpu.memory_space<vmem_shared>> -> memref<80x128xf32, #tpu.memory_space<vmem_shared>>
        tpu.enqueue_dma source(%arg12 : memref<80x128xf32, #tpu.memory_space<vmem>>) target(%dma_start3A_124 : memref<80x128xf32, #tpu.memory_space<vmem_shared>>) target_semaphore(%run_scoped3A : memref<!tpu.dma_semaphore, #tpu.memory_space<semaphore_mem>>)
        %dma_wait3A = arith.constant 0 : i32
        %dma_wait3A_125 = tpu.memref_slice %arg13[%mul3A_121, %dma_wait3A] : memref<10000x128xf32, #tpu.memory_space<vmem_shared>> -> memref<80x128xf32, #tpu.memory_space<vmem_shared>>
        %dma_wait3A_126 = arith.constant 0 : i32
        %dma_wait3A_127 = tpu.memref_slice %arg13[%mul3A_121, %dma_wait3A_126] : memref<10000x128xf32, #tpu.memory_space<vmem_shared>> -> memref<80x128xf32, #tpu.memory_space<vmem_shared>>
        tpu.wait_dma2 semaphore(%run_scoped3A : memref<!tpu.dma_semaphore, #tpu.memory_space<semaphore_mem>>) src(%arg12 : memref<80x128xf32, #tpu.memory_space<vmem>>) dst(%dma_wait3A_127 : memref<80x128xf32, #tpu.memory_space<vmem_shared>>)
        tpu.yield
      }) : () -> ()
    } else {
    }
    %add3A_44 = arith.constant 96 : i32
    %add3A_45 = arith.addi %add3A_44, %arg1 : i32
    %lt3A_46 = arith.constant 125 : i32
    %lt3A_47 = arith.cmpi slt, %add3A_45, %lt3A_46 : i32
    %convert_element_type3A_48 = arith.extui %lt3A_47 : i1 to i32
    %cond3A_49 = arith.constant 0 : i32
    %cond3A_50 = arith.cmpi ne, %convert_element_type3A_48, %cond3A_49 : i32
    scf.if %cond3A_50 {
      %mul3A_120 = arith.constant 80 : i32
      %mul3A_121 = arith.muli %add3A_45, %mul3A_120 : i32
      "tpu.region"() ({
        %run_scoped3A = tpu.sem_alloc : memref<!tpu.dma_semaphore, #tpu.memory_space<semaphore_mem>>
        %dma_start3A = arith.constant 0 : i32
        %dma_start3A_122 = tpu.memref_slice %arg13[%mul3A_121, %dma_start3A] : memref<10000x128xf32, #tpu.memory_space<vmem_shared>> -> memref<80x128xf32, #tpu.memory_space<vmem_shared>>
        %dma_start3A_123 = arith.constant 0 : i32
        %dma_start3A_124 = tpu.memref_slice %arg13[%mul3A_121, %dma_start3A_123] : memref<10000x128xf32, #tpu.memory_space<vmem_shared>> -> memref<80x128xf32, #tpu.memory_space<vmem_shared>>
        tpu.enqueue_dma source(%arg12 : memref<80x128xf32, #tpu.memory_space<vmem>>) target(%dma_start3A_124 : memref<80x128xf32, #tpu.memory_space<vmem_shared>>) target_semaphore(%run_scoped3A : memref<!tpu.dma_semaphore, #tpu.memory_space<semaphore_mem>>)
        %dma_wait3A = arith.constant 0 : i32
        %dma_wait3A_125 = tpu.memref_slice %arg13[%mul3A_121, %dma_wait3A] : memref<10000x128xf32, #tpu.memory_space<vmem_shared>> -> memref<80x128xf32, #tpu.memory_space<vmem_shared>>
        %dma_wait3A_126 = arith.constant 0 : i32
        %dma_wait3A_127 = tpu.memref_slice %arg13[%mul3A_121, %dma_wait3A_126] : memref<10000x128xf32, #tpu.memory_space<vmem_shared>> -> memref<80x128xf32, #tpu.memory_space<vmem_shared>>
        tpu.wait_dma2 semaphore(%run_scoped3A : memref<!tpu.dma_semaphore, #tpu.memory_space<semaphore_mem>>) src(%arg12 : memref<80x128xf32, #tpu.memory_space<vmem>>) dst(%dma_wait3A_127 : memref<80x128xf32, #tpu.memory_space<vmem_shared>>)
        tpu.yield
      }) : () -> ()
    } else {
    }
    %add3A_51 = arith.constant 112 : i32
    %add3A_52 = arith.addi %add3A_51, %arg1 : i32
    %lt3A_53 = arith.constant 125 : i32
    %lt3A_54 = arith.cmpi slt, %add3A_52, %lt3A_53 : i32
    %convert_element_type3A_55 = arith.extui %lt3A_54 : i1 to i32
    %cond3A_56 = arith.constant 0 : i32
    %cond3A_57 = arith.cmpi ne, %convert_element_type3A_55, %cond3A_56 : i32
    scf.if %cond3A_57 {
      %mul3A_120 = arith.constant 80 : i32
      %mul3A_121 = arith.muli %add3A_52, %mul3A_120 : i32
      "tpu.region"() ({
        %run_scoped3A = tpu.sem_alloc : memref<!tpu.dma_semaphore, #tpu.memory_space<semaphore_mem>>
        %dma_start3A = arith.constant 0 : i32
        %dma_start3A_122 = tpu.memref_slice %arg13[%mul3A_121, %dma_start3A] : memref<10000x128xf32, #tpu.memory_space<vmem_shared>> -> memref<80x128xf32, #tpu.memory_space<vmem_shared>>
        %dma_start3A_123 = arith.constant 0 : i32
        %dma_start3A_124 = tpu.memref_slice %arg13[%mul3A_121, %dma_start3A_123] : memref<10000x128xf32, #tpu.memory_space<vmem_shared>> -> memref<80x128xf32, #tpu.memory_space<vmem_shared>>
        tpu.enqueue_dma source(%arg12 : memref<80x128xf32, #tpu.memory_space<vmem>>) target(%dma_start3A_124 : memref<80x128xf32, #tpu.memory_space<vmem_shared>>) target_semaphore(%run_scoped3A : memref<!tpu.dma_semaphore, #tpu.memory_space<semaphore_mem>>)
        %dma_wait3A = arith.constant 0 : i32
        %dma_wait3A_125 = tpu.memref_slice %arg13[%mul3A_121, %dma_wait3A] : memref<10000x128xf32, #tpu.memory_space<vmem_shared>> -> memref<80x128xf32, #tpu.memory_space<vmem_shared>>
        %dma_wait3A_126 = arith.constant 0 : i32
        %dma_wait3A_127 = tpu.memref_slice %arg13[%mul3A_121, %dma_wait3A_126] : memref<10000x128xf32, #tpu.memory_space<vmem_shared>> -> memref<80x128xf32, #tpu.memory_space<vmem_shared>>
        tpu.wait_dma2 semaphore(%run_scoped3A : memref<!tpu.dma_semaphore, #tpu.memory_space<semaphore_mem>>) src(%arg12 : memref<80x128xf32, #tpu.memory_space<vmem>>) dst(%dma_wait3A_127 : memref<80x128xf32, #tpu.memory_space<vmem_shared>>)
        tpu.yield
      }) : () -> ()
    } else {
    }
    %barrier3A = arith.constant 0 : index
    tpu.barrier barrier_id(%barrier3A)
    %scan3A_58 = arith.constant 0 : i32
    %scan3A_59 = arith.constant 125 : i32
    %scan3A_60 = arith.addi %scan3A_58, %scan3A_59 : i32
    %scan3A_61 = arith.constant 1 : i32
    scf.for %scan3A_120 = %scan3A_58 to %scan3A_60 step %scan3A_61  : i32 {
      %mul3A_121 = arith.constant 10000 : i32
      %mul3A_122 = arith.muli %add3A, %mul3A_121 : i32
      %mul3A_123 = arith.constant 80 : i32
      %mul3A_124 = arith.muli %scan3A_120, %mul3A_123 : i32
      %add3A_125 = arith.addi %mul3A_122, %mul3A_124 : i32
      "tpu.region"() ({
        %run_scoped3A = tpu.sem_alloc : memref<!tpu.dma_semaphore, #tpu.memory_space<semaphore_mem>>
        %dma_start3A_1062 = tpu.memref_slice %arg2[%add3A_125] : memref<320000xi32, #tpu.memory_space<hbm>> -> memref<80xi32, #tpu.memory_space<hbm>>
        %dma_start3A_1063 = tpu.memref_slice %arg2[%add3A_125] : memref<320000xi32, #tpu.memory_space<hbm>> -> memref<80xi32, #tpu.memory_space<hbm>>
        tpu.enqueue_dma source(%dma_start3A_1063 : memref<80xi32, #tpu.memory_space<hbm>>) target(%arg7 : memref<80xi32, #tpu.memory_space<vmem>>) target_semaphore(%run_scoped3A : memref<!tpu.dma_semaphore, #tpu.memory_space<semaphore_mem>>)
        %dma_wait3A_1064 = tpu.memref_slice %arg2[%add3A_125] : memref<320000xi32, #tpu.memory_space<hbm>> -> memref<80xi32, #tpu.memory_space<hbm>>
        %dma_wait3A_1065 = tpu.memref_slice %arg2[%add3A_125] : memref<320000xi32, #tpu.memory_space<hbm>> -> memref<80xi32, #tpu.memory_space<hbm>>
        tpu.wait_dma2 semaphore(%run_scoped3A : memref<!tpu.dma_semaphore, #tpu.memory_space<semaphore_mem>>) src(%dma_wait3A_1065 : memref<80xi32, #tpu.memory_space<hbm>>) dst(%arg7 : memref<80xi32, #tpu.memory_space<vmem>>)
        tpu.yield
      }) : () -> ()
      "tpu.region"() ({
        %run_scoped3A = tpu.sem_alloc : memref<!tpu.dma_semaphore, #tpu.memory_space<semaphore_mem>>
        %dma_start3A_1062 = tpu.memref_slice %arg3[%add3A_125] : memref<320000xi32, #tpu.memory_space<hbm>> -> memref<80xi32, #tpu.memory_space<hbm>>
        %dma_start3A_1063 = tpu.memref_slice %arg3[%add3A_125] : memref<320000xi32, #tpu.memory_space<hbm>> -> memref<80xi32, #tpu.memory_space<hbm>>
        tpu.enqueue_dma source(%dma_start3A_1063 : memref<80xi32, #tpu.memory_space<hbm>>) target(%arg8 : memref<80xi32, #tpu.memory_space<vmem>>) target_semaphore(%run_scoped3A : memref<!tpu.dma_semaphore, #tpu.memory_space<semaphore_mem>>)
        %dma_wait3A_1064 = tpu.memref_slice %arg3[%add3A_125] : memref<320000xi32, #tpu.memory_space<hbm>> -> memref<80xi32, #tpu.memory_space<hbm>>
        %dma_wait3A_1065 = tpu.memref_slice %arg3[%add3A_125] : memref<320000xi32, #tpu.memory_space<hbm>> -> memref<80xi32, #tpu.memory_space<hbm>>
        tpu.wait_dma2 semaphore(%run_scoped3A : memref<!tpu.dma_semaphore, #tpu.memory_space<semaphore_mem>>) src(%dma_wait3A_1065 : memref<80xi32, #tpu.memory_space<hbm>>) dst(%arg8 : memref<80xi32, #tpu.memory_space<vmem>>)
        tpu.yield
      }) : () -> ()
      %dma_start3A = arith.constant 0 : i32
      %dma_start3A_126 = arith.constant 0 : i32
      %dma_start3A_127 = tpu.memref_slice %arg4[%dma_start3A, %dma_start3A_126] : memref<10000x128xf32, #tpu.memory_space<hbm>> -> memref<10000x128xf32, #tpu.memory_space<hbm>>
      tpu.enqueue_indirect_dma source(%dma_start3A_127 : memref<10000x128xf32, #tpu.memory_space<hbm>>) target(%arg11 : memref<80x128xf32, #tpu.memory_space<vmem>>) offsets(%arg8 : memref<80xi32, #tpu.memory_space<vmem>>) semaphore(%arg16 : memref<!tpu.dma_semaphore, #tpu.memory_space<semaphore_mem>>)
      %get3A = arith.constant 0 : index
      %get3A_128 = tpu.vector_load %arg7[%get3A] {strides = array<i32>} : memref<80xi32, #tpu.memory_space<vmem>>, vector<16xi32>,
      %mul3A_129 = arith.constant 8 : i32
      %mul3A_130 = vector.broadcast %mul3A_129 : i32 to vector<16xi32>
      %mul3A_131 = arith.muli %get3A_128, %mul3A_130 : vector<16xi32>
      %get3A_132 = arith.constant 0 : index
      %get3A_133 = tpu.vector_load %arg8[%get3A_132] {strides = array<i32>} : memref<80xi32, #tpu.memory_space<vmem>>, vector<16xi32>,
      %mul3A_134 = arith.constant 8 : i32
      %mul3A_135 = vector.broadcast %mul3A_134 : i32 to vector<16xi32>
      %mul3A_136 = arith.muli %get3A_133, %mul3A_135 : vector<16xi32>
      %add3A_137 = arith.constant 0 : i32
      %add3A_138 = vector.broadcast %add3A_137 : i32 to vector<16xi32>
      %add3A_139 = arith.addi %mul3A_131, %add3A_138 : vector<16xi32>
      %swap3A = arith.constant 0 : i32
      %swap3A_140 = arith.index_cast %swap3A : i32 to index
      %swap3A_141 = arith.constant 0 : index
      %swap3A_142 = tpu.vector_load %arg9[%swap3A_140, %swap3A_141] {strides = array<i32>} : memref<8x80xi32, #tpu.memory_space<vmem>>, vector<16xi32>,
      tpu.vector_store %arg9[%swap3A_140, %swap3A_141], %add3A_139 {strides = array<i32>} : memref<8x80xi32, #tpu.memory_space<vmem>>, vector<16xi32>,
      %add3A_143 = arith.constant 4 : i32
      %add3A_144 = vector.broadcast %add3A_143 : i32 to vector<16xi32>
      %add3A_145 = arith.addi %mul3A_136, %add3A_144 : vector<16xi32>
      %swap3A_146 = arith.constant 4 : i32
      %swap3A_147 = arith.index_cast %swap3A_146 : i32 to index
      %swap3A_148 = arith.constant 0 : index
      %swap3A_149 = tpu.vector_load %arg9[%swap3A_147, %swap3A_148] {strides = array<i32>} : memref<8x80xi32, #tpu.memory_space<vmem>>, vector<16xi32>,
      tpu.vector_store %arg9[%swap3A_147, %swap3A_148], %add3A_145 {strides = array<i32>} : memref<8x80xi32, #tpu.memory_space<vmem>>, vector<16xi32>,
      %add3A_150 = arith.constant 1 : i32
      %add3A_151 = vector.broadcast %add3A_150 : i32 to vector<16xi32>
      %add3A_152 = arith.addi %mul3A_131, %add3A_151 : vector<16xi32>
      %swap3A_153 = arith.constant 1 : i32
      %swap3A_154 = arith.index_cast %swap3A_153 : i32 to index
      %swap3A_155 = arith.constant 0 : index
      %swap3A_156 = tpu.vector_load %arg9[%swap3A_154, %swap3A_155] {strides = array<i32>} : memref<8x80xi32, #tpu.memory_space<vmem>>, vector<16xi32>,
      tpu.vector_store %arg9[%swap3A_154, %swap3A_155], %add3A_152 {strides = array<i32>} : memref<8x80xi32, #tpu.memory_space<vmem>>, vector<16xi32>,
      %add3A_157 = arith.constant 5 : i32
      %add3A_158 = vector.broadcast %add3A_157 : i32 to vector<16xi32>
      %add3A_159 = arith.addi %mul3A_136, %add3A_158 : vector<16xi32>
      %swap3A_160 = arith.constant 5 : i32
      %swap3A_161 = arith.index_cast %swap3A_160 : i32 to index
      %swap3A_162 = arith.constant 0 : index
      %swap3A_163 = tpu.vector_load %arg9[%swap3A_161, %swap3A_162] {strides = array<i32>} : memref<8x80xi32, #tpu.memory_space<vmem>>, vector<16xi32>,
      tpu.vector_store %arg9[%swap3A_161, %swap3A_162], %add3A_159 {strides = array<i32>} : memref<8x80xi32, #tpu.memory_space<vmem>>, vector<16xi32>,
      %add3A_164 = arith.constant 2 : i32
      %add3A_165 = vector.broadcast %add3A_164 : i32 to vector<16xi32>
      %add3A_166 = arith.addi %mul3A_131, %add3A_165 : vector<16xi32>
      %swap3A_167 = arith.constant 2 : i32
      %swap3A_168 = arith.index_cast %swap3A_167 : i32 to index
      %swap3A_169 = arith.constant 0 : index
      %swap3A_170 = tpu.vector_load %arg9[%swap3A_168, %swap3A_169] {strides = array<i32>} : memref<8x80xi32, #tpu.memory_space<vmem>>, vector<16xi32>,
      tpu.vector_store %arg9[%swap3A_168, %swap3A_169], %add3A_166 {strides = array<i32>} : memref<8x80xi32, #tpu.memory_space<vmem>>, vector<16xi32>,
      %add3A_171 = arith.constant 6 : i32
      %add3A_172 = vector.broadcast %add3A_171 : i32 to vector<16xi32>
      %add3A_173 = arith.addi %mul3A_136, %add3A_172 : vector<16xi32>
      %swap3A_174 = arith.constant 6 : i32
      %swap3A_175 = arith.index_cast %swap3A_174 : i32 to index
      %swap3A_176 = arith.constant 0 : index
      %swap3A_177 = tpu.vector_load %arg9[%swap3A_175, %swap3A_176] {strides = array<i32>} : memref<8x80xi32, #tpu.memory_space<vmem>>, vector<16xi32>,
      tpu.vector_store %arg9[%swap3A_175, %swap3A_176], %add3A_173 {strides = array<i32>} : memref<8x80xi32, #tpu.memory_space<vmem>>, vector<16xi32>,
      %add3A_178 = arith.constant 3 : i32
      %add3A_179 = vector.broadcast %add3A_178 : i32 to vector<16xi32>
      %add3A_180 = arith.addi %mul3A_131, %add3A_179 : vector<16xi32>
      %swap3A_181 = arith.constant 3 : i32
      %swap3A_182 = arith.index_cast %swap3A_181 : i32 to index
      %swap3A_183 = arith.constant 0 : index
      %swap3A_184 = tpu.vector_load %arg9[%swap3A_182, %swap3A_183] {strides = array<i32>} : memref<8x80xi32, #tpu.memory_space<vmem>>, vector<16xi32>,
      tpu.vector_store %arg9[%swap3A_182, %swap3A_183], %add3A_180 {strides = array<i32>} : memref<8x80xi32, #tpu.memory_space<vmem>>, vector<16xi32>,
      %add3A_185 = arith.constant 7 : i32
      %add3A_186 = vector.broadcast %add3A_185 : i32 to vector<16xi32>
      %add3A_187 = arith.addi %mul3A_136, %add3A_186 : vector<16xi32>
      %swap3A_188 = arith.constant 7 : i32
      %swap3A_189 = arith.index_cast %swap3A_188 : i32 to index
      %swap3A_190 = arith.constant 0 : index
      %swap3A_191 = tpu.vector_load %arg9[%swap3A_189, %swap3A_190] {strides = array<i32>} : memref<8x80xi32, #tpu.memory_space<vmem>>, vector<16xi32>,
      tpu.vector_store %arg9[%swap3A_189, %swap3A_190], %add3A_187 {strides = array<i32>} : memref<8x80xi32, #tpu.memory_space<vmem>>, vector<16xi32>,
      %get3A_192 = arith.constant 16 : index
      %get3A_193 = tpu.vector_load %arg7[%get3A_192] {strides = array<i32>} : memref<80xi32, #tpu.memory_space<vmem>>, vector<16xi32>,
      %mul3A_194 = arith.constant 8 : i32
      %mul3A_195 = vector.broadcast %mul3A_194 : i32 to vector<16xi32>
      %mul3A_196 = arith.muli %get3A_193, %mul3A_195 : vector<16xi32>
      %get3A_197 = arith.constant 16 : index
      %get3A_198 = tpu.vector_load %arg8[%get3A_197] {strides = array<i32>} : memref<80xi32, #tpu.memory_space<vmem>>, vector<16xi32>,
      %mul3A_199 = arith.constant 8 : i32
      %mul3A_200 = vector.broadcast %mul3A_199 : i32 to vector<16xi32>
      %mul3A_201 = arith.muli %get3A_198, %mul3A_200 : vector<16xi32>
      %add3A_202 = arith.constant 0 : i32
      %add3A_203 = vector.broadcast %add3A_202 : i32 to vector<16xi32>
      %add3A_204 = arith.addi %mul3A_196, %add3A_203 : vector<16xi32>
      %swap3A_205 = arith.constant 0 : i32
      %swap3A_206 = arith.index_cast %swap3A_205 : i32 to index
      %swap3A_207 = arith.constant 16 : index
      %swap3A_208 = tpu.vector_load %arg9[%swap3A_206, %swap3A_207] {strides = array<i32>} : memref<8x80xi32, #tpu.memory_space<vmem>>, vector<16xi32>,
      tpu.vector_store %arg9[%swap3A_206, %swap3A_207], %add3A_204 {strides = array<i32>} : memref<8x80xi32, #tpu.memory_space<vmem>>, vector<16xi32>,
      %add3A_209 = arith.constant 4 : i32
      %add3A_210 = vector.broadcast %add3A_209 : i32 to vector<16xi32>
      %add3A_211 = arith.addi %mul3A_201, %add3A_210 : vector<16xi32>
      %swap3A_212 = arith.constant 4 : i32
      %swap3A_213 = arith.index_cast %swap3A_212 : i32 to index
      %swap3A_214 = arith.constant 16 : index
      %swap3A_215 = tpu.vector_load %arg9[%swap3A_213, %swap3A_214] {strides = array<i32>} : memref<8x80xi32, #tpu.memory_space<vmem>>, vector<16xi32>,
      tpu.vector_store %arg9[%swap3A_213, %swap3A_214], %add3A_211 {strides = array<i32>} : memref<8x80xi32, #tpu.memory_space<vmem>>, vector<16xi32>,
      %add3A_216 = arith.constant 1 : i32
      %add3A_217 = vector.broadcast %add3A_216 : i32 to vector<16xi32>
      %add3A_218 = arith.addi %mul3A_196, %add3A_217 : vector<16xi32>
      %swap3A_219 = arith.constant 1 : i32
      %swap3A_220 = arith.index_cast %swap3A_219 : i32 to index
      %swap3A_221 = arith.constant 16 : index
      %swap3A_222 = tpu.vector_load %arg9[%swap3A_220, %swap3A_221] {strides = array<i32>} : memref<8x80xi32, #tpu.memory_space<vmem>>, vector<16xi32>,
      tpu.vector_store %arg9[%swap3A_220, %swap3A_221], %add3A_218 {strides = array<i32>} : memref<8x80xi32, #tpu.memory_space<vmem>>, vector<16xi32>,
      %add3A_223 = arith.constant 5 : i32
      %add3A_224 = vector.broadcast %add3A_223 : i32 to vector<16xi32>
      %add3A_225 = arith.addi %mul3A_201, %add3A_224 : vector<16xi32>
      %swap3A_226 = arith.constant 5 : i32
      %swap3A_227 = arith.index_cast %swap3A_226 : i32 to index
      %swap3A_228 = arith.constant 16 : index
      %swap3A_229 = tpu.vector_load %arg9[%swap3A_227, %swap3A_228] {strides = array<i32>} : memref<8x80xi32, #tpu.memory_space<vmem>>, vector<16xi32>,
      tpu.vector_store %arg9[%swap3A_227, %swap3A_228], %add3A_225 {strides = array<i32>} : memref<8x80xi32, #tpu.memory_space<vmem>>, vector<16xi32>,
      %add3A_230 = arith.constant 2 : i32
      %add3A_231 = vector.broadcast %add3A_230 : i32 to vector<16xi32>
      %add3A_232 = arith.addi %mul3A_196, %add3A_231 : vector<16xi32>
      %swap3A_233 = arith.constant 2 : i32
      %swap3A_234 = arith.index_cast %swap3A_233 : i32 to index
      %swap3A_235 = arith.constant 16 : index
      %swap3A_236 = tpu.vector_load %arg9[%swap3A_234, %swap3A_235] {strides = array<i32>} : memref<8x80xi32, #tpu.memory_space<vmem>>, vector<16xi32>,
      tpu.vector_store %arg9[%swap3A_234, %swap3A_235], %add3A_232 {strides = array<i32>} : memref<8x80xi32, #tpu.memory_space<vmem>>, vector<16xi32>,
      %add3A_237 = arith.constant 6 : i32
      %add3A_238 = vector.broadcast %add3A_237 : i32 to vector<16xi32>
      %add3A_239 = arith.addi %mul3A_201, %add3A_238 : vector<16xi32>
      %swap3A_240 = arith.constant 6 : i32
      %swap3A_241 = arith.index_cast %swap3A_240 : i32 to index
      %swap3A_242 = arith.constant 16 : index
      %swap3A_243 = tpu.vector_load %arg9[%swap3A_241, %swap3A_242] {strides = array<i32>} : memref<8x80xi32, #tpu.memory_space<vmem>>, vector<16xi32>,
      tpu.vector_store %arg9[%swap3A_241, %swap3A_242], %add3A_239 {strides = array<i32>} : memref<8x80xi32, #tpu.memory_space<vmem>>, vector<16xi32>,
      %add3A_244 = arith.constant 3 : i32
      %add3A_245 = vector.broadcast %add3A_244 : i32 to vector<16xi32>
      %add3A_246 = arith.addi %mul3A_196, %add3A_245 : vector<16xi32>
      %swap3A_247 = arith.constant 3 : i32
      %swap3A_248 = arith.index_cast %swap3A_247 : i32 to index
      %swap3A_249 = arith.constant 16 : index
      %swap3A_250 = tpu.vector_load %arg9[%swap3A_248, %swap3A_249] {strides = array<i32>} : memref<8x80xi32, #tpu.memory_space<vmem>>, vector<16xi32>,
      tpu.vector_store %arg9[%swap3A_248, %swap3A_249], %add3A_246 {strides = array<i32>} : memref<8x80xi32, #tpu.memory_space<vmem>>, vector<16xi32>,
      %add3A_251 = arith.constant 7 : i32
      %add3A_252 = vector.broadcast %add3A_251 : i32 to vector<16xi32>
      %add3A_253 = arith.addi %mul3A_201, %add3A_252 : vector<16xi32>
      %swap3A_254 = arith.constant 7 : i32
      %swap3A_255 = arith.index_cast %swap3A_254 : i32 to index
      %swap3A_256 = arith.constant 16 : index
      %swap3A_257 = tpu.vector_load %arg9[%swap3A_255, %swap3A_256] {strides = array<i32>} : memref<8x80xi32, #tpu.memory_space<vmem>>, vector<16xi32>,
      tpu.vector_store %arg9[%swap3A_255, %swap3A_256], %add3A_253 {strides = array<i32>} : memref<8x80xi32, #tpu.memory_space<vmem>>, vector<16xi32>,
      %get3A_258 = arith.constant 32 : index
      %get3A_259 = tpu.vector_load %arg7[%get3A_258] {strides = array<i32>} : memref<80xi32, #tpu.memory_space<vmem>>, vector<16xi32>,
      %mul3A_260 = arith.constant 8 : i32
      %mul3A_261 = vector.broadcast %mul3A_260 : i32 to vector<16xi32>
      %mul3A_262 = arith.muli %get3A_259, %mul3A_261 : vector<16xi32>
      %get3A_263 = arith.constant 32 : index
      %get3A_264 = tpu.vector_load %arg8[%get3A_263] {strides = array<i32>} : memref<80xi32, #tpu.memory_space<vmem>>, vector<16xi32>,
      %mul3A_265 = arith.constant 8 : i32
      %mul3A_266 = vector.broadcast %mul3A_265 : i32 to vector<16xi32>
      %mul3A_267 = arith.muli %get3A_264, %mul3A_266 : vector<16xi32>
      %add3A_268 = arith.constant 0 : i32
      %add3A_269 = vector.broadcast %add3A_268 : i32 to vector<16xi32>
      %add3A_270 = arith.addi %mul3A_262, %add3A_269 : vector<16xi32>
      %swap3A_271 = arith.constant 0 : i32
      %swap3A_272 = arith.index_cast %swap3A_271 : i32 to index
      %swap3A_273 = arith.constant 32 : index
      %swap3A_274 = tpu.vector_load %arg9[%swap3A_272, %swap3A_273] {strides = array<i32>} : memref<8x80xi32, #tpu.memory_space<vmem>>, vector<16xi32>,
      tpu.vector_store %arg9[%swap3A_272, %swap3A_273], %add3A_270 {strides = array<i32>} : memref<8x80xi32, #tpu.memory_space<vmem>>, vector<16xi32>,
      %add3A_275 = arith.constant 4 : i32
      %add3A_276 = vector.broadcast %add3A_275 : i32 to vector<16xi32>
      %add3A_277 = arith.addi %mul3A_267, %add3A_276 : vector<16xi32>
      %swap3A_278 = arith.constant 4 : i32
      %swap3A_279 = arith.index_cast %swap3A_278 : i32 to index
      %swap3A_280 = arith.constant 32 : index
      %swap3A_281 = tpu.vector_load %arg9[%swap3A_279, %swap3A_280] {strides = array<i32>} : memref<8x80xi32, #tpu.memory_space<vmem>>, vector<16xi32>,
      tpu.vector_store %arg9[%swap3A_279, %swap3A_280], %add3A_277 {strides = array<i32>} : memref<8x80xi32, #tpu.memory_space<vmem>>, vector<16xi32>,
      %add3A_282 = arith.constant 1 : i32
      %add3A_283 = vector.broadcast %add3A_282 : i32 to vector<16xi32>
      %add3A_284 = arith.addi %mul3A_262, %add3A_283 : vector<16xi32>
      %swap3A_285 = arith.constant 1 : i32
      %swap3A_286 = arith.index_cast %swap3A_285 : i32 to index
      %swap3A_287 = arith.constant 32 : index
      %swap3A_288 = tpu.vector_load %arg9[%swap3A_286, %swap3A_287] {strides = array<i32>} : memref<8x80xi32, #tpu.memory_space<vmem>>, vector<16xi32>,
      tpu.vector_store %arg9[%swap3A_286, %swap3A_287], %add3A_284 {strides = array<i32>} : memref<8x80xi32, #tpu.memory_space<vmem>>, vector<16xi32>,
      %add3A_289 = arith.constant 5 : i32
      %add3A_290 = vector.broadcast %add3A_289 : i32 to vector<16xi32>
      %add3A_291 = arith.addi %mul3A_267, %add3A_290 : vector<16xi32>
      %swap3A_292 = arith.constant 5 : i32
      %swap3A_293 = arith.index_cast %swap3A_292 : i32 to index
      %swap3A_294 = arith.constant 32 : index
      %swap3A_295 = tpu.vector_load %arg9[%swap3A_293, %swap3A_294] {strides = array<i32>} : memref<8x80xi32, #tpu.memory_space<vmem>>, vector<16xi32>,
      tpu.vector_store %arg9[%swap3A_293, %swap3A_294], %add3A_291 {strides = array<i32>} : memref<8x80xi32, #tpu.memory_space<vmem>>, vector<16xi32>,
      %add3A_296 = arith.constant 2 : i32
      %add3A_297 = vector.broadcast %add3A_296 : i32 to vector<16xi32>
      %add3A_298 = arith.addi %mul3A_262, %add3A_297 : vector<16xi32>
      %swap3A_299 = arith.constant 2 : i32
      %swap3A_300 = arith.index_cast %swap3A_299 : i32 to index
      %swap3A_301 = arith.constant 32 : index
      %swap3A_302 = tpu.vector_load %arg9[%swap3A_300, %swap3A_301] {strides = array<i32>} : memref<8x80xi32, #tpu.memory_space<vmem>>, vector<16xi32>,
      tpu.vector_store %arg9[%swap3A_300, %swap3A_301], %add3A_298 {strides = array<i32>} : memref<8x80xi32, #tpu.memory_space<vmem>>, vector<16xi32>,
      %add3A_303 = arith.constant 6 : i32
      %add3A_304 = vector.broadcast %add3A_303 : i32 to vector<16xi32>
      %add3A_305 = arith.addi %mul3A_267, %add3A_304 : vector<16xi32>
      %swap3A_306 = arith.constant 6 : i32
      %swap3A_307 = arith.index_cast %swap3A_306 : i32 to index
      %swap3A_308 = arith.constant 32 : index
      %swap3A_309 = tpu.vector_load %arg9[%swap3A_307, %swap3A_308] {strides = array<i32>} : memref<8x80xi32, #tpu.memory_space<vmem>>, vector<16xi32>,
      tpu.vector_store %arg9[%swap3A_307, %swap3A_308], %add3A_305 {strides = array<i32>} : memref<8x80xi32, #tpu.memory_space<vmem>>, vector<16xi32>,
      %add3A_310 = arith.constant 3 : i32
      %add3A_311 = vector.broadcast %add3A_310 : i32 to vector<16xi32>
      %add3A_312 = arith.addi %mul3A_262, %add3A_311 : vector<16xi32>
      %swap3A_313 = arith.constant 3 : i32
      %swap3A_314 = arith.index_cast %swap3A_313 : i32 to index
      %swap3A_315 = arith.constant 32 : index
      %swap3A_316 = tpu.vector_load %arg9[%swap3A_314, %swap3A_315] {strides = array<i32>} : memref<8x80xi32, #tpu.memory_space<vmem>>, vector<16xi32>,
      tpu.vector_store %arg9[%swap3A_314, %swap3A_315], %add3A_312 {strides = array<i32>} : memref<8x80xi32, #tpu.memory_space<vmem>>, vector<16xi32>,
      %add3A_317 = arith.constant 7 : i32
      %add3A_318 = vector.broadcast %add3A_317 : i32 to vector<16xi32>
      %add3A_319 = arith.addi %mul3A_267, %add3A_318 : vector<16xi32>
      %swap3A_320 = arith.constant 7 : i32
      %swap3A_321 = arith.index_cast %swap3A_320 : i32 to index
      %swap3A_322 = arith.constant 32 : index
      %swap3A_323 = tpu.vector_load %arg9[%swap3A_321, %swap3A_322] {strides = array<i32>} : memref<8x80xi32, #tpu.memory_space<vmem>>, vector<16xi32>,
      tpu.vector_store %arg9[%swap3A_321, %swap3A_322], %add3A_319 {strides = array<i32>} : memref<8x80xi32, #tpu.memory_space<vmem>>, vector<16xi32>,
      %get3A_324 = arith.constant 48 : index
      %get3A_325 = tpu.vector_load %arg7[%get3A_324] {strides = array<i32>} : memref<80xi32, #tpu.memory_space<vmem>>, vector<16xi32>,
      %mul3A_326 = arith.constant 8 : i32
      %mul3A_327 = vector.broadcast %mul3A_326 : i32 to vector<16xi32>
      %mul3A_328 = arith.muli %get3A_325, %mul3A_327 : vector<16xi32>
      %get3A_329 = arith.constant 48 : index
      %get3A_330 = tpu.vector_load %arg8[%get3A_329] {strides = array<i32>} : memref<80xi32, #tpu.memory_space<vmem>>, vector<16xi32>,
      %mul3A_331 = arith.constant 8 : i32
      %mul3A_332 = vector.broadcast %mul3A_331 : i32 to vector<16xi32>
      %mul3A_333 = arith.muli %get3A_330, %mul3A_332 : vector<16xi32>
      %add3A_334 = arith.constant 0 : i32
      %add3A_335 = vector.broadcast %add3A_334 : i32 to vector<16xi32>
      %add3A_336 = arith.addi %mul3A_328, %add3A_335 : vector<16xi32>
      %swap3A_337 = arith.constant 0 : i32
      %swap3A_338 = arith.index_cast %swap3A_337 : i32 to index
      %swap3A_339 = arith.constant 48 : index
      %swap3A_340 = tpu.vector_load %arg9[%swap3A_338, %swap3A_339] {strides = array<i32>} : memref<8x80xi32, #tpu.memory_space<vmem>>, vector<16xi32>,
      tpu.vector_store %arg9[%swap3A_338, %swap3A_339], %add3A_336 {strides = array<i32>} : memref<8x80xi32, #tpu.memory_space<vmem>>, vector<16xi32>,
      %add3A_341 = arith.constant 4 : i32
      %add3A_342 = vector.broadcast %add3A_341 : i32 to vector<16xi32>
      %add3A_343 = arith.addi %mul3A_333, %add3A_342 : vector<16xi32>
      %swap3A_344 = arith.constant 4 : i32
      %swap3A_345 = arith.index_cast %swap3A_344 : i32 to index
      %swap3A_346 = arith.constant 48 : index
      %swap3A_347 = tpu.vector_load %arg9[%swap3A_345, %swap3A_346] {strides = array<i32>} : memref<8x80xi32, #tpu.memory_space<vmem>>, vector<16xi32>,
      tpu.vector_store %arg9[%swap3A_345, %swap3A_346], %add3A_343 {strides = array<i32>} : memref<8x80xi32, #tpu.memory_space<vmem>>, vector<16xi32>,
      %add3A_348 = arith.constant 1 : i32
      %add3A_349 = vector.broadcast %add3A_348 : i32 to vector<16xi32>
      %add3A_350 = arith.addi %mul3A_328, %add3A_349 : vector<16xi32>
      %swap3A_351 = arith.constant 1 : i32
      %swap3A_352 = arith.index_cast %swap3A_351 : i32 to index
      %swap3A_353 = arith.constant 48 : index
      %swap3A_354 = tpu.vector_load %arg9[%swap3A_352, %swap3A_353] {strides = array<i32>} : memref<8x80xi32, #tpu.memory_space<vmem>>, vector<16xi32>,
      tpu.vector_store %arg9[%swap3A_352, %swap3A_353], %add3A_350 {strides = array<i32>} : memref<8x80xi32, #tpu.memory_space<vmem>>, vector<16xi32>,
      %add3A_355 = arith.constant 5 : i32
      %add3A_356 = vector.broadcast %add3A_355 : i32 to vector<16xi32>
      %add3A_357 = arith.addi %mul3A_333, %add3A_356 : vector<16xi32>
      %swap3A_358 = arith.constant 5 : i32
      %swap3A_359 = arith.index_cast %swap3A_358 : i32 to index
      %swap3A_360 = arith.constant 48 : index
      %swap3A_361 = tpu.vector_load %arg9[%swap3A_359, %swap3A_360] {strides = array<i32>} : memref<8x80xi32, #tpu.memory_space<vmem>>, vector<16xi32>,
      tpu.vector_store %arg9[%swap3A_359, %swap3A_360], %add3A_357 {strides = array<i32>} : memref<8x80xi32, #tpu.memory_space<vmem>>, vector<16xi32>,
      %add3A_362 = arith.constant 2 : i32
      %add3A_363 = vector.broadcast %add3A_362 : i32 to vector<16xi32>
      %add3A_364 = arith.addi %mul3A_328, %add3A_363 : vector<16xi32>
      %swap3A_365 = arith.constant 2 : i32
      %swap3A_366 = arith.index_cast %swap3A_365 : i32 to index
      %swap3A_367 = arith.constant 48 : index
      %swap3A_368 = tpu.vector_load %arg9[%swap3A_366, %swap3A_367] {strides = array<i32>} : memref<8x80xi32, #tpu.memory_space<vmem>>, vector<16xi32>,
      tpu.vector_store %arg9[%swap3A_366, %swap3A_367], %add3A_364 {strides = array<i32>} : memref<8x80xi32, #tpu.memory_space<vmem>>, vector<16xi32>,
      %add3A_369 = arith.constant 6 : i32
      %add3A_370 = vector.broadcast %add3A_369 : i32 to vector<16xi32>
      %add3A_371 = arith.addi %mul3A_333, %add3A_370 : vector<16xi32>
      %swap3A_372 = arith.constant 6 : i32
      %swap3A_373 = arith.index_cast %swap3A_372 : i32 to index
      %swap3A_374 = arith.constant 48 : index
      %swap3A_375 = tpu.vector_load %arg9[%swap3A_373, %swap3A_374] {strides = array<i32>} : memref<8x80xi32, #tpu.memory_space<vmem>>, vector<16xi32>,
      tpu.vector_store %arg9[%swap3A_373, %swap3A_374], %add3A_371 {strides = array<i32>} : memref<8x80xi32, #tpu.memory_space<vmem>>, vector<16xi32>,
      %add3A_376 = arith.constant 3 : i32
      %add3A_377 = vector.broadcast %add3A_376 : i32 to vector<16xi32>
      %add3A_378 = arith.addi %mul3A_328, %add3A_377 : vector<16xi32>
      %swap3A_379 = arith.constant 3 : i32
      %swap3A_380 = arith.index_cast %swap3A_379 : i32 to index
      %swap3A_381 = arith.constant 48 : index
      %swap3A_382 = tpu.vector_load %arg9[%swap3A_380, %swap3A_381] {strides = array<i32>} : memref<8x80xi32, #tpu.memory_space<vmem>>, vector<16xi32>,
      tpu.vector_store %arg9[%swap3A_380, %swap3A_381], %add3A_378 {strides = array<i32>} : memref<8x80xi32, #tpu.memory_space<vmem>>, vector<16xi32>,
      %add3A_383 = arith.constant 7 : i32
      %add3A_384 = vector.broadcast %add3A_383 : i32 to vector<16xi32>
      %add3A_385 = arith.addi %mul3A_333, %add3A_384 : vector<16xi32>
      %swap3A_386 = arith.constant 7 : i32
      %swap3A_387 = arith.index_cast %swap3A_386 : i32 to index
      %swap3A_388 = arith.constant 48 : index
      %swap3A_389 = tpu.vector_load %arg9[%swap3A_387, %swap3A_388] {strides = array<i32>} : memref<8x80xi32, #tpu.memory_space<vmem>>, vector<16xi32>,
      tpu.vector_store %arg9[%swap3A_387, %swap3A_388], %add3A_385 {strides = array<i32>} : memref<8x80xi32, #tpu.memory_space<vmem>>, vector<16xi32>,
      %get3A_390 = arith.constant 64 : index
      %get3A_391 = tpu.vector_load %arg7[%get3A_390] {strides = array<i32>} : memref<80xi32, #tpu.memory_space<vmem>>, vector<16xi32>,
      %mul3A_392 = arith.constant 8 : i32
      %mul3A_393 = vector.broadcast %mul3A_392 : i32 to vector<16xi32>
      %mul3A_394 = arith.muli %get3A_391, %mul3A_393 : vector<16xi32>
      %get3A_395 = arith.constant 64 : index
      %get3A_396 = tpu.vector_load %arg8[%get3A_395] {strides = array<i32>} : memref<80xi32, #tpu.memory_space<vmem>>, vector<16xi32>,
      %mul3A_397 = arith.constant 8 : i32
      %mul3A_398 = vector.broadcast %mul3A_397 : i32 to vector<16xi32>
      %mul3A_399 = arith.muli %get3A_396, %mul3A_398 : vector<16xi32>
      %add3A_400 = arith.constant 0 : i32
      %add3A_401 = vector.broadcast %add3A_400 : i32 to vector<16xi32>
      %add3A_402 = arith.addi %mul3A_394, %add3A_401 : vector<16xi32>
      %swap3A_403 = arith.constant 0 : i32
      %swap3A_404 = arith.index_cast %swap3A_403 : i32 to index
      %swap3A_405 = arith.constant 64 : index
      %swap3A_406 = tpu.vector_load %arg9[%swap3A_404, %swap3A_405] {strides = array<i32>} : memref<8x80xi32, #tpu.memory_space<vmem>>, vector<16xi32>,
      tpu.vector_store %arg9[%swap3A_404, %swap3A_405], %add3A_402 {strides = array<i32>} : memref<8x80xi32, #tpu.memory_space<vmem>>, vector<16xi32>,
      %add3A_407 = arith.constant 4 : i32
      %add3A_408 = vector.broadcast %add3A_407 : i32 to vector<16xi32>
      %add3A_409 = arith.addi %mul3A_399, %add3A_408 : vector<16xi32>
      %swap3A_410 = arith.constant 4 : i32
      %swap3A_411 = arith.index_cast %swap3A_410 : i32 to index
      %swap3A_412 = arith.constant 64 : index
      %swap3A_413 = tpu.vector_load %arg9[%swap3A_411, %swap3A_412] {strides = array<i32>} : memref<8x80xi32, #tpu.memory_space<vmem>>, vector<16xi32>,
      tpu.vector_store %arg9[%swap3A_411, %swap3A_412], %add3A_409 {strides = array<i32>} : memref<8x80xi32, #tpu.memory_space<vmem>>, vector<16xi32>,
      %add3A_414 = arith.constant 1 : i32
      %add3A_415 = vector.broadcast %add3A_414 : i32 to vector<16xi32>
      %add3A_416 = arith.addi %mul3A_394, %add3A_415 : vector<16xi32>
      %swap3A_417 = arith.constant 1 : i32
      %swap3A_418 = arith.index_cast %swap3A_417 : i32 to index
      %swap3A_419 = arith.constant 64 : index
      %swap3A_420 = tpu.vector_load %arg9[%swap3A_418, %swap3A_419] {strides = array<i32>} : memref<8x80xi32, #tpu.memory_space<vmem>>, vector<16xi32>,
      tpu.vector_store %arg9[%swap3A_418, %swap3A_419], %add3A_416 {strides = array<i32>} : memref<8x80xi32, #tpu.memory_space<vmem>>, vector<16xi32>,
      %add3A_421 = arith.constant 5 : i32
      %add3A_422 = vector.broadcast %add3A_421 : i32 to vector<16xi32>
      %add3A_423 = arith.addi %mul3A_399, %add3A_422 : vector<16xi32>
      %swap3A_424 = arith.constant 5 : i32
      %swap3A_425 = arith.index_cast %swap3A_424 : i32 to index
      %swap3A_426 = arith.constant 64 : index
      %swap3A_427 = tpu.vector_load %arg9[%swap3A_425, %swap3A_426] {strides = array<i32>} : memref<8x80xi32, #tpu.memory_space<vmem>>, vector<16xi32>,
      tpu.vector_store %arg9[%swap3A_425, %swap3A_426], %add3A_423 {strides = array<i32>} : memref<8x80xi32, #tpu.memory_space<vmem>>, vector<16xi32>,
      %add3A_428 = arith.constant 2 : i32
      %add3A_429 = vector.broadcast %add3A_428 : i32 to vector<16xi32>
      %add3A_430 = arith.addi %mul3A_394, %add3A_429 : vector<16xi32>
      %swap3A_431 = arith.constant 2 : i32
      %swap3A_432 = arith.index_cast %swap3A_431 : i32 to index
      %swap3A_433 = arith.constant 64 : index
      %swap3A_434 = tpu.vector_load %arg9[%swap3A_432, %swap3A_433] {strides = array<i32>} : memref<8x80xi32, #tpu.memory_space<vmem>>, vector<16xi32>,
      tpu.vector_store %arg9[%swap3A_432, %swap3A_433], %add3A_430 {strides = array<i32>} : memref<8x80xi32, #tpu.memory_space<vmem>>, vector<16xi32>,
      %add3A_435 = arith.constant 6 : i32
      %add3A_436 = vector.broadcast %add3A_435 : i32 to vector<16xi32>
      %add3A_437 = arith.addi %mul3A_399, %add3A_436 : vector<16xi32>
      %swap3A_438 = arith.constant 6 : i32
      %swap3A_439 = arith.index_cast %swap3A_438 : i32 to index
      %swap3A_440 = arith.constant 64 : index
      %swap3A_441 = tpu.vector_load %arg9[%swap3A_439, %swap3A_440] {strides = array<i32>} : memref<8x80xi32, #tpu.memory_space<vmem>>, vector<16xi32>,
      tpu.vector_store %arg9[%swap3A_439, %swap3A_440], %add3A_437 {strides = array<i32>} : memref<8x80xi32, #tpu.memory_space<vmem>>, vector<16xi32>,
      %add3A_442 = arith.constant 3 : i32
      %add3A_443 = vector.broadcast %add3A_442 : i32 to vector<16xi32>
      %add3A_444 = arith.addi %mul3A_394, %add3A_443 : vector<16xi32>
      %swap3A_445 = arith.constant 3 : i32
      %swap3A_446 = arith.index_cast %swap3A_445 : i32 to index
      %swap3A_447 = arith.constant 64 : index
      %swap3A_448 = tpu.vector_load %arg9[%swap3A_446, %swap3A_447] {strides = array<i32>} : memref<8x80xi32, #tpu.memory_space<vmem>>, vector<16xi32>,
      tpu.vector_store %arg9[%swap3A_446, %swap3A_447], %add3A_444 {strides = array<i32>} : memref<8x80xi32, #tpu.memory_space<vmem>>, vector<16xi32>,
      %add3A_449 = arith.constant 7 : i32
      %add3A_450 = vector.broadcast %add3A_449 : i32 to vector<16xi32>
      %add3A_451 = arith.addi %mul3A_399, %add3A_450 : vector<16xi32>
      %swap3A_452 = arith.constant 7 : i32
      %swap3A_453 = arith.index_cast %swap3A_452 : i32 to index
      %swap3A_454 = arith.constant 64 : index
      %swap3A_455 = tpu.vector_load %arg9[%swap3A_453, %swap3A_454] {strides = array<i32>} : memref<8x80xi32, #tpu.memory_space<vmem>>, vector<16xi32>,
      tpu.vector_store %arg9[%swap3A_453, %swap3A_454], %add3A_451 {strides = array<i32>} : memref<8x80xi32, #tpu.memory_space<vmem>>, vector<16xi32>,
      %dma_start3A_456 = arith.constant 0 : i32
      %dma_start3A_457 = arith.constant 0 : i32
      %dma_start3A_458 = arith.constant 0 : i32
      %dma_start3A_459 = tpu.memref_slice %arg10[%dma_start3A_457, %dma_start3A_458] : memref<8x80xf32, #tpu.memory_space<vmem>> -> memref<1x80xf32, #tpu.memory_space<vmem>>
      %dma_start3A_460 = tpu.memref_squeeze %dma_start3A_459 : memref<1x80xf32, #tpu.memory_space<vmem>> -> memref<80xf32, #tpu.memory_space<vmem>>
      %dma_start3A_461 = arith.constant 0 : i32
      %dma_start3A_462 = tpu.memref_slice %arg9[%dma_start3A_456, %dma_start3A_461] : memref<8x80xi32, #tpu.memory_space<vmem>> -> memref<1x80xi32, #tpu.memory_space<vmem>>
      %dma_start3A_463 = tpu.memref_squeeze %dma_start3A_462 : memref<1x80xi32, #tpu.memory_space<vmem>> -> memref<80xi32, #tpu.memory_space<vmem>>
      %dma_start3A_464 = arith.constant 0 : i32
      %dma_start3A_465 = tpu.memref_slice %arg5[%dma_start3A_464] : memref<80000xf32, #tpu.memory_space<hbm>> -> memref<80000xf32, #tpu.memory_space<hbm>>
      tpu.enqueue_indirect_dma source(%dma_start3A_465 : memref<80000xf32, #tpu.memory_space<hbm>>) target(%dma_start3A_460 : memref<80xf32, #tpu.memory_space<vmem>>) offsets(%dma_start3A_463 : memref<80xi32, #tpu.memory_space<vmem>>) semaphore(%arg14 : memref<!tpu.dma_semaphore, #tpu.memory_space<semaphore_mem>>)
      %dma_start3A_466 = arith.constant 1 : i32
      %dma_start3A_467 = arith.constant 1 : i32
      %dma_start3A_468 = arith.constant 0 : i32
      %dma_start3A_469 = tpu.memref_slice %arg10[%dma_start3A_467, %dma_start3A_468] : memref<8x80xf32, #tpu.memory_space<vmem>> -> memref<1x80xf32, #tpu.memory_space<vmem>>
      %dma_start3A_470 = tpu.memref_squeeze %dma_start3A_469 : memref<1x80xf32, #tpu.memory_space<vmem>> -> memref<80xf32, #tpu.memory_space<vmem>>
      %dma_start3A_471 = arith.constant 0 : i32
      %dma_start3A_472 = tpu.memref_slice %arg9[%dma_start3A_466, %dma_start3A_471] : memref<8x80xi32, #tpu.memory_space<vmem>> -> memref<1x80xi32, #tpu.memory_space<vmem>>
      %dma_start3A_473 = tpu.memref_squeeze %dma_start3A_472 : memref<1x80xi32, #tpu.memory_space<vmem>> -> memref<80xi32, #tpu.memory_space<vmem>>
      %dma_start3A_474 = arith.constant 0 : i32
      %dma_start3A_475 = tpu.memref_slice %arg5[%dma_start3A_474] : memref<80000xf32, #tpu.memory_space<hbm>> -> memref<80000xf32, #tpu.memory_space<hbm>>
      tpu.enqueue_indirect_dma source(%dma_start3A_475 : memref<80000xf32, #tpu.memory_space<hbm>>) target(%dma_start3A_470 : memref<80xf32, #tpu.memory_space<vmem>>) offsets(%dma_start3A_473 : memref<80xi32, #tpu.memory_space<vmem>>) semaphore(%arg14 : memref<!tpu.dma_semaphore, #tpu.memory_space<semaphore_mem>>)
      %dma_start3A_476 = arith.constant 2 : i32
      %dma_start3A_477 = arith.constant 2 : i32
      %dma_start3A_478 = arith.constant 0 : i32
      %dma_start3A_479 = tpu.memref_slice %arg10[%dma_start3A_477, %dma_start3A_478] : memref<8x80xf32, #tpu.memory_space<vmem>> -> memref<1x80xf32, #tpu.memory_space<vmem>>
      %dma_start3A_480 = tpu.memref_squeeze %dma_start3A_479 : memref<1x80xf32, #tpu.memory_space<vmem>> -> memref<80xf32, #tpu.memory_space<vmem>>
      %dma_start3A_481 = arith.constant 0 : i32
      %dma_start3A_482 = tpu.memref_slice %arg9[%dma_start3A_476, %dma_start3A_481] : memref<8x80xi32, #tpu.memory_space<vmem>> -> memref<1x80xi32, #tpu.memory_space<vmem>>
      %dma_start3A_483 = tpu.memref_squeeze %dma_start3A_482 : memref<1x80xi32, #tpu.memory_space<vmem>> -> memref<80xi32, #tpu.memory_space<vmem>>
      %dma_start3A_484 = arith.constant 0 : i32
      %dma_start3A_485 = tpu.memref_slice %arg5[%dma_start3A_484] : memref<80000xf32, #tpu.memory_space<hbm>> -> memref<80000xf32, #tpu.memory_space<hbm>>
      tpu.enqueue_indirect_dma source(%dma_start3A_485 : memref<80000xf32, #tpu.memory_space<hbm>>) target(%dma_start3A_480 : memref<80xf32, #tpu.memory_space<vmem>>) offsets(%dma_start3A_483 : memref<80xi32, #tpu.memory_space<vmem>>) semaphore(%arg14 : memref<!tpu.dma_semaphore, #tpu.memory_space<semaphore_mem>>)
      %dma_start3A_486 = arith.constant 3 : i32
      %dma_start3A_487 = arith.constant 3 : i32
      %dma_start3A_488 = arith.constant 0 : i32
      %dma_start3A_489 = tpu.memref_slice %arg10[%dma_start3A_487, %dma_start3A_488] : memref<8x80xf32, #tpu.memory_space<vmem>> -> memref<1x80xf32, #tpu.memory_space<vmem>>
      %dma_start3A_490 = tpu.memref_squeeze %dma_start3A_489 : memref<1x80xf32, #tpu.memory_space<vmem>> -> memref<80xf32, #tpu.memory_space<vmem>>
      %dma_start3A_491 = arith.constant 0 : i32
      %dma_start3A_492 = tpu.memref_slice %arg9[%dma_start3A_486, %dma_start3A_491] : memref<8x80xi32, #tpu.memory_space<vmem>> -> memref<1x80xi32, #tpu.memory_space<vmem>>
      %dma_start3A_493 = tpu.memref_squeeze %dma_start3A_492 : memref<1x80xi32, #tpu.memory_space<vmem>> -> memref<80xi32, #tpu.memory_space<vmem>>
      %dma_start3A_494 = arith.constant 0 : i32
      %dma_start3A_495 = tpu.memref_slice %arg5[%dma_start3A_494] : memref<80000xf32, #tpu.memory_space<hbm>> -> memref<80000xf32, #tpu.memory_space<hbm>>
      tpu.enqueue_indirect_dma source(%dma_start3A_495 : memref<80000xf32, #tpu.memory_space<hbm>>) target(%dma_start3A_490 : memref<80xf32, #tpu.memory_space<vmem>>) offsets(%dma_start3A_493 : memref<80xi32, #tpu.memory_space<vmem>>) semaphore(%arg14 : memref<!tpu.dma_semaphore, #tpu.memory_space<semaphore_mem>>)
      %dma_start3A_496 = arith.constant 4 : i32
      %dma_start3A_497 = arith.constant 4 : i32
      %dma_start3A_498 = arith.constant 0 : i32
      %dma_start3A_499 = tpu.memref_slice %arg10[%dma_start3A_497, %dma_start3A_498] : memref<8x80xf32, #tpu.memory_space<vmem>> -> memref<1x80xf32, #tpu.memory_space<vmem>>
      %dma_start3A_500 = tpu.memref_squeeze %dma_start3A_499 : memref<1x80xf32, #tpu.memory_space<vmem>> -> memref<80xf32, #tpu.memory_space<vmem>>
      %dma_start3A_501 = arith.constant 0 : i32
      %dma_start3A_502 = tpu.memref_slice %arg9[%dma_start3A_496, %dma_start3A_501] : memref<8x80xi32, #tpu.memory_space<vmem>> -> memref<1x80xi32, #tpu.memory_space<vmem>>
      %dma_start3A_503 = tpu.memref_squeeze %dma_start3A_502 : memref<1x80xi32, #tpu.memory_space<vmem>> -> memref<80xi32, #tpu.memory_space<vmem>>
      %dma_start3A_504 = arith.constant 0 : i32
      %dma_start3A_505 = tpu.memref_slice %arg5[%dma_start3A_504] : memref<80000xf32, #tpu.memory_space<hbm>> -> memref<80000xf32, #tpu.memory_space<hbm>>
      tpu.enqueue_indirect_dma source(%dma_start3A_505 : memref<80000xf32, #tpu.memory_space<hbm>>) target(%dma_start3A_500 : memref<80xf32, #tpu.memory_space<vmem>>) offsets(%dma_start3A_503 : memref<80xi32, #tpu.memory_space<vmem>>) semaphore(%arg14 : memref<!tpu.dma_semaphore, #tpu.memory_space<semaphore_mem>>)
      %dma_start3A_506 = arith.constant 5 : i32
      %dma_start3A_507 = arith.constant 5 : i32
      %dma_start3A_508 = arith.constant 0 : i32
      %dma_start3A_509 = tpu.memref_slice %arg10[%dma_start3A_507, %dma_start3A_508] : memref<8x80xf32, #tpu.memory_space<vmem>> -> memref<1x80xf32, #tpu.memory_space<vmem>>
      %dma_start3A_510 = tpu.memref_squeeze %dma_start3A_509 : memref<1x80xf32, #tpu.memory_space<vmem>> -> memref<80xf32, #tpu.memory_space<vmem>>
      %dma_start3A_511 = arith.constant 0 : i32
      %dma_start3A_512 = tpu.memref_slice %arg9[%dma_start3A_506, %dma_start3A_511] : memref<8x80xi32, #tpu.memory_space<vmem>> -> memref<1x80xi32, #tpu.memory_space<vmem>>
      %dma_start3A_513 = tpu.memref_squeeze %dma_start3A_512 : memref<1x80xi32, #tpu.memory_space<vmem>> -> memref<80xi32, #tpu.memory_space<vmem>>
      %dma_start3A_514 = arith.constant 0 : i32
      %dma_start3A_515 = tpu.memref_slice %arg5[%dma_start3A_514] : memref<80000xf32, #tpu.memory_space<hbm>> -> memref<80000xf32, #tpu.memory_space<hbm>>
      tpu.enqueue_indirect_dma source(%dma_start3A_515 : memref<80000xf32, #tpu.memory_space<hbm>>) target(%dma_start3A_510 : memref<80xf32, #tpu.memory_space<vmem>>) offsets(%dma_start3A_513 : memref<80xi32, #tpu.memory_space<vmem>>) semaphore(%arg14 : memref<!tpu.dma_semaphore, #tpu.memory_space<semaphore_mem>>)
      %dma_start3A_516 = arith.constant 6 : i32
      %dma_start3A_517 = arith.constant 6 : i32
      %dma_start3A_518 = arith.constant 0 : i32
      %dma_start3A_519 = tpu.memref_slice %arg10[%dma_start3A_517, %dma_start3A_518] : memref<8x80xf32, #tpu.memory_space<vmem>> -> memref<1x80xf32, #tpu.memory_space<vmem>>
      %dma_start3A_520 = tpu.memref_squeeze %dma_start3A_519 : memref<1x80xf32, #tpu.memory_space<vmem>> -> memref<80xf32, #tpu.memory_space<vmem>>
      %dma_start3A_521 = arith.constant 0 : i32
      %dma_start3A_522 = tpu.memref_slice %arg9[%dma_start3A_516, %dma_start3A_521] : memref<8x80xi32, #tpu.memory_space<vmem>> -> memref<1x80xi32, #tpu.memory_space<vmem>>
      %dma_start3A_523 = tpu.memref_squeeze %dma_start3A_522 : memref<1x80xi32, #tpu.memory_space<vmem>> -> memref<80xi32, #tpu.memory_space<vmem>>
      %dma_start3A_524 = arith.constant 0 : i32
      %dma_start3A_525 = tpu.memref_slice %arg5[%dma_start3A_524] : memref<80000xf32, #tpu.memory_space<hbm>> -> memref<80000xf32, #tpu.memory_space<hbm>>
      tpu.enqueue_indirect_dma source(%dma_start3A_525 : memref<80000xf32, #tpu.memory_space<hbm>>) target(%dma_start3A_520 : memref<80xf32, #tpu.memory_space<vmem>>) offsets(%dma_start3A_523 : memref<80xi32, #tpu.memory_space<vmem>>) semaphore(%arg14 : memref<!tpu.dma_semaphore, #tpu.memory_space<semaphore_mem>>)
      %dma_start3A_526 = arith.constant 7 : i32
      %dma_start3A_527 = arith.constant 7 : i32
      %dma_start3A_528 = arith.constant 0 : i32
      %dma_start3A_529 = tpu.memref_slice %arg10[%dma_start3A_527, %dma_start3A_528] : memref<8x80xf32, #tpu.memory_space<vmem>> -> memref<1x80xf32, #tpu.memory_space<vmem>>
      %dma_start3A_530 = tpu.memref_squeeze %dma_start3A_529 : memref<1x80xf32, #tpu.memory_space<vmem>> -> memref<80xf32, #tpu.memory_space<vmem>>
      %dma_start3A_531 = arith.constant 0 : i32
      %dma_start3A_532 = tpu.memref_slice %arg9[%dma_start3A_526, %dma_start3A_531] : memref<8x80xi32, #tpu.memory_space<vmem>> -> memref<1x80xi32, #tpu.memory_space<vmem>>
      %dma_start3A_533 = tpu.memref_squeeze %dma_start3A_532 : memref<1x80xi32, #tpu.memory_space<vmem>> -> memref<80xi32, #tpu.memory_space<vmem>>
      %dma_start3A_534 = arith.constant 0 : i32
      %dma_start3A_535 = tpu.memref_slice %arg5[%dma_start3A_534] : memref<80000xf32, #tpu.memory_space<hbm>> -> memref<80000xf32, #tpu.memory_space<hbm>>
      tpu.enqueue_indirect_dma source(%dma_start3A_535 : memref<80000xf32, #tpu.memory_space<hbm>>) target(%dma_start3A_530 : memref<80xf32, #tpu.memory_space<vmem>>) offsets(%dma_start3A_533 : memref<80xi32, #tpu.memory_space<vmem>>) semaphore(%arg14 : memref<!tpu.dma_semaphore, #tpu.memory_space<semaphore_mem>>)
      %dma_wait3A = arith.constant 0 : i32
      %dma_wait3A_536 = arith.constant 0 : i32
      %dma_wait3A_537 = arith.constant 0 : i32
      %dma_wait3A_538 = tpu.memref_slice %arg10[%dma_wait3A_536, %dma_wait3A_537] : memref<8x80xf32, #tpu.memory_space<vmem>> -> memref<1x80xf32, #tpu.memory_space<vmem>>
      %dma_wait3A_539 = tpu.memref_squeeze %dma_wait3A_538 : memref<1x80xf32, #tpu.memory_space<vmem>> -> memref<80xf32, #tpu.memory_space<vmem>>
      %dma_wait3A_540 = arith.constant 0 : i32
      %dma_wait3A_541 = tpu.memref_slice %arg9[%dma_wait3A, %dma_wait3A_540] : memref<8x80xi32, #tpu.memory_space<vmem>> -> memref<1x80xi32, #tpu.memory_space<vmem>>
      %dma_wait3A_542 = tpu.memref_squeeze %dma_wait3A_541 : memref<1x80xi32, #tpu.memory_space<vmem>> -> memref<80xi32, #tpu.memory_space<vmem>>
      %dma_wait3A_543 = arith.constant 0 : i32
      %dma_wait3A_544 = tpu.memref_slice %arg5[%dma_wait3A_543] : memref<80000xf32, #tpu.memory_space<hbm>> -> memref<80000xf32, #tpu.memory_space<hbm>>
      tpu.wait_indirect_dma semaphore(%arg14 : memref<!tpu.dma_semaphore, #tpu.memory_space<semaphore_mem>>) src(%dma_wait3A_544 : memref<80000xf32, #tpu.memory_space<hbm>>) dst(%dma_wait3A_539 : memref<80xf32, #tpu.memory_space<vmem>>)
      %dma_wait3A_545 = arith.constant 1 : i32
      %dma_wait3A_546 = arith.constant 1 : i32
      %dma_wait3A_547 = arith.constant 0 : i32
      %dma_wait3A_548 = tpu.memref_slice %arg10[%dma_wait3A_546, %dma_wait3A_547] : memref<8x80xf32, #tpu.memory_space<vmem>> -> memref<1x80xf32, #tpu.memory_space<vmem>>
      %dma_wait3A_549 = tpu.memref_squeeze %dma_wait3A_548 : memref<1x80xf32, #tpu.memory_space<vmem>> -> memref<80xf32, #tpu.memory_space<vmem>>
      %dma_wait3A_550 = arith.constant 0 : i32
      %dma_wait3A_551 = tpu.memref_slice %arg9[%dma_wait3A_545, %dma_wait3A_550] : memref<8x80xi32, #tpu.memory_space<vmem>> -> memref<1x80xi32, #tpu.memory_space<vmem>>
      %dma_wait3A_552 = tpu.memref_squeeze %dma_wait3A_551 : memref<1x80xi32, #tpu.memory_space<vmem>> -> memref<80xi32, #tpu.memory_space<vmem>>
      %dma_wait3A_553 = arith.constant 0 : i32
      %dma_wait3A_554 = tpu.memref_slice %arg5[%dma_wait3A_553] : memref<80000xf32, #tpu.memory_space<hbm>> -> memref<80000xf32, #tpu.memory_space<hbm>>
      tpu.wait_indirect_dma semaphore(%arg14 : memref<!tpu.dma_semaphore, #tpu.memory_space<semaphore_mem>>) src(%dma_wait3A_554 : memref<80000xf32, #tpu.memory_space<hbm>>) dst(%dma_wait3A_549 : memref<80xf32, #tpu.memory_space<vmem>>)
      %dma_wait3A_555 = arith.constant 2 : i32
      %dma_wait3A_556 = arith.constant 2 : i32
      %dma_wait3A_557 = arith.constant 0 : i32
      %dma_wait3A_558 = tpu.memref_slice %arg10[%dma_wait3A_556, %dma_wait3A_557] : memref<8x80xf32, #tpu.memory_space<vmem>> -> memref<1x80xf32, #tpu.memory_space<vmem>>
      %dma_wait3A_559 = tpu.memref_squeeze %dma_wait3A_558 : memref<1x80xf32, #tpu.memory_space<vmem>> -> memref<80xf32, #tpu.memory_space<vmem>>
      %dma_wait3A_560 = arith.constant 0 : i32
      %dma_wait3A_561 = tpu.memref_slice %arg9[%dma_wait3A_555, %dma_wait3A_560] : memref<8x80xi32, #tpu.memory_space<vmem>> -> memref<1x80xi32, #tpu.memory_space<vmem>>
      %dma_wait3A_562 = tpu.memref_squeeze %dma_wait3A_561 : memref<1x80xi32, #tpu.memory_space<vmem>> -> memref<80xi32, #tpu.memory_space<vmem>>
      %dma_wait3A_563 = arith.constant 0 : i32
      %dma_wait3A_564 = tpu.memref_slice %arg5[%dma_wait3A_563] : memref<80000xf32, #tpu.memory_space<hbm>> -> memref<80000xf32, #tpu.memory_space<hbm>>
      tpu.wait_indirect_dma semaphore(%arg14 : memref<!tpu.dma_semaphore, #tpu.memory_space<semaphore_mem>>) src(%dma_wait3A_564 : memref<80000xf32, #tpu.memory_space<hbm>>) dst(%dma_wait3A_559 : memref<80xf32, #tpu.memory_space<vmem>>)
      %dma_wait3A_565 = arith.constant 3 : i32
      %dma_wait3A_566 = arith.constant 3 : i32
      %dma_wait3A_567 = arith.constant 0 : i32
      %dma_wait3A_568 = tpu.memref_slice %arg10[%dma_wait3A_566, %dma_wait3A_567] : memref<8x80xf32, #tpu.memory_space<vmem>> -> memref<1x80xf32, #tpu.memory_space<vmem>>
      %dma_wait3A_569 = tpu.memref_squeeze %dma_wait3A_568 : memref<1x80xf32, #tpu.memory_space<vmem>> -> memref<80xf32, #tpu.memory_space<vmem>>
      %dma_wait3A_570 = arith.constant 0 : i32
      %dma_wait3A_571 = tpu.memref_slice %arg9[%dma_wait3A_565, %dma_wait3A_570] : memref<8x80xi32, #tpu.memory_space<vmem>> -> memref<1x80xi32, #tpu.memory_space<vmem>>
      %dma_wait3A_572 = tpu.memref_squeeze %dma_wait3A_571 : memref<1x80xi32, #tpu.memory_space<vmem>> -> memref<80xi32, #tpu.memory_space<vmem>>
      %dma_wait3A_573 = arith.constant 0 : i32
      %dma_wait3A_574 = tpu.memref_slice %arg5[%dma_wait3A_573] : memref<80000xf32, #tpu.memory_space<hbm>> -> memref<80000xf32, #tpu.memory_space<hbm>>
      tpu.wait_indirect_dma semaphore(%arg14 : memref<!tpu.dma_semaphore, #tpu.memory_space<semaphore_mem>>) src(%dma_wait3A_574 : memref<80000xf32, #tpu.memory_space<hbm>>) dst(%dma_wait3A_569 : memref<80xf32, #tpu.memory_space<vmem>>)
      %dma_wait3A_575 = arith.constant 4 : i32
      %dma_wait3A_576 = arith.constant 4 : i32
      %dma_wait3A_577 = arith.constant 0 : i32
      %dma_wait3A_578 = tpu.memref_slice %arg10[%dma_wait3A_576, %dma_wait3A_577] : memref<8x80xf32, #tpu.memory_space<vmem>> -> memref<1x80xf32, #tpu.memory_space<vmem>>
      %dma_wait3A_579 = tpu.memref_squeeze %dma_wait3A_578 : memref<1x80xf32, #tpu.memory_space<vmem>> -> memref<80xf32, #tpu.memory_space<vmem>>
      %dma_wait3A_580 = arith.constant 0 : i32
      %dma_wait3A_581 = tpu.memref_slice %arg9[%dma_wait3A_575, %dma_wait3A_580] : memref<8x80xi32, #tpu.memory_space<vmem>> -> memref<1x80xi32, #tpu.memory_space<vmem>>
      %dma_wait3A_582 = tpu.memref_squeeze %dma_wait3A_581 : memref<1x80xi32, #tpu.memory_space<vmem>> -> memref<80xi32, #tpu.memory_space<vmem>>
      %dma_wait3A_583 = arith.constant 0 : i32
      %dma_wait3A_584 = tpu.memref_slice %arg5[%dma_wait3A_583] : memref<80000xf32, #tpu.memory_space<hbm>> -> memref<80000xf32, #tpu.memory_space<hbm>>
      tpu.wait_indirect_dma semaphore(%arg14 : memref<!tpu.dma_semaphore, #tpu.memory_space<semaphore_mem>>) src(%dma_wait3A_584 : memref<80000xf32, #tpu.memory_space<hbm>>) dst(%dma_wait3A_579 : memref<80xf32, #tpu.memory_space<vmem>>)
      %dma_wait3A_585 = arith.constant 5 : i32
      %dma_wait3A_586 = arith.constant 5 : i32
      %dma_wait3A_587 = arith.constant 0 : i32
      %dma_wait3A_588 = tpu.memref_slice %arg10[%dma_wait3A_586, %dma_wait3A_587] : memref<8x80xf32, #tpu.memory_space<vmem>> -> memref<1x80xf32, #tpu.memory_space<vmem>>
      %dma_wait3A_589 = tpu.memref_squeeze %dma_wait3A_588 : memref<1x80xf32, #tpu.memory_space<vmem>> -> memref<80xf32, #tpu.memory_space<vmem>>
      %dma_wait3A_590 = arith.constant 0 : i32
      %dma_wait3A_591 = tpu.memref_slice %arg9[%dma_wait3A_585, %dma_wait3A_590] : memref<8x80xi32, #tpu.memory_space<vmem>> -> memref<1x80xi32, #tpu.memory_space<vmem>>
      %dma_wait3A_592 = tpu.memref_squeeze %dma_wait3A_591 : memref<1x80xi32, #tpu.memory_space<vmem>> -> memref<80xi32, #tpu.memory_space<vmem>>
      %dma_wait3A_593 = arith.constant 0 : i32
      %dma_wait3A_594 = tpu.memref_slice %arg5[%dma_wait3A_593] : memref<80000xf32, #tpu.memory_space<hbm>> -> memref<80000xf32, #tpu.memory_space<hbm>>
      tpu.wait_indirect_dma semaphore(%arg14 : memref<!tpu.dma_semaphore, #tpu.memory_space<semaphore_mem>>) src(%dma_wait3A_594 : memref<80000xf32, #tpu.memory_space<hbm>>) dst(%dma_wait3A_589 : memref<80xf32, #tpu.memory_space<vmem>>)
      %dma_wait3A_595 = arith.constant 6 : i32
      %dma_wait3A_596 = arith.constant 6 : i32
      %dma_wait3A_597 = arith.constant 0 : i32
      %dma_wait3A_598 = tpu.memref_slice %arg10[%dma_wait3A_596, %dma_wait3A_597] : memref<8x80xf32, #tpu.memory_space<vmem>> -> memref<1x80xf32, #tpu.memory_space<vmem>>
      %dma_wait3A_599 = tpu.memref_squeeze %dma_wait3A_598 : memref<1x80xf32, #tpu.memory_space<vmem>> -> memref<80xf32, #tpu.memory_space<vmem>>
      %dma_wait3A_600 = arith.constant 0 : i32
      %dma_wait3A_601 = tpu.memref_slice %arg9[%dma_wait3A_595, %dma_wait3A_600] : memref<8x80xi32, #tpu.memory_space<vmem>> -> memref<1x80xi32, #tpu.memory_space<vmem>>
      %dma_wait3A_602 = tpu.memref_squeeze %dma_wait3A_601 : memref<1x80xi32, #tpu.memory_space<vmem>> -> memref<80xi32, #tpu.memory_space<vmem>>
      %dma_wait3A_603 = arith.constant 0 : i32
      %dma_wait3A_604 = tpu.memref_slice %arg5[%dma_wait3A_603] : memref<80000xf32, #tpu.memory_space<hbm>> -> memref<80000xf32, #tpu.memory_space<hbm>>
      tpu.wait_indirect_dma semaphore(%arg14 : memref<!tpu.dma_semaphore, #tpu.memory_space<semaphore_mem>>) src(%dma_wait3A_604 : memref<80000xf32, #tpu.memory_space<hbm>>) dst(%dma_wait3A_599 : memref<80xf32, #tpu.memory_space<vmem>>)
      %dma_wait3A_605 = arith.constant 7 : i32
      %dma_wait3A_606 = arith.constant 7 : i32
      %dma_wait3A_607 = arith.constant 0 : i32
      %dma_wait3A_608 = tpu.memref_slice %arg10[%dma_wait3A_606, %dma_wait3A_607] : memref<8x80xf32, #tpu.memory_space<vmem>> -> memref<1x80xf32, #tpu.memory_space<vmem>>
      %dma_wait3A_609 = tpu.memref_squeeze %dma_wait3A_608 : memref<1x80xf32, #tpu.memory_space<vmem>> -> memref<80xf32, #tpu.memory_space<vmem>>
      %dma_wait3A_610 = arith.constant 0 : i32
      %dma_wait3A_611 = tpu.memref_slice %arg9[%dma_wait3A_605, %dma_wait3A_610] : memref<8x80xi32, #tpu.memory_space<vmem>> -> memref<1x80xi32, #tpu.memory_space<vmem>>
      %dma_wait3A_612 = tpu.memref_squeeze %dma_wait3A_611 : memref<1x80xi32, #tpu.memory_space<vmem>> -> memref<80xi32, #tpu.memory_space<vmem>>
      %dma_wait3A_613 = arith.constant 0 : i32
      %dma_wait3A_614 = tpu.memref_slice %arg5[%dma_wait3A_613] : memref<80000xf32, #tpu.memory_space<hbm>> -> memref<80000xf32, #tpu.memory_space<hbm>>
      tpu.wait_indirect_dma semaphore(%arg14 : memref<!tpu.dma_semaphore, #tpu.memory_space<semaphore_mem>>) src(%dma_wait3A_614 : memref<80000xf32, #tpu.memory_space<hbm>>) dst(%dma_wait3A_609 : memref<80xf32, #tpu.memory_space<vmem>>)
      %dma_wait3A_615 = arith.constant 0 : i32
      %dma_wait3A_616 = arith.constant 0 : i32
      %dma_wait3A_617 = tpu.memref_slice %arg4[%dma_wait3A_615, %dma_wait3A_616] : memref<10000x128xf32, #tpu.memory_space<hbm>> -> memref<10000x128xf32, #tpu.memory_space<hbm>>
      tpu.wait_indirect_dma semaphore(%arg16 : memref<!tpu.dma_semaphore, #tpu.memory_space<semaphore_mem>>) src(%dma_wait3A_617 : memref<10000x128xf32, #tpu.memory_space<hbm>>) dst(%arg11 : memref<80x128xf32, #tpu.memory_space<vmem>>)
      %get3A_618 = arith.constant 0 : i32
      %get3A_619 = arith.index_cast %get3A_618 : i32 to index
      %get3A_620 = arith.constant 0 : index
      %get3A_621 = tpu.vector_load %arg10[%get3A_619, %get3A_620] {strides = array<i32>} : memref<8x80xf32, #tpu.memory_space<vmem>>, vector<16xf32>,
      %get3A_622 = arith.constant 4 : i32
      %get3A_623 = arith.index_cast %get3A_622 : i32 to index
      %get3A_624 = arith.constant 0 : index
      %get3A_625 = tpu.vector_load %arg10[%get3A_623, %get3A_624] {strides = array<i32>} : memref<8x80xf32, #tpu.memory_space<vmem>>, vector<16xf32>,
      %add3A_626 = arith.addf %get3A_621, %get3A_625 : vector<16xf32>
      %ge3A = arith.constant 0.000000e+00 : f32
      %ge3A_627 = vector.broadcast %ge3A : f32 to vector<16xf32>
      %ge3A_628 = arith.cmpf oge, %add3A_626, %ge3A_627 : vector<16xf32>
      %mul3A_629 = arith.constant 2.000000e-01 : f32
      %mul3A_630 = vector.broadcast %mul3A_629 : f32 to vector<16xf32>
      %mul3A_631 = arith.mulf %mul3A_630, %add3A_626 : vector<16xf32>
      %select_n3A = arith.select %ge3A_628, %add3A_626, %mul3A_631 : vector<16xi1>, vector<16xf32>
      %get3A_632 = arith.constant 1 : i32
      %get3A_633 = arith.index_cast %get3A_632 : i32 to index
      %get3A_634 = arith.constant 0 : index
      %get3A_635 = tpu.vector_load %arg10[%get3A_633, %get3A_634] {strides = array<i32>} : memref<8x80xf32, #tpu.memory_space<vmem>>, vector<16xf32>,
      %get3A_636 = arith.constant 5 : i32
      %get3A_637 = arith.index_cast %get3A_636 : i32 to index
      %get3A_638 = arith.constant 0 : index
      %get3A_639 = tpu.vector_load %arg10[%get3A_637, %get3A_638] {strides = array<i32>} : memref<8x80xf32, #tpu.memory_space<vmem>>, vector<16xf32>,
      %add3A_640 = arith.addf %get3A_635, %get3A_639 : vector<16xf32>
      %ge3A_641 = arith.constant 0.000000e+00 : f32
      %ge3A_642 = vector.broadcast %ge3A_641 : f32 to vector<16xf32>
      %ge3A_643 = arith.cmpf oge, %add3A_640, %ge3A_642 : vector<16xf32>
      %mul3A_644 = arith.constant 2.000000e-01 : f32
      %mul3A_645 = vector.broadcast %mul3A_644 : f32 to vector<16xf32>
      %mul3A_646 = arith.mulf %mul3A_645, %add3A_640 : vector<16xf32>
      %select_n3A_647 = arith.select %ge3A_643, %add3A_640, %mul3A_646 : vector<16xi1>, vector<16xf32>
      %get3A_648 = arith.constant 2 : i32
      %get3A_649 = arith.index_cast %get3A_648 : i32 to index
      %get3A_650 = arith.constant 0 : index
      %get3A_651 = tpu.vector_load %arg10[%get3A_649, %get3A_650] {strides = array<i32>} : memref<8x80xf32, #tpu.memory_space<vmem>>, vector<16xf32>,
      %get3A_652 = arith.constant 6 : i32
      %get3A_653 = arith.index_cast %get3A_652 : i32 to index
      %get3A_654 = arith.constant 0 : index
      %get3A_655 = tpu.vector_load %arg10[%get3A_653, %get3A_654] {strides = array<i32>} : memref<8x80xf32, #tpu.memory_space<vmem>>, vector<16xf32>,
      %add3A_656 = arith.addf %get3A_651, %get3A_655 : vector<16xf32>
      %ge3A_657 = arith.constant 0.000000e+00 : f32
      %ge3A_658 = vector.broadcast %ge3A_657 : f32 to vector<16xf32>
      %ge3A_659 = arith.cmpf oge, %add3A_656, %ge3A_658 : vector<16xf32>
      %mul3A_660 = arith.constant 2.000000e-01 : f32
      %mul3A_661 = vector.broadcast %mul3A_660 : f32 to vector<16xf32>
      %mul3A_662 = arith.mulf %mul3A_661, %add3A_656 : vector<16xf32>
      %select_n3A_663 = arith.select %ge3A_659, %add3A_656, %mul3A_662 : vector<16xi1>, vector<16xf32>
      %get3A_664 = arith.constant 3 : i32
      %get3A_665 = arith.index_cast %get3A_664 : i32 to index
      %get3A_666 = arith.constant 0 : index
      %get3A_667 = tpu.vector_load %arg10[%get3A_665, %get3A_666] {strides = array<i32>} : memref<8x80xf32, #tpu.memory_space<vmem>>, vector<16xf32>,
      %get3A_668 = arith.constant 7 : i32
      %get3A_669 = arith.index_cast %get3A_668 : i32 to index
      %get3A_670 = arith.constant 0 : index
      %get3A_671 = tpu.vector_load %arg10[%get3A_669, %get3A_670] {strides = array<i32>} : memref<8x80xf32, #tpu.memory_space<vmem>>, vector<16xf32>,
      %add3A_672 = arith.addf %get3A_667, %get3A_671 : vector<16xf32>
      %ge3A_673 = arith.constant 0.000000e+00 : f32
      %ge3A_674 = vector.broadcast %ge3A_673 : f32 to vector<16xf32>
      %ge3A_675 = arith.cmpf oge, %add3A_672, %ge3A_674 : vector<16xf32>
      %mul3A_676 = arith.constant 2.000000e-01 : f32
      %mul3A_677 = vector.broadcast %mul3A_676 : f32 to vector<16xf32>
      %mul3A_678 = arith.mulf %mul3A_677, %add3A_672 : vector<16xf32>
      %select_n3A_679 = arith.select %ge3A_675, %add3A_672, %mul3A_678 : vector<16xi1>, vector<16xf32>
      %max3A = arith.maximumf %select_n3A, %select_n3A_647 : vector<16xf32>
      %max3A_680 = arith.maximumf %select_n3A_663, %select_n3A_679 : vector<16xf32>
      %max3A_681 = arith.maximumf %max3A, %max3A_680 : vector<16xf32>
      %sub3A = arith.subf %select_n3A, %max3A_681 : vector<16xf32>
      %exp3A = math.exp %sub3A : vector<16xf32>
      %sub3A_682 = arith.subf %select_n3A_647, %max3A_681 : vector<16xf32>
      %exp3A_683 = math.exp %sub3A_682 : vector<16xf32>
      %sub3A_684 = arith.subf %select_n3A_663, %max3A_681 : vector<16xf32>
      %exp3A_685 = math.exp %sub3A_684 : vector<16xf32>
      %sub3A_686 = arith.subf %select_n3A_679, %max3A_681 : vector<16xf32>
      %exp3A_687 = math.exp %sub3A_686 : vector<16xf32>
      %add3A_688 = arith.addf %exp3A, %exp3A_683 : vector<16xf32>
      %add3A_689 = arith.addf %add3A_688, %exp3A_685 : vector<16xf32>
      %add3A_690 = arith.addf %add3A_689, %exp3A_687 : vector<16xf32>
      %div3A = arith.constant 1.000000e+00 : f32
      %div3A_691 = vector.broadcast %div3A : f32 to vector<16xf32>
      %div3A_692 = arith.divf %div3A_691, %add3A_690 : vector<16xf32>
      %mul3A_693 = arith.mulf %exp3A, %div3A_692 : vector<16xf32>
      %mul3A_694 = arith.mulf %exp3A_683, %div3A_692 : vector<16xf32>
      %mul3A_695 = arith.mulf %exp3A_685, %div3A_692 : vector<16xf32>
      %mul3A_696 = arith.mulf %exp3A_687, %div3A_692 : vector<16xf32>
      %scan3A_697 = arith.constant 0 : i32
      %scan3A_698 = arith.constant 16 : i32
      %scan3A_699 = arith.addi %scan3A_697, %scan3A_698 : i32
      %scan3A_700 = arith.constant 1 : i32
      scf.for %scan3A_1062 = %scan3A_697 to %scan3A_699 step %scan3A_700  : i32 {
        %add3A_1063 = arith.constant 0 : i32
        %add3A_1064 = arith.addi %add3A_1063, %scan3A_1062 : i32
        %broadcast_in_dim3A = vector.broadcast %scan3A_1062 : i32 to vector<16x1xi32>
        %gather3A = vector.shape_cast %broadcast_in_dim3A : vector<16x1xi32> to vector<16xi32>
        %gather3A_1065 = tpu.dynamic_gather %mul3A_693[%gather3A] in [0] : vector<16xf32>, vector<16xi32> -> vector<16xf32>
        %get3A_1066 = arith.index_cast %add3A_1064 : i32 to index
        %get3A_1067 = arith.constant 0 : index
        %get3A_1068 = tpu.vector_load %arg11[%get3A_1066, %get3A_1067] {strides = array<i32>} : memref<80x128xf32, #tpu.memory_space<vmem>>, vector<16xf32>,
        %mul3A_1069 = arith.mulf %get3A_1068, %gather3A_1065 : vector<16xf32>
        %swap3A_1070 = arith.index_cast %add3A_1064 : i32 to index
        %swap3A_1071 = arith.constant 0 : index
        %swap3A_1072 = tpu.vector_load %arg11[%swap3A_1070, %swap3A_1071] {strides = array<i32>} : memref<80x128xf32, #tpu.memory_space<vmem>>, vector<16xf32>,
        tpu.vector_store %arg11[%swap3A_1070, %swap3A_1071], %mul3A_1069 {strides = array<i32>} : memref<80x128xf32, #tpu.memory_space<vmem>>, vector<16xf32>,
        %get3A_1073 = arith.index_cast %add3A_1064 : i32 to index
        %get3A_1074 = arith.constant 16 : index
        %get3A_1075 = tpu.vector_load %arg11[%get3A_1073, %get3A_1074] {strides = array<i32>} : memref<80x128xf32, #tpu.memory_space<vmem>>, vector<16xf32>,
        %mul3A_1076 = arith.mulf %get3A_1075, %gather3A_1065 : vector<16xf32>
        %swap3A_1077 = arith.index_cast %add3A_1064 : i32 to index
        %swap3A_1078 = arith.constant 16 : index
        %swap3A_1079 = tpu.vector_load %arg11[%swap3A_1077, %swap3A_1078] {strides = array<i32>} : memref<80x128xf32, #tpu.memory_space<vmem>>, vector<16xf32>,
        tpu.vector_store %arg11[%swap3A_1077, %swap3A_1078], %mul3A_1076 {strides = array<i32>} : memref<80x128xf32, #tpu.memory_space<vmem>>, vector<16xf32>,
        %gather3A_1080 = vector.shape_cast %broadcast_in_dim3A : vector<16x1xi32> to vector<16xi32>
        %gather3A_1081 = tpu.dynamic_gather %mul3A_694[%gather3A_1080] in [0] : vector<16xf32>, vector<16xi32> -> vector<16xf32>
        %get3A_1082 = arith.index_cast %add3A_1064 : i32 to index
        %get3A_1083 = arith.constant 32 : index
        %get3A_1084 = tpu.vector_load %arg11[%get3A_1082, %get3A_1083] {strides = array<i32>} : memref<80x128xf32, #tpu.memory_space<vmem>>, vector<16xf32>,
        %mul3A_1085 = arith.mulf %get3A_1084, %gather3A_1081 : vector<16xf32>
        %swap3A_1086 = arith.index_cast %add3A_1064 : i32 to index
        %swap3A_1087 = arith.constant 32 : index
        %swap3A_1088 = tpu.vector_load %arg11[%swap3A_1086, %swap3A_1087] {strides = array<i32>} : memref<80x128xf32, #tpu.memory_space<vmem>>, vector<16xf32>,
        tpu.vector_store %arg11[%swap3A_1086, %swap3A_1087], %mul3A_1085 {strides = array<i32>} : memref<80x128xf32, #tpu.memory_space<vmem>>, vector<16xf32>,
        %get3A_1089 = arith.index_cast %add3A_1064 : i32 to index
        %get3A_1090 = arith.constant 48 : index
        %get3A_1091 = tpu.vector_load %arg11[%get3A_1089, %get3A_1090] {strides = array<i32>} : memref<80x128xf32, #tpu.memory_space<vmem>>, vector<16xf32>,
        %mul3A_1092 = arith.mulf %get3A_1091, %gather3A_1081 : vector<16xf32>
        %swap3A_1093 = arith.index_cast %add3A_1064 : i32 to index
        %swap3A_1094 = arith.constant 48 : index
        %swap3A_1095 = tpu.vector_load %arg11[%swap3A_1093, %swap3A_1094] {strides = array<i32>} : memref<80x128xf32, #tpu.memory_space<vmem>>, vector<16xf32>,
        tpu.vector_store %arg11[%swap3A_1093, %swap3A_1094], %mul3A_1092 {strides = array<i32>} : memref<80x128xf32, #tpu.memory_space<vmem>>, vector<16xf32>,
        %gather3A_1096 = vector.shape_cast %broadcast_in_dim3A : vector<16x1xi32> to vector<16xi32>
        %gather3A_1097 = tpu.dynamic_gather %mul3A_695[%gather3A_1096] in [0] : vector<16xf32>, vector<16xi32> -> vector<16xf32>
        %get3A_1098 = arith.index_cast %add3A_1064 : i32 to index
        %get3A_1099 = arith.constant 64 : index
        %get3A_1100 = tpu.vector_load %arg11[%get3A_1098, %get3A_1099] {strides = array<i32>} : memref<80x128xf32, #tpu.memory_space<vmem>>, vector<16xf32>,
        %mul3A_1101 = arith.mulf %get3A_1100, %gather3A_1097 : vector<16xf32>
        %swap3A_1102 = arith.index_cast %add3A_1064 : i32 to index
        %swap3A_1103 = arith.constant 64 : index
        %swap3A_1104 = tpu.vector_load %arg11[%swap3A_1102, %swap3A_1103] {strides = array<i32>} : memref<80x128xf32, #tpu.memory_space<vmem>>, vector<16xf32>,
        tpu.vector_store %arg11[%swap3A_1102, %swap3A_1103], %mul3A_1101 {strides = array<i32>} : memref<80x128xf32, #tpu.memory_space<vmem>>, vector<16xf32>,
        %get3A_1105 = arith.index_cast %add3A_1064 : i32 to index
        %get3A_1106 = arith.constant 80 : index
        %get3A_1107 = tpu.vector_load %arg11[%get3A_1105, %get3A_1106] {strides = array<i32>} : memref<80x128xf32, #tpu.memory_space<vmem>>, vector<16xf32>,
        %mul3A_1108 = arith.mulf %get3A_1107, %gather3A_1097 : vector<16xf32>
        %swap3A_1109 = arith.index_cast %add3A_1064 : i32 to index
        %swap3A_1110 = arith.constant 80 : index
        %swap3A_1111 = tpu.vector_load %arg11[%swap3A_1109, %swap3A_1110] {strides = array<i32>} : memref<80x128xf32, #tpu.memory_space<vmem>>, vector<16xf32>,
        tpu.vector_store %arg11[%swap3A_1109, %swap3A_1110], %mul3A_1108 {strides = array<i32>} : memref<80x128xf32, #tpu.memory_space<vmem>>, vector<16xf32>,
        %gather3A_1112 = vector.shape_cast %broadcast_in_dim3A : vector<16x1xi32> to vector<16xi32>
        %gather3A_1113 = tpu.dynamic_gather %mul3A_696[%gather3A_1112] in [0] : vector<16xf32>, vector<16xi32> -> vector<16xf32>
        %get3A_1114 = arith.index_cast %add3A_1064 : i32 to index
        %get3A_1115 = arith.constant 96 : index
        %get3A_1116 = tpu.vector_load %arg11[%get3A_1114, %get3A_1115] {strides = array<i32>} : memref<80x128xf32, #tpu.memory_space<vmem>>, vector<16xf32>,
        %mul3A_1117 = arith.mulf %get3A_1116, %gather3A_1113 : vector<16xf32>
        %swap3A_1118 = arith.index_cast %add3A_1064 : i32 to index
        %swap3A_1119 = arith.constant 96 : index
        %swap3A_1120 = tpu.vector_load %arg11[%swap3A_1118, %swap3A_1119] {strides = array<i32>} : memref<80x128xf32, #tpu.memory_space<vmem>>, vector<16xf32>,
        tpu.vector_store %arg11[%swap3A_1118, %swap3A_1119], %mul3A_1117 {strides = array<i32>} : memref<80x128xf32, #tpu.memory_space<vmem>>, vector<16xf32>,
        %get3A_1121 = arith.index_cast %add3A_1064 : i32 to index
        %get3A_1122 = arith.constant 112 : index
        %get3A_1123 = tpu.vector_load %arg11[%get3A_1121, %get3A_1122] {strides = array<i32>} : memref<80x128xf32, #tpu.memory_space<vmem>>, vector<16xf32>,
        %mul3A_1124 = arith.mulf %get3A_1123, %gather3A_1113 : vector<16xf32>
        %swap3A_1125 = arith.index_cast %add3A_1064 : i32 to index
        %swap3A_1126 = arith.constant 112 : index
        %swap3A_1127 = tpu.vector_load %arg11[%swap3A_1125, %swap3A_1126] {strides = array<i32>} : memref<80x128xf32, #tpu.memory_space<vmem>>, vector<16xf32>,
        tpu.vector_store %arg11[%swap3A_1125, %swap3A_1126], %mul3A_1124 {strides = array<i32>} : memref<80x128xf32, #tpu.memory_space<vmem>>, vector<16xf32>,
      }
      %scan3A_701 = arith.constant 16 : i32
      %get3A_702 = arith.constant 0 : i32
      %get3A_703 = arith.index_cast %get3A_702 : i32 to index
      %get3A_704 = arith.constant 16 : index
      %get3A_705 = tpu.vector_load %arg10[%get3A_703, %get3A_704] {strides = array<i32>} : memref<8x80xf32, #tpu.memory_space<vmem>>, vector<16xf32>,
      %get3A_706 = arith.constant 4 : i32
      %get3A_707 = arith.index_cast %get3A_706 : i32 to index
      %get3A_708 = arith.constant 16 : index
      %get3A_709 = tpu.vector_load %arg10[%get3A_707, %get3A_708] {strides = array<i32>} : memref<8x80xf32, #tpu.memory_space<vmem>>, vector<16xf32>,
      %add3A_710 = arith.addf %get3A_705, %get3A_709 : vector<16xf32>
      %ge3A_711 = arith.constant 0.000000e+00 : f32
      %ge3A_712 = vector.broadcast %ge3A_711 : f32 to vector<16xf32>
      %ge3A_713 = arith.cmpf oge, %add3A_710, %ge3A_712 : vector<16xf32>
      %mul3A_714 = arith.constant 2.000000e-01 : f32
      %mul3A_715 = vector.broadcast %mul3A_714 : f32 to vector<16xf32>
      %mul3A_716 = arith.mulf %mul3A_715, %add3A_710 : vector<16xf32>
      %select_n3A_717 = arith.select %ge3A_713, %add3A_710, %mul3A_716 : vector<16xi1>, vector<16xf32>
      %get3A_718 = arith.constant 1 : i32
      %get3A_719 = arith.index_cast %get3A_718 : i32 to index
      %get3A_720 = arith.constant 16 : index
      %get3A_721 = tpu.vector_load %arg10[%get3A_719, %get3A_720] {strides = array<i32>} : memref<8x80xf32, #tpu.memory_space<vmem>>, vector<16xf32>,
      %get3A_722 = arith.constant 5 : i32
      %get3A_723 = arith.index_cast %get3A_722 : i32 to index
      %get3A_724 = arith.constant 16 : index
      %get3A_725 = tpu.vector_load %arg10[%get3A_723, %get3A_724] {strides = array<i32>} : memref<8x80xf32, #tpu.memory_space<vmem>>, vector<16xf32>,
      %add3A_726 = arith.addf %get3A_721, %get3A_725 : vector<16xf32>
      %ge3A_727 = arith.constant 0.000000e+00 : f32
      %ge3A_728 = vector.broadcast %ge3A_727 : f32 to vector<16xf32>
      %ge3A_729 = arith.cmpf oge, %add3A_726, %ge3A_728 : vector<16xf32>
      %mul3A_730 = arith.constant 2.000000e-01 : f32
      %mul3A_731 = vector.broadcast %mul3A_730 : f32 to vector<16xf32>
      %mul3A_732 = arith.mulf %mul3A_731, %add3A_726 : vector<16xf32>
      %select_n3A_733 = arith.select %ge3A_729, %add3A_726, %mul3A_732 : vector<16xi1>, vector<16xf32>
      %get3A_734 = arith.constant 2 : i32
      %get3A_735 = arith.index_cast %get3A_734 : i32 to index
      %get3A_736 = arith.constant 16 : index
      %get3A_737 = tpu.vector_load %arg10[%get3A_735, %get3A_736] {strides = array<i32>} : memref<8x80xf32, #tpu.memory_space<vmem>>, vector<16xf32>,
      %get3A_738 = arith.constant 6 : i32
      %get3A_739 = arith.index_cast %get3A_738 : i32 to index
      %get3A_740 = arith.constant 16 : index
      %get3A_741 = tpu.vector_load %arg10[%get3A_739, %get3A_740] {strides = array<i32>} : memref<8x80xf32, #tpu.memory_space<vmem>>, vector<16xf32>,
      %add3A_742 = arith.addf %get3A_737, %get3A_741 : vector<16xf32>
      %ge3A_743 = arith.constant 0.000000e+00 : f32
      %ge3A_744 = vector.broadcast %ge3A_743 : f32 to vector<16xf32>
      %ge3A_745 = arith.cmpf oge, %add3A_742, %ge3A_744 : vector<16xf32>
      %mul3A_746 = arith.constant 2.000000e-01 : f32
      %mul3A_747 = vector.broadcast %mul3A_746 : f32 to vector<16xf32>
      %mul3A_748 = arith.mulf %mul3A_747, %add3A_742 : vector<16xf32>
      %select_n3A_749 = arith.select %ge3A_745, %add3A_742, %mul3A_748 : vector<16xi1>, vector<16xf32>
      %get3A_750 = arith.constant 3 : i32
      %get3A_751 = arith.index_cast %get3A_750 : i32 to index
      %get3A_752 = arith.constant 16 : index
      %get3A_753 = tpu.vector_load %arg10[%get3A_751, %get3A_752] {strides = array<i32>} : memref<8x80xf32, #tpu.memory_space<vmem>>, vector<16xf32>,
      %get3A_754 = arith.constant 7 : i32
      %get3A_755 = arith.index_cast %get3A_754 : i32 to index
      %get3A_756 = arith.constant 16 : index
      %get3A_757 = tpu.vector_load %arg10[%get3A_755, %get3A_756] {strides = array<i32>} : memref<8x80xf32, #tpu.memory_space<vmem>>, vector<16xf32>,
      %add3A_758 = arith.addf %get3A_753, %get3A_757 : vector<16xf32>
      %ge3A_759 = arith.constant 0.000000e+00 : f32
      %ge3A_760 = vector.broadcast %ge3A_759 : f32 to vector<16xf32>
      %ge3A_761 = arith.cmpf oge, %add3A_758, %ge3A_760 : vector<16xf32>
      %mul3A_762 = arith.constant 2.000000e-01 : f32
      %mul3A_763 = vector.broadcast %mul3A_762 : f32 to vector<16xf32>
      %mul3A_764 = arith.mulf %mul3A_763, %add3A_758 : vector<16xf32>
      %select_n3A_765 = arith.select %ge3A_761, %add3A_758, %mul3A_764 : vector<16xi1>, vector<16xf32>
      %max3A_766 = arith.maximumf %select_n3A_717, %select_n3A_733 : vector<16xf32>
      %max3A_767 = arith.maximumf %select_n3A_749, %select_n3A_765 : vector<16xf32>
      %max3A_768 = arith.maximumf %max3A_766, %max3A_767 : vector<16xf32>
      %sub3A_769 = arith.subf %select_n3A_717, %max3A_768 : vector<16xf32>
      %exp3A_770 = math.exp %sub3A_769 : vector<16xf32>
      %sub3A_771 = arith.subf %select_n3A_733, %max3A_768 : vector<16xf32>
      %exp3A_772 = math.exp %sub3A_771 : vector<16xf32>
      %sub3A_773 = arith.subf %select_n3A_749, %max3A_768 : vector<16xf32>
      %exp3A_774 = math.exp %sub3A_773 : vector<16xf32>
      %sub3A_775 = arith.subf %select_n3A_765, %max3A_768 : vector<16xf32>
      %exp3A_776 = math.exp %sub3A_775 : vector<16xf32>
      %add3A_777 = arith.addf %exp3A_770, %exp3A_772 : vector<16xf32>
      %add3A_778 = arith.addf %add3A_777, %exp3A_774 : vector<16xf32>
      %add3A_779 = arith.addf %add3A_778, %exp3A_776 : vector<16xf32>
      %div3A_780 = arith.constant 1.000000e+00 : f32
      %div3A_781 = vector.broadcast %div3A_780 : f32 to vector<16xf32>
      %div3A_782 = arith.divf %div3A_781, %add3A_779 : vector<16xf32>
      %mul3A_783 = arith.mulf %exp3A_770, %div3A_782 : vector<16xf32>
      %mul3A_784 = arith.mulf %exp3A_772, %div3A_782 : vector<16xf32>
      %mul3A_785 = arith.mulf %exp3A_774, %div3A_782 : vector<16xf32>
      %mul3A_786 = arith.mulf %exp3A_776, %div3A_782 : vector<16xf32>
      %scan3A_787 = arith.constant 0 : i32
      %scan3A_788 = arith.constant 16 : i32
      %scan3A_789 = arith.addi %scan3A_787, %scan3A_788 : i32
      %scan3A_790 = arith.constant 1 : i32
      scf.for %scan3A_1062 = %scan3A_787 to %scan3A_789 step %scan3A_790  : i32 {
        %add3A_1063 = arith.constant 16 : i32
        %add3A_1064 = arith.addi %add3A_1063, %scan3A_1062 : i32
        %broadcast_in_dim3A = vector.broadcast %scan3A_1062 : i32 to vector<16x1xi32>
        %gather3A = vector.shape_cast %broadcast_in_dim3A : vector<16x1xi32> to vector<16xi32>
        %gather3A_1065 = tpu.dynamic_gather %mul3A_783[%gather3A] in [0] : vector<16xf32>, vector<16xi32> -> vector<16xf32>
        %get3A_1066 = arith.index_cast %add3A_1064 : i32 to index
        %get3A_1067 = arith.constant 0 : index
        %get3A_1068 = tpu.vector_load %arg11[%get3A_1066, %get3A_1067] {strides = array<i32>} : memref<80x128xf32, #tpu.memory_space<vmem>>, vector<16xf32>,
        %mul3A_1069 = arith.mulf %get3A_1068, %gather3A_1065 : vector<16xf32>
        %swap3A_1070 = arith.index_cast %add3A_1064 : i32 to index
        %swap3A_1071 = arith.constant 0 : index
        %swap3A_1072 = tpu.vector_load %arg11[%swap3A_1070, %swap3A_1071] {strides = array<i32>} : memref<80x128xf32, #tpu.memory_space<vmem>>, vector<16xf32>,
        tpu.vector_store %arg11[%swap3A_1070, %swap3A_1071], %mul3A_1069 {strides = array<i32>} : memref<80x128xf32, #tpu.memory_space<vmem>>, vector<16xf32>,
        %get3A_1073 = arith.index_cast %add3A_1064 : i32 to index
        %get3A_1074 = arith.constant 16 : index
        %get3A_1075 = tpu.vector_load %arg11[%get3A_1073, %get3A_1074] {strides = array<i32>} : memref<80x128xf32, #tpu.memory_space<vmem>>, vector<16xf32>,
        %mul3A_1076 = arith.mulf %get3A_1075, %gather3A_1065 : vector<16xf32>
        %swap3A_1077 = arith.index_cast %add3A_1064 : i32 to index
        %swap3A_1078 = arith.constant 16 : index
        %swap3A_1079 = tpu.vector_load %arg11[%swap3A_1077, %swap3A_1078] {strides = array<i32>} : memref<80x128xf32, #tpu.memory_space<vmem>>, vector<16xf32>,
        tpu.vector_store %arg11[%swap3A_1077, %swap3A_1078], %mul3A_1076 {strides = array<i32>} : memref<80x128xf32, #tpu.memory_space<vmem>>, vector<16xf32>,
        %gather3A_1080 = vector.shape_cast %broadcast_in_dim3A : vector<16x1xi32> to vector<16xi32>
        %gather3A_1081 = tpu.dynamic_gather %mul3A_784[%gather3A_1080] in [0] : vector<16xf32>, vector<16xi32> -> vector<16xf32>
        %get3A_1082 = arith.index_cast %add3A_1064 : i32 to index
        %get3A_1083 = arith.constant 32 : index
        %get3A_1084 = tpu.vector_load %arg11[%get3A_1082, %get3A_1083] {strides = array<i32>} : memref<80x128xf32, #tpu.memory_space<vmem>>, vector<16xf32>,
        %mul3A_1085 = arith.mulf %get3A_1084, %gather3A_1081 : vector<16xf32>
        %swap3A_1086 = arith.index_cast %add3A_1064 : i32 to index
        %swap3A_1087 = arith.constant 32 : index
        %swap3A_1088 = tpu.vector_load %arg11[%swap3A_1086, %swap3A_1087] {strides = array<i32>} : memref<80x128xf32, #tpu.memory_space<vmem>>, vector<16xf32>,
        tpu.vector_store %arg11[%swap3A_1086, %swap3A_1087], %mul3A_1085 {strides = array<i32>} : memref<80x128xf32, #tpu.memory_space<vmem>>, vector<16xf32>,
        %get3A_1089 = arith.index_cast %add3A_1064 : i32 to index
        %get3A_1090 = arith.constant 48 : index
        %get3A_1091 = tpu.vector_load %arg11[%get3A_1089, %get3A_1090] {strides = array<i32>} : memref<80x128xf32, #tpu.memory_space<vmem>>, vector<16xf32>,
        %mul3A_1092 = arith.mulf %get3A_1091, %gather3A_1081 : vector<16xf32>
        %swap3A_1093 = arith.index_cast %add3A_1064 : i32 to index
        %swap3A_1094 = arith.constant 48 : index
        %swap3A_1095 = tpu.vector_load %arg11[%swap3A_1093, %swap3A_1094] {strides = array<i32>} : memref<80x128xf32, #tpu.memory_space<vmem>>, vector<16xf32>,
        tpu.vector_store %arg11[%swap3A_1093, %swap3A_1094], %mul3A_1092 {strides = array<i32>} : memref<80x128xf32, #tpu.memory_space<vmem>>, vector<16xf32>,
        %gather3A_1096 = vector.shape_cast %broadcast_in_dim3A : vector<16x1xi32> to vector<16xi32>
        %gather3A_1097 = tpu.dynamic_gather %mul3A_785[%gather3A_1096] in [0] : vector<16xf32>, vector<16xi32> -> vector<16xf32>
        %get3A_1098 = arith.index_cast %add3A_1064 : i32 to index
        %get3A_1099 = arith.constant 64 : index
        %get3A_1100 = tpu.vector_load %arg11[%get3A_1098, %get3A_1099] {strides = array<i32>} : memref<80x128xf32, #tpu.memory_space<vmem>>, vector<16xf32>,
        %mul3A_1101 = arith.mulf %get3A_1100, %gather3A_1097 : vector<16xf32>
        %swap3A_1102 = arith.index_cast %add3A_1064 : i32 to index
        %swap3A_1103 = arith.constant 64 : index
        %swap3A_1104 = tpu.vector_load %arg11[%swap3A_1102, %swap3A_1103] {strides = array<i32>} : memref<80x128xf32, #tpu.memory_space<vmem>>, vector<16xf32>,
        tpu.vector_store %arg11[%swap3A_1102, %swap3A_1103], %mul3A_1101 {strides = array<i32>} : memref<80x128xf32, #tpu.memory_space<vmem>>, vector<16xf32>,
        %get3A_1105 = arith.index_cast %add3A_1064 : i32 to index
        %get3A_1106 = arith.constant 80 : index
        %get3A_1107 = tpu.vector_load %arg11[%get3A_1105, %get3A_1106] {strides = array<i32>} : memref<80x128xf32, #tpu.memory_space<vmem>>, vector<16xf32>,
        %mul3A_1108 = arith.mulf %get3A_1107, %gather3A_1097 : vector<16xf32>
        %swap3A_1109 = arith.index_cast %add3A_1064 : i32 to index
        %swap3A_1110 = arith.constant 80 : index
        %swap3A_1111 = tpu.vector_load %arg11[%swap3A_1109, %swap3A_1110] {strides = array<i32>} : memref<80x128xf32, #tpu.memory_space<vmem>>, vector<16xf32>,
        tpu.vector_store %arg11[%swap3A_1109, %swap3A_1110], %mul3A_1108 {strides = array<i32>} : memref<80x128xf32, #tpu.memory_space<vmem>>, vector<16xf32>,
        %gather3A_1112 = vector.shape_cast %broadcast_in_dim3A : vector<16x1xi32> to vector<16xi32>
        %gather3A_1113 = tpu.dynamic_gather %mul3A_786[%gather3A_1112] in [0] : vector<16xf32>, vector<16xi32> -> vector<16xf32>
        %get3A_1114 = arith.index_cast %add3A_1064 : i32 to index
        %get3A_1115 = arith.constant 96 : index
        %get3A_1116 = tpu.vector_load %arg11[%get3A_1114, %get3A_1115] {strides = array<i32>} : memref<80x128xf32, #tpu.memory_space<vmem>>, vector<16xf32>,
        %mul3A_1117 = arith.mulf %get3A_1116, %gather3A_1113 : vector<16xf32>
        %swap3A_1118 = arith.index_cast %add3A_1064 : i32 to index
        %swap3A_1119 = arith.constant 96 : index
        %swap3A_1120 = tpu.vector_load %arg11[%swap3A_1118, %swap3A_1119] {strides = array<i32>} : memref<80x128xf32, #tpu.memory_space<vmem>>, vector<16xf32>,
        tpu.vector_store %arg11[%swap3A_1118, %swap3A_1119], %mul3A_1117 {strides = array<i32>} : memref<80x128xf32, #tpu.memory_space<vmem>>, vector<16xf32>,
        %get3A_1121 = arith.index_cast %add3A_1064 : i32 to index
        %get3A_1122 = arith.constant 112 : index
        %get3A_1123 = tpu.vector_load %arg11[%get3A_1121, %get3A_1122] {strides = array<i32>} : memref<80x128xf32, #tpu.memory_space<vmem>>, vector<16xf32>,
        %mul3A_1124 = arith.mulf %get3A_1123, %gather3A_1113 : vector<16xf32>
        %swap3A_1125 = arith.index_cast %add3A_1064 : i32 to index
        %swap3A_1126 = arith.constant 112 : index
        %swap3A_1127 = tpu.vector_load %arg11[%swap3A_1125, %swap3A_1126] {strides = array<i32>} : memref<80x128xf32, #tpu.memory_space<vmem>>, vector<16xf32>,
        tpu.vector_store %arg11[%swap3A_1125, %swap3A_1126], %mul3A_1124 {strides = array<i32>} : memref<80x128xf32, #tpu.memory_space<vmem>>, vector<16xf32>,
      }
      %scan3A_791 = arith.constant 16 : i32
      %get3A_792 = arith.constant 0 : i32
      %get3A_793 = arith.index_cast %get3A_792 : i32 to index
      %get3A_794 = arith.constant 32 : index
      %get3A_795 = tpu.vector_load %arg10[%get3A_793, %get3A_794] {strides = array<i32>} : memref<8x80xf32, #tpu.memory_space<vmem>>, vector<16xf32>,
      %get3A_796 = arith.constant 4 : i32
      %get3A_797 = arith.index_cast %get3A_796 : i32 to index
      %get3A_798 = arith.constant 32 : index
      %get3A_799 = tpu.vector_load %arg10[%get3A_797, %get3A_798] {strides = array<i32>} : memref<8x80xf32, #tpu.memory_space<vmem>>, vector<16xf32>,
      %add3A_800 = arith.addf %get3A_795, %get3A_799 : vector<16xf32>
      %ge3A_801 = arith.constant 0.000000e+00 : f32
      %ge3A_802 = vector.broadcast %ge3A_801 : f32 to vector<16xf32>
      %ge3A_803 = arith.cmpf oge, %add3A_800, %ge3A_802 : vector<16xf32>
      %mul3A_804 = arith.constant 2.000000e-01 : f32
      %mul3A_805 = vector.broadcast %mul3A_804 : f32 to vector<16xf32>
      %mul3A_806 = arith.mulf %mul3A_805, %add3A_800 : vector<16xf32>
      %select_n3A_807 = arith.select %ge3A_803, %add3A_800, %mul3A_806 : vector<16xi1>, vector<16xf32>
      %get3A_808 = arith.constant 1 : i32
      %get3A_809 = arith.index_cast %get3A_808 : i32 to index
      %get3A_810 = arith.constant 32 : index
      %get3A_811 = tpu.vector_load %arg10[%get3A_809, %get3A_810] {strides = array<i32>} : memref<8x80xf32, #tpu.memory_space<vmem>>, vector<16xf32>,
      %get3A_812 = arith.constant 5 : i32
      %get3A_813 = arith.index_cast %get3A_812 : i32 to index
      %get3A_814 = arith.constant 32 : index
      %get3A_815 = tpu.vector_load %arg10[%get3A_813, %get3A_814] {strides = array<i32>} : memref<8x80xf32, #tpu.memory_space<vmem>>, vector<16xf32>,
      %add3A_816 = arith.addf %get3A_811, %get3A_815 : vector<16xf32>
      %ge3A_817 = arith.constant 0.000000e+00 : f32
      %ge3A_818 = vector.broadcast %ge3A_817 : f32 to vector<16xf32>
      %ge3A_819 = arith.cmpf oge, %add3A_816, %ge3A_818 : vector<16xf32>
      %mul3A_820 = arith.constant 2.000000e-01 : f32
      %mul3A_821 = vector.broadcast %mul3A_820 : f32 to vector<16xf32>
      %mul3A_822 = arith.mulf %mul3A_821, %add3A_816 : vector<16xf32>
      %select_n3A_823 = arith.select %ge3A_819, %add3A_816, %mul3A_822 : vector<16xi1>, vector<16xf32>
      %get3A_824 = arith.constant 2 : i32
      %get3A_825 = arith.index_cast %get3A_824 : i32 to index
      %get3A_826 = arith.constant 32 : index
      %get3A_827 = tpu.vector_load %arg10[%get3A_825, %get3A_826] {strides = array<i32>} : memref<8x80xf32, #tpu.memory_space<vmem>>, vector<16xf32>,
      %get3A_828 = arith.constant 6 : i32
      %get3A_829 = arith.index_cast %get3A_828 : i32 to index
      %get3A_830 = arith.constant 32 : index
      %get3A_831 = tpu.vector_load %arg10[%get3A_829, %get3A_830] {strides = array<i32>} : memref<8x80xf32, #tpu.memory_space<vmem>>, vector<16xf32>,
      %add3A_832 = arith.addf %get3A_827, %get3A_831 : vector<16xf32>
      %ge3A_833 = arith.constant 0.000000e+00 : f32
      %ge3A_834 = vector.broadcast %ge3A_833 : f32 to vector<16xf32>
      %ge3A_835 = arith.cmpf oge, %add3A_832, %ge3A_834 : vector<16xf32>
      %mul3A_836 = arith.constant 2.000000e-01 : f32
      %mul3A_837 = vector.broadcast %mul3A_836 : f32 to vector<16xf32>
      %mul3A_838 = arith.mulf %mul3A_837, %add3A_832 : vector<16xf32>
      %select_n3A_839 = arith.select %ge3A_835, %add3A_832, %mul3A_838 : vector<16xi1>, vector<16xf32>
      %get3A_840 = arith.constant 3 : i32
      %get3A_841 = arith.index_cast %get3A_840 : i32 to index
      %get3A_842 = arith.constant 32 : index
      %get3A_843 = tpu.vector_load %arg10[%get3A_841, %get3A_842] {strides = array<i32>} : memref<8x80xf32, #tpu.memory_space<vmem>>, vector<16xf32>,
      %get3A_844 = arith.constant 7 : i32
      %get3A_845 = arith.index_cast %get3A_844 : i32 to index
      %get3A_846 = arith.constant 32 : index
      %get3A_847 = tpu.vector_load %arg10[%get3A_845, %get3A_846] {strides = array<i32>} : memref<8x80xf32, #tpu.memory_space<vmem>>, vector<16xf32>,
      %add3A_848 = arith.addf %get3A_843, %get3A_847 : vector<16xf32>
      %ge3A_849 = arith.constant 0.000000e+00 : f32
      %ge3A_850 = vector.broadcast %ge3A_849 : f32 to vector<16xf32>
      %ge3A_851 = arith.cmpf oge, %add3A_848, %ge3A_850 : vector<16xf32>
      %mul3A_852 = arith.constant 2.000000e-01 : f32
      %mul3A_853 = vector.broadcast %mul3A_852 : f32 to vector<16xf32>
      %mul3A_854 = arith.mulf %mul3A_853, %add3A_848 : vector<16xf32>
      %select_n3A_855 = arith.select %ge3A_851, %add3A_848, %mul3A_854 : vector<16xi1>, vector<16xf32>
      %max3A_856 = arith.maximumf %select_n3A_807, %select_n3A_823 : vector<16xf32>
      %max3A_857 = arith.maximumf %select_n3A_839, %select_n3A_855 : vector<16xf32>
      %max3A_858 = arith.maximumf %max3A_856, %max3A_857 : vector<16xf32>
      %sub3A_859 = arith.subf %select_n3A_807, %max3A_858 : vector<16xf32>
      %exp3A_860 = math.exp %sub3A_859 : vector<16xf32>
      %sub3A_861 = arith.subf %select_n3A_823, %max3A_858 : vector<16xf32>
      %exp3A_862 = math.exp %sub3A_861 : vector<16xf32>
      %sub3A_863 = arith.subf %select_n3A_839, %max3A_858 : vector<16xf32>
      %exp3A_864 = math.exp %sub3A_863 : vector<16xf32>
      %sub3A_865 = arith.subf %select_n3A_855, %max3A_858 : vector<16xf32>
      %exp3A_866 = math.exp %sub3A_865 : vector<16xf32>
      %add3A_867 = arith.addf %exp3A_860, %exp3A_862 : vector<16xf32>
      %add3A_868 = arith.addf %add3A_867, %exp3A_864 : vector<16xf32>
      %add3A_869 = arith.addf %add3A_868, %exp3A_866 : vector<16xf32>
      %div3A_870 = arith.constant 1.000000e+00 : f32
      %div3A_871 = vector.broadcast %div3A_870 : f32 to vector<16xf32>
      %div3A_872 = arith.divf %div3A_871, %add3A_869 : vector<16xf32>
      %mul3A_873 = arith.mulf %exp3A_860, %div3A_872 : vector<16xf32>
      %mul3A_874 = arith.mulf %exp3A_862, %div3A_872 : vector<16xf32>
      %mul3A_875 = arith.mulf %exp3A_864, %div3A_872 : vector<16xf32>
      %mul3A_876 = arith.mulf %exp3A_866, %div3A_872 : vector<16xf32>
      %scan3A_877 = arith.constant 0 : i32
      %scan3A_878 = arith.constant 16 : i32
      %scan3A_879 = arith.addi %scan3A_877, %scan3A_878 : i32
      %scan3A_880 = arith.constant 1 : i32
      scf.for %scan3A_1062 = %scan3A_877 to %scan3A_879 step %scan3A_880  : i32 {
        %add3A_1063 = arith.constant 32 : i32
        %add3A_1064 = arith.addi %add3A_1063, %scan3A_1062 : i32
        %broadcast_in_dim3A = vector.broadcast %scan3A_1062 : i32 to vector<16x1xi32>
        %gather3A = vector.shape_cast %broadcast_in_dim3A : vector<16x1xi32> to vector<16xi32>
        %gather3A_1065 = tpu.dynamic_gather %mul3A_873[%gather3A] in [0] : vector<16xf32>, vector<16xi32> -> vector<16xf32>
        %get3A_1066 = arith.index_cast %add3A_1064 : i32 to index
        %get3A_1067 = arith.constant 0 : index
        %get3A_1068 = tpu.vector_load %arg11[%get3A_1066, %get3A_1067] {strides = array<i32>} : memref<80x128xf32, #tpu.memory_space<vmem>>, vector<16xf32>,
        %mul3A_1069 = arith.mulf %get3A_1068, %gather3A_1065 : vector<16xf32>
        %swap3A_1070 = arith.index_cast %add3A_1064 : i32 to index
        %swap3A_1071 = arith.constant 0 : index
        %swap3A_1072 = tpu.vector_load %arg11[%swap3A_1070, %swap3A_1071] {strides = array<i32>} : memref<80x128xf32, #tpu.memory_space<vmem>>, vector<16xf32>,
        tpu.vector_store %arg11[%swap3A_1070, %swap3A_1071], %mul3A_1069 {strides = array<i32>} : memref<80x128xf32, #tpu.memory_space<vmem>>, vector<16xf32>,
        %get3A_1073 = arith.index_cast %add3A_1064 : i32 to index
        %get3A_1074 = arith.constant 16 : index
        %get3A_1075 = tpu.vector_load %arg11[%get3A_1073, %get3A_1074] {strides = array<i32>} : memref<80x128xf32, #tpu.memory_space<vmem>>, vector<16xf32>,
        %mul3A_1076 = arith.mulf %get3A_1075, %gather3A_1065 : vector<16xf32>
        %swap3A_1077 = arith.index_cast %add3A_1064 : i32 to index
        %swap3A_1078 = arith.constant 16 : index
        %swap3A_1079 = tpu.vector_load %arg11[%swap3A_1077, %swap3A_1078] {strides = array<i32>} : memref<80x128xf32, #tpu.memory_space<vmem>>, vector<16xf32>,
        tpu.vector_store %arg11[%swap3A_1077, %swap3A_1078], %mul3A_1076 {strides = array<i32>} : memref<80x128xf32, #tpu.memory_space<vmem>>, vector<16xf32>,
        %gather3A_1080 = vector.shape_cast %broadcast_in_dim3A : vector<16x1xi32> to vector<16xi32>
        %gather3A_1081 = tpu.dynamic_gather %mul3A_874[%gather3A_1080] in [0] : vector<16xf32>, vector<16xi32> -> vector<16xf32>
        %get3A_1082 = arith.index_cast %add3A_1064 : i32 to index
        %get3A_1083 = arith.constant 32 : index
        %get3A_1084 = tpu.vector_load %arg11[%get3A_1082, %get3A_1083] {strides = array<i32>} : memref<80x128xf32, #tpu.memory_space<vmem>>, vector<16xf32>,
        %mul3A_1085 = arith.mulf %get3A_1084, %gather3A_1081 : vector<16xf32>
        %swap3A_1086 = arith.index_cast %add3A_1064 : i32 to index
        %swap3A_1087 = arith.constant 32 : index
        %swap3A_1088 = tpu.vector_load %arg11[%swap3A_1086, %swap3A_1087] {strides = array<i32>} : memref<80x128xf32, #tpu.memory_space<vmem>>, vector<16xf32>,
        tpu.vector_store %arg11[%swap3A_1086, %swap3A_1087], %mul3A_1085 {strides = array<i32>} : memref<80x128xf32, #tpu.memory_space<vmem>>, vector<16xf32>,
        %get3A_1089 = arith.index_cast %add3A_1064 : i32 to index
        %get3A_1090 = arith.constant 48 : index
        %get3A_1091 = tpu.vector_load %arg11[%get3A_1089, %get3A_1090] {strides = array<i32>} : memref<80x128xf32, #tpu.memory_space<vmem>>, vector<16xf32>,
        %mul3A_1092 = arith.mulf %get3A_1091, %gather3A_1081 : vector<16xf32>
        %swap3A_1093 = arith.index_cast %add3A_1064 : i32 to index
        %swap3A_1094 = arith.constant 48 : index
        %swap3A_1095 = tpu.vector_load %arg11[%swap3A_1093, %swap3A_1094] {strides = array<i32>} : memref<80x128xf32, #tpu.memory_space<vmem>>, vector<16xf32>,
        tpu.vector_store %arg11[%swap3A_1093, %swap3A_1094], %mul3A_1092 {strides = array<i32>} : memref<80x128xf32, #tpu.memory_space<vmem>>, vector<16xf32>,
        %gather3A_1096 = vector.shape_cast %broadcast_in_dim3A : vector<16x1xi32> to vector<16xi32>
        %gather3A_1097 = tpu.dynamic_gather %mul3A_875[%gather3A_1096] in [0] : vector<16xf32>, vector<16xi32> -> vector<16xf32>
        %get3A_1098 = arith.index_cast %add3A_1064 : i32 to index
        %get3A_1099 = arith.constant 64 : index
        %get3A_1100 = tpu.vector_load %arg11[%get3A_1098, %get3A_1099] {strides = array<i32>} : memref<80x128xf32, #tpu.memory_space<vmem>>, vector<16xf32>,
        %mul3A_1101 = arith.mulf %get3A_1100, %gather3A_1097 : vector<16xf32>
        %swap3A_1102 = arith.index_cast %add3A_1064 : i32 to index
        %swap3A_1103 = arith.constant 64 : index
        %swap3A_1104 = tpu.vector_load %arg11[%swap3A_1102, %swap3A_1103] {strides = array<i32>} : memref<80x128xf32, #tpu.memory_space<vmem>>, vector<16xf32>,
        tpu.vector_store %arg11[%swap3A_1102, %swap3A_1103], %mul3A_1101 {strides = array<i32>} : memref<80x128xf32, #tpu.memory_space<vmem>>, vector<16xf32>,
        %get3A_1105 = arith.index_cast %add3A_1064 : i32 to index
        %get3A_1106 = arith.constant 80 : index
        %get3A_1107 = tpu.vector_load %arg11[%get3A_1105, %get3A_1106] {strides = array<i32>} : memref<80x128xf32, #tpu.memory_space<vmem>>, vector<16xf32>,
        %mul3A_1108 = arith.mulf %get3A_1107, %gather3A_1097 : vector<16xf32>
        %swap3A_1109 = arith.index_cast %add3A_1064 : i32 to index
        %swap3A_1110 = arith.constant 80 : index
        %swap3A_1111 = tpu.vector_load %arg11[%swap3A_1109, %swap3A_1110] {strides = array<i32>} : memref<80x128xf32, #tpu.memory_space<vmem>>, vector<16xf32>,
        tpu.vector_store %arg11[%swap3A_1109, %swap3A_1110], %mul3A_1108 {strides = array<i32>} : memref<80x128xf32, #tpu.memory_space<vmem>>, vector<16xf32>,
        %gather3A_1112 = vector.shape_cast %broadcast_in_dim3A : vector<16x1xi32> to vector<16xi32>
        %gather3A_1113 = tpu.dynamic_gather %mul3A_876[%gather3A_1112] in [0] : vector<16xf32>, vector<16xi32> -> vector<16xf32>
        %get3A_1114 = arith.index_cast %add3A_1064 : i32 to index
        %get3A_1115 = arith.constant 96 : index
        %get3A_1116 = tpu.vector_load %arg11[%get3A_1114, %get3A_1115] {strides = array<i32>} : memref<80x128xf32, #tpu.memory_space<vmem>>, vector<16xf32>,
        %mul3A_1117 = arith.mulf %get3A_1116, %gather3A_1113 : vector<16xf32>
        %swap3A_1118 = arith.index_cast %add3A_1064 : i32 to index
        %swap3A_1119 = arith.constant 96 : index
        %swap3A_1120 = tpu.vector_load %arg11[%swap3A_1118, %swap3A_1119] {strides = array<i32>} : memref<80x128xf32, #tpu.memory_space<vmem>>, vector<16xf32>,
        tpu.vector_store %arg11[%swap3A_1118, %swap3A_1119], %mul3A_1117 {strides = array<i32>} : memref<80x128xf32, #tpu.memory_space<vmem>>, vector<16xf32>,
        %get3A_1121 = arith.index_cast %add3A_1064 : i32 to index
        %get3A_1122 = arith.constant 112 : index
        %get3A_1123 = tpu.vector_load %arg11[%get3A_1121, %get3A_1122] {strides = array<i32>} : memref<80x128xf32, #tpu.memory_space<vmem>>, vector<16xf32>,
        %mul3A_1124 = arith.mulf %get3A_1123, %gather3A_1113 : vector<16xf32>
        %swap3A_1125 = arith.index_cast %add3A_1064 : i32 to index
        %swap3A_1126 = arith.constant 112 : index
        %swap3A_1127 = tpu.vector_load %arg11[%swap3A_1125, %swap3A_1126] {strides = array<i32>} : memref<80x128xf32, #tpu.memory_space<vmem>>, vector<16xf32>,
        tpu.vector_store %arg11[%swap3A_1125, %swap3A_1126], %mul3A_1124 {strides = array<i32>} : memref<80x128xf32, #tpu.memory_space<vmem>>, vector<16xf32>,
      }
      %scan3A_881 = arith.constant 16 : i32
      %get3A_882 = arith.constant 0 : i32
      %get3A_883 = arith.index_cast %get3A_882 : i32 to index
      %get3A_884 = arith.constant 48 : index
      %get3A_885 = tpu.vector_load %arg10[%get3A_883, %get3A_884] {strides = array<i32>} : memref<8x80xf32, #tpu.memory_space<vmem>>, vector<16xf32>,
      %get3A_886 = arith.constant 4 : i32
      %get3A_887 = arith.index_cast %get3A_886 : i32 to index
      %get3A_888 = arith.constant 48 : index
      %get3A_889 = tpu.vector_load %arg10[%get3A_887, %get3A_888] {strides = array<i32>} : memref<8x80xf32, #tpu.memory_space<vmem>>, vector<16xf32>,
      %add3A_890 = arith.addf %get3A_885, %get3A_889 : vector<16xf32>
      %ge3A_891 = arith.constant 0.000000e+00 : f32
      %ge3A_892 = vector.broadcast %ge3A_891 : f32 to vector<16xf32>
      %ge3A_893 = arith.cmpf oge, %add3A_890, %ge3A_892 : vector<16xf32>
      %mul3A_894 = arith.constant 2.000000e-01 : f32
      %mul3A_895 = vector.broadcast %mul3A_894 : f32 to vector<16xf32>
      %mul3A_896 = arith.mulf %mul3A_895, %add3A_890 : vector<16xf32>
      %select_n3A_897 = arith.select %ge3A_893, %add3A_890, %mul3A_896 : vector<16xi1>, vector<16xf32>
      %get3A_898 = arith.constant 1 : i32
      %get3A_899 = arith.index_cast %get3A_898 : i32 to index
      %get3A_900 = arith.constant 48 : index
      %get3A_901 = tpu.vector_load %arg10[%get3A_899, %get3A_900] {strides = array<i32>} : memref<8x80xf32, #tpu.memory_space<vmem>>, vector<16xf32>,
      %get3A_902 = arith.constant 5 : i32
      %get3A_903 = arith.index_cast %get3A_902 : i32 to index
      %get3A_904 = arith.constant 48 : index
      %get3A_905 = tpu.vector_load %arg10[%get3A_903, %get3A_904] {strides = array<i32>} : memref<8x80xf32, #tpu.memory_space<vmem>>, vector<16xf32>,
      %add3A_906 = arith.addf %get3A_901, %get3A_905 : vector<16xf32>
      %ge3A_907 = arith.constant 0.000000e+00 : f32
      %ge3A_908 = vector.broadcast %ge3A_907 : f32 to vector<16xf32>
      %ge3A_909 = arith.cmpf oge, %add3A_906, %ge3A_908 : vector<16xf32>
      %mul3A_910 = arith.constant 2.000000e-01 : f32
      %mul3A_911 = vector.broadcast %mul3A_910 : f32 to vector<16xf32>
      %mul3A_912 = arith.mulf %mul3A_911, %add3A_906 : vector<16xf32>
      %select_n3A_913 = arith.select %ge3A_909, %add3A_906, %mul3A_912 : vector<16xi1>, vector<16xf32>
      %get3A_914 = arith.constant 2 : i32
      %get3A_915 = arith.index_cast %get3A_914 : i32 to index
      %get3A_916 = arith.constant 48 : index
      %get3A_917 = tpu.vector_load %arg10[%get3A_915, %get3A_916] {strides = array<i32>} : memref<8x80xf32, #tpu.memory_space<vmem>>, vector<16xf32>,
      %get3A_918 = arith.constant 6 : i32
      %get3A_919 = arith.index_cast %get3A_918 : i32 to index
      %get3A_920 = arith.constant 48 : index
      %get3A_921 = tpu.vector_load %arg10[%get3A_919, %get3A_920] {strides = array<i32>} : memref<8x80xf32, #tpu.memory_space<vmem>>, vector<16xf32>,
      %add3A_922 = arith.addf %get3A_917, %get3A_921 : vector<16xf32>
      %ge3A_923 = arith.constant 0.000000e+00 : f32
      %ge3A_924 = vector.broadcast %ge3A_923 : f32 to vector<16xf32>
      %ge3A_925 = arith.cmpf oge, %add3A_922, %ge3A_924 : vector<16xf32>
      %mul3A_926 = arith.constant 2.000000e-01 : f32
      %mul3A_927 = vector.broadcast %mul3A_926 : f32 to vector<16xf32>
      %mul3A_928 = arith.mulf %mul3A_927, %add3A_922 : vector<16xf32>
      %select_n3A_929 = arith.select %ge3A_925, %add3A_922, %mul3A_928 : vector<16xi1>, vector<16xf32>
      %get3A_930 = arith.constant 3 : i32
      %get3A_931 = arith.index_cast %get3A_930 : i32 to index
      %get3A_932 = arith.constant 48 : index
      %get3A_933 = tpu.vector_load %arg10[%get3A_931, %get3A_932] {strides = array<i32>} : memref<8x80xf32, #tpu.memory_space<vmem>>, vector<16xf32>,
      %get3A_934 = arith.constant 7 : i32
      %get3A_935 = arith.index_cast %get3A_934 : i32 to index
      %get3A_936 = arith.constant 48 : index
      %get3A_937 = tpu.vector_load %arg10[%get3A_935, %get3A_936] {strides = array<i32>} : memref<8x80xf32, #tpu.memory_space<vmem>>, vector<16xf32>,
      %add3A_938 = arith.addf %get3A_933, %get3A_937 : vector<16xf32>
      %ge3A_939 = arith.constant 0.000000e+00 : f32
      %ge3A_940 = vector.broadcast %ge3A_939 : f32 to vector<16xf32>
      %ge3A_941 = arith.cmpf oge, %add3A_938, %ge3A_940 : vector<16xf32>
      %mul3A_942 = arith.constant 2.000000e-01 : f32
      %mul3A_943 = vector.broadcast %mul3A_942 : f32 to vector<16xf32>
      %mul3A_944 = arith.mulf %mul3A_943, %add3A_938 : vector<16xf32>
      %select_n3A_945 = arith.select %ge3A_941, %add3A_938, %mul3A_944 : vector<16xi1>, vector<16xf32>
      %max3A_946 = arith.maximumf %select_n3A_897, %select_n3A_913 : vector<16xf32>
      %max3A_947 = arith.maximumf %select_n3A_929, %select_n3A_945 : vector<16xf32>
      %max3A_948 = arith.maximumf %max3A_946, %max3A_947 : vector<16xf32>
      %sub3A_949 = arith.subf %select_n3A_897, %max3A_948 : vector<16xf32>
      %exp3A_950 = math.exp %sub3A_949 : vector<16xf32>
      %sub3A_951 = arith.subf %select_n3A_913, %max3A_948 : vector<16xf32>
      %exp3A_952 = math.exp %sub3A_951 : vector<16xf32>
      %sub3A_953 = arith.subf %select_n3A_929, %max3A_948 : vector<16xf32>
      %exp3A_954 = math.exp %sub3A_953 : vector<16xf32>
      %sub3A_955 = arith.subf %select_n3A_945, %max3A_948 : vector<16xf32>
      %exp3A_956 = math.exp %sub3A_955 : vector<16xf32>
      %add3A_957 = arith.addf %exp3A_950, %exp3A_952 : vector<16xf32>
      %add3A_958 = arith.addf %add3A_957, %exp3A_954 : vector<16xf32>
      %add3A_959 = arith.addf %add3A_958, %exp3A_956 : vector<16xf32>
      %div3A_960 = arith.constant 1.000000e+00 : f32
      %div3A_961 = vector.broadcast %div3A_960 : f32 to vector<16xf32>
      %div3A_962 = arith.divf %div3A_961, %add3A_959 : vector<16xf32>
      %mul3A_963 = arith.mulf %exp3A_950, %div3A_962 : vector<16xf32>
      %mul3A_964 = arith.mulf %exp3A_952, %div3A_962 : vector<16xf32>
      %mul3A_965 = arith.mulf %exp3A_954, %div3A_962 : vector<16xf32>
      %mul3A_966 = arith.mulf %exp3A_956, %div3A_962 : vector<16xf32>
      %scan3A_967 = arith.constant 0 : i32
      %scan3A_968 = arith.constant 16 : i32
      %scan3A_969 = arith.addi %scan3A_967, %scan3A_968 : i32
      %scan3A_970 = arith.constant 1 : i32
      scf.for %scan3A_1062 = %scan3A_967 to %scan3A_969 step %scan3A_970  : i32 {
        %add3A_1063 = arith.constant 48 : i32
        %add3A_1064 = arith.addi %add3A_1063, %scan3A_1062 : i32
        %broadcast_in_dim3A = vector.broadcast %scan3A_1062 : i32 to vector<16x1xi32>
        %gather3A = vector.shape_cast %broadcast_in_dim3A : vector<16x1xi32> to vector<16xi32>
        %gather3A_1065 = tpu.dynamic_gather %mul3A_963[%gather3A] in [0] : vector<16xf32>, vector<16xi32> -> vector<16xf32>
        %get3A_1066 = arith.index_cast %add3A_1064 : i32 to index
        %get3A_1067 = arith.constant 0 : index
        %get3A_1068 = tpu.vector_load %arg11[%get3A_1066, %get3A_1067] {strides = array<i32>} : memref<80x128xf32, #tpu.memory_space<vmem>>, vector<16xf32>,
        %mul3A_1069 = arith.mulf %get3A_1068, %gather3A_1065 : vector<16xf32>
        %swap3A_1070 = arith.index_cast %add3A_1064 : i32 to index
        %swap3A_1071 = arith.constant 0 : index
        %swap3A_1072 = tpu.vector_load %arg11[%swap3A_1070, %swap3A_1071] {strides = array<i32>} : memref<80x128xf32, #tpu.memory_space<vmem>>, vector<16xf32>,
        tpu.vector_store %arg11[%swap3A_1070, %swap3A_1071], %mul3A_1069 {strides = array<i32>} : memref<80x128xf32, #tpu.memory_space<vmem>>, vector<16xf32>,
        %get3A_1073 = arith.index_cast %add3A_1064 : i32 to index
        %get3A_1074 = arith.constant 16 : index
        %get3A_1075 = tpu.vector_load %arg11[%get3A_1073, %get3A_1074] {strides = array<i32>} : memref<80x128xf32, #tpu.memory_space<vmem>>, vector<16xf32>,
        %mul3A_1076 = arith.mulf %get3A_1075, %gather3A_1065 : vector<16xf32>
        %swap3A_1077 = arith.index_cast %add3A_1064 : i32 to index
        %swap3A_1078 = arith.constant 16 : index
        %swap3A_1079 = tpu.vector_load %arg11[%swap3A_1077, %swap3A_1078] {strides = array<i32>} : memref<80x128xf32, #tpu.memory_space<vmem>>, vector<16xf32>,
        tpu.vector_store %arg11[%swap3A_1077, %swap3A_1078], %mul3A_1076 {strides = array<i32>} : memref<80x128xf32, #tpu.memory_space<vmem>>, vector<16xf32>,
        %gather3A_1080 = vector.shape_cast %broadcast_in_dim3A : vector<16x1xi32> to vector<16xi32>
        %gather3A_1081 = tpu.dynamic_gather %mul3A_964[%gather3A_1080] in [0] : vector<16xf32>, vector<16xi32> -> vector<16xf32>
        %get3A_1082 = arith.index_cast %add3A_1064 : i32 to index
        %get3A_1083 = arith.constant 32 : index
        %get3A_1084 = tpu.vector_load %arg11[%get3A_1082, %get3A_1083] {strides = array<i32>} : memref<80x128xf32, #tpu.memory_space<vmem>>, vector<16xf32>,
        %mul3A_1085 = arith.mulf %get3A_1084, %gather3A_1081 : vector<16xf32>
        %swap3A_1086 = arith.index_cast %add3A_1064 : i32 to index
        %swap3A_1087 = arith.constant 32 : index
        %swap3A_1088 = tpu.vector_load %arg11[%swap3A_1086, %swap3A_1087] {strides = array<i32>} : memref<80x128xf32, #tpu.memory_space<vmem>>, vector<16xf32>,
        tpu.vector_store %arg11[%swap3A_1086, %swap3A_1087], %mul3A_1085 {strides = array<i32>} : memref<80x128xf32, #tpu.memory_space<vmem>>, vector<16xf32>,
        %get3A_1089 = arith.index_cast %add3A_1064 : i32 to index
        %get3A_1090 = arith.constant 48 : index
        %get3A_1091 = tpu.vector_load %arg11[%get3A_1089, %get3A_1090] {strides = array<i32>} : memref<80x128xf32, #tpu.memory_space<vmem>>, vector<16xf32>,
        %mul3A_1092 = arith.mulf %get3A_1091, %gather3A_1081 : vector<16xf32>
        %swap3A_1093 = arith.index_cast %add3A_1064 : i32 to index
        %swap3A_1094 = arith.constant 48 : index
        %swap3A_1095 = tpu.vector_load %arg11[%swap3A_1093, %swap3A_1094] {strides = array<i32>} : memref<80x128xf32, #tpu.memory_space<vmem>>, vector<16xf32>,
        tpu.vector_store %arg11[%swap3A_1093, %swap3A_1094], %mul3A_1092 {strides = array<i32>} : memref<80x128xf32, #tpu.memory_space<vmem>>, vector<16xf32>,
        %gather3A_1096 = vector.shape_cast %broadcast_in_dim3A : vector<16x1xi32> to vector<16xi32>
        %gather3A_1097 = tpu.dynamic_gather %mul3A_965[%gather3A_1096] in [0] : vector<16xf32>, vector<16xi32> -> vector<16xf32>
        %get3A_1098 = arith.index_cast %add3A_1064 : i32 to index
        %get3A_1099 = arith.constant 64 : index
        %get3A_1100 = tpu.vector_load %arg11[%get3A_1098, %get3A_1099] {strides = array<i32>} : memref<80x128xf32, #tpu.memory_space<vmem>>, vector<16xf32>,
        %mul3A_1101 = arith.mulf %get3A_1100, %gather3A_1097 : vector<16xf32>
        %swap3A_1102 = arith.index_cast %add3A_1064 : i32 to index
        %swap3A_1103 = arith.constant 64 : index
        %swap3A_1104 = tpu.vector_load %arg11[%swap3A_1102, %swap3A_1103] {strides = array<i32>} : memref<80x128xf32, #tpu.memory_space<vmem>>, vector<16xf32>,
        tpu.vector_store %arg11[%swap3A_1102, %swap3A_1103], %mul3A_1101 {strides = array<i32>} : memref<80x128xf32, #tpu.memory_space<vmem>>, vector<16xf32>,
        %get3A_1105 = arith.index_cast %add3A_1064 : i32 to index
        %get3A_1106 = arith.constant 80 : index
        %get3A_1107 = tpu.vector_load %arg11[%get3A_1105, %get3A_1106] {strides = array<i32>} : memref<80x128xf32, #tpu.memory_space<vmem>>, vector<16xf32>,
        %mul3A_1108 = arith.mulf %get3A_1107, %gather3A_1097 : vector<16xf32>
        %swap3A_1109 = arith.index_cast %add3A_1064 : i32 to index
        %swap3A_1110 = arith.constant 80 : index
        %swap3A_1111 = tpu.vector_load %arg11[%swap3A_1109, %swap3A_1110] {strides = array<i32>} : memref<80x128xf32, #tpu.memory_space<vmem>>, vector<16xf32>,
        tpu.vector_store %arg11[%swap3A_1109, %swap3A_1110], %mul3A_1108 {strides = array<i32>} : memref<80x128xf32, #tpu.memory_space<vmem>>, vector<16xf32>,
        %gather3A_1112 = vector.shape_cast %broadcast_in_dim3A : vector<16x1xi32> to vector<16xi32>
        %gather3A_1113 = tpu.dynamic_gather %mul3A_966[%gather3A_1112] in [0] : vector<16xf32>, vector<16xi32> -> vector<16xf32>
        %get3A_1114 = arith.index_cast %add3A_1064 : i32 to index
        %get3A_1115 = arith.constant 96 : index
        %get3A_1116 = tpu.vector_load %arg11[%get3A_1114, %get3A_1115] {strides = array<i32>} : memref<80x128xf32, #tpu.memory_space<vmem>>, vector<16xf32>,
        %mul3A_1117 = arith.mulf %get3A_1116, %gather3A_1113 : vector<16xf32>
        %swap3A_1118 = arith.index_cast %add3A_1064 : i32 to index
        %swap3A_1119 = arith.constant 96 : index
        %swap3A_1120 = tpu.vector_load %arg11[%swap3A_1118, %swap3A_1119] {strides = array<i32>} : memref<80x128xf32, #tpu.memory_space<vmem>>, vector<16xf32>,
        tpu.vector_store %arg11[%swap3A_1118, %swap3A_1119], %mul3A_1117 {strides = array<i32>} : memref<80x128xf32, #tpu.memory_space<vmem>>, vector<16xf32>,
        %get3A_1121 = arith.index_cast %add3A_1064 : i32 to index
        %get3A_1122 = arith.constant 112 : index
        %get3A_1123 = tpu.vector_load %arg11[%get3A_1121, %get3A_1122] {strides = array<i32>} : memref<80x128xf32, #tpu.memory_space<vmem>>, vector<16xf32>,
        %mul3A_1124 = arith.mulf %get3A_1123, %gather3A_1113 : vector<16xf32>
        %swap3A_1125 = arith.index_cast %add3A_1064 : i32 to index
        %swap3A_1126 = arith.constant 112 : index
        %swap3A_1127 = tpu.vector_load %arg11[%swap3A_1125, %swap3A_1126] {strides = array<i32>} : memref<80x128xf32, #tpu.memory_space<vmem>>, vector<16xf32>,
        tpu.vector_store %arg11[%swap3A_1125, %swap3A_1126], %mul3A_1124 {strides = array<i32>} : memref<80x128xf32, #tpu.memory_space<vmem>>, vector<16xf32>,
      }
      %scan3A_971 = arith.constant 16 : i32
      %get3A_972 = arith.constant 0 : i32
      %get3A_973 = arith.index_cast %get3A_972 : i32 to index
      %get3A_974 = arith.constant 64 : index
      %get3A_975 = tpu.vector_load %arg10[%get3A_973, %get3A_974] {strides = array<i32>} : memref<8x80xf32, #tpu.memory_space<vmem>>, vector<16xf32>,
      %get3A_976 = arith.constant 4 : i32
      %get3A_977 = arith.index_cast %get3A_976 : i32 to index
      %get3A_978 = arith.constant 64 : index
      %get3A_979 = tpu.vector_load %arg10[%get3A_977, %get3A_978] {strides = array<i32>} : memref<8x80xf32, #tpu.memory_space<vmem>>, vector<16xf32>,
      %add3A_980 = arith.addf %get3A_975, %get3A_979 : vector<16xf32>
      %ge3A_981 = arith.constant 0.000000e+00 : f32
      %ge3A_982 = vector.broadcast %ge3A_981 : f32 to vector<16xf32>
      %ge3A_983 = arith.cmpf oge, %add3A_980, %ge3A_982 : vector<16xf32>
      %mul3A_984 = arith.constant 2.000000e-01 : f32
      %mul3A_985 = vector.broadcast %mul3A_984 : f32 to vector<16xf32>
      %mul3A_986 = arith.mulf %mul3A_985, %add3A_980 : vector<16xf32>
      %select_n3A_987 = arith.select %ge3A_983, %add3A_980, %mul3A_986 : vector<16xi1>, vector<16xf32>
      %get3A_988 = arith.constant 1 : i32
      %get3A_989 = arith.index_cast %get3A_988 : i32 to index
      %get3A_990 = arith.constant 64 : index
      %get3A_991 = tpu.vector_load %arg10[%get3A_989, %get3A_990] {strides = array<i32>} : memref<8x80xf32, #tpu.memory_space<vmem>>, vector<16xf32>,
      %get3A_992 = arith.constant 5 : i32
      %get3A_993 = arith.index_cast %get3A_992 : i32 to index
      %get3A_994 = arith.constant 64 : index
      %get3A_995 = tpu.vector_load %arg10[%get3A_993, %get3A_994] {strides = array<i32>} : memref<8x80xf32, #tpu.memory_space<vmem>>, vector<16xf32>,
      %add3A_996 = arith.addf %get3A_991, %get3A_995 : vector<16xf32>
      %ge3A_997 = arith.constant 0.000000e+00 : f32
      %ge3A_998 = vector.broadcast %ge3A_997 : f32 to vector<16xf32>
      %ge3A_999 = arith.cmpf oge, %add3A_996, %ge3A_998 : vector<16xf32>
      %mul3A_1000 = arith.constant 2.000000e-01 : f32
      %mul3A_1001 = vector.broadcast %mul3A_1000 : f32 to vector<16xf32>
      %mul3A_1002 = arith.mulf %mul3A_1001, %add3A_996 : vector<16xf32>
      %select_n3A_1003 = arith.select %ge3A_999, %add3A_996, %mul3A_1002 : vector<16xi1>, vector<16xf32>
      %get3A_1004 = arith.constant 2 : i32
      %get3A_1005 = arith.index_cast %get3A_1004 : i32 to index
      %get3A_1006 = arith.constant 64 : index
      %get3A_1007 = tpu.vector_load %arg10[%get3A_1005, %get3A_1006] {strides = array<i32>} : memref<8x80xf32, #tpu.memory_space<vmem>>, vector<16xf32>,
      %get3A_1008 = arith.constant 6 : i32
      %get3A_1009 = arith.index_cast %get3A_1008 : i32 to index
      %get3A_1010 = arith.constant 64 : index
      %get3A_1011 = tpu.vector_load %arg10[%get3A_1009, %get3A_1010] {strides = array<i32>} : memref<8x80xf32, #tpu.memory_space<vmem>>, vector<16xf32>,
      %add3A_1012 = arith.addf %get3A_1007, %get3A_1011 : vector<16xf32>
      %ge3A_1013 = arith.constant 0.000000e+00 : f32
      %ge3A_1014 = vector.broadcast %ge3A_1013 : f32 to vector<16xf32>
      %ge3A_1015 = arith.cmpf oge, %add3A_1012, %ge3A_1014 : vector<16xf32>
      %mul3A_1016 = arith.constant 2.000000e-01 : f32
      %mul3A_1017 = vector.broadcast %mul3A_1016 : f32 to vector<16xf32>
      %mul3A_1018 = arith.mulf %mul3A_1017, %add3A_1012 : vector<16xf32>
      %select_n3A_1019 = arith.select %ge3A_1015, %add3A_1012, %mul3A_1018 : vector<16xi1>, vector<16xf32>
      %get3A_1020 = arith.constant 3 : i32
      %get3A_1021 = arith.index_cast %get3A_1020 : i32 to index
      %get3A_1022 = arith.constant 64 : index
      %get3A_1023 = tpu.vector_load %arg10[%get3A_1021, %get3A_1022] {strides = array<i32>} : memref<8x80xf32, #tpu.memory_space<vmem>>, vector<16xf32>,
      %get3A_1024 = arith.constant 7 : i32
      %get3A_1025 = arith.index_cast %get3A_1024 : i32 to index
      %get3A_1026 = arith.constant 64 : index
      %get3A_1027 = tpu.vector_load %arg10[%get3A_1025, %get3A_1026] {strides = array<i32>} : memref<8x80xf32, #tpu.memory_space<vmem>>, vector<16xf32>,
      %add3A_1028 = arith.addf %get3A_1023, %get3A_1027 : vector<16xf32>
      %ge3A_1029 = arith.constant 0.000000e+00 : f32
      %ge3A_1030 = vector.broadcast %ge3A_1029 : f32 to vector<16xf32>
      %ge3A_1031 = arith.cmpf oge, %add3A_1028, %ge3A_1030 : vector<16xf32>
      %mul3A_1032 = arith.constant 2.000000e-01 : f32
      %mul3A_1033 = vector.broadcast %mul3A_1032 : f32 to vector<16xf32>
      %mul3A_1034 = arith.mulf %mul3A_1033, %add3A_1028 : vector<16xf32>
      %select_n3A_1035 = arith.select %ge3A_1031, %add3A_1028, %mul3A_1034 : vector<16xi1>, vector<16xf32>
      %max3A_1036 = arith.maximumf %select_n3A_987, %select_n3A_1003 : vector<16xf32>
      %max3A_1037 = arith.maximumf %select_n3A_1019, %select_n3A_1035 : vector<16xf32>
      %max3A_1038 = arith.maximumf %max3A_1036, %max3A_1037 : vector<16xf32>
      %sub3A_1039 = arith.subf %select_n3A_987, %max3A_1038 : vector<16xf32>
      %exp3A_1040 = math.exp %sub3A_1039 : vector<16xf32>
      %sub3A_1041 = arith.subf %select_n3A_1003, %max3A_1038 : vector<16xf32>
      %exp3A_1042 = math.exp %sub3A_1041 : vector<16xf32>
      %sub3A_1043 = arith.subf %select_n3A_1019, %max3A_1038 : vector<16xf32>
      %exp3A_1044 = math.exp %sub3A_1043 : vector<16xf32>
      %sub3A_1045 = arith.subf %select_n3A_1035, %max3A_1038 : vector<16xf32>
      %exp3A_1046 = math.exp %sub3A_1045 : vector<16xf32>
      %add3A_1047 = arith.addf %exp3A_1040, %exp3A_1042 : vector<16xf32>
      %add3A_1048 = arith.addf %add3A_1047, %exp3A_1044 : vector<16xf32>
      %add3A_1049 = arith.addf %add3A_1048, %exp3A_1046 : vector<16xf32>
      %div3A_1050 = arith.constant 1.000000e+00 : f32
      %div3A_1051 = vector.broadcast %div3A_1050 : f32 to vector<16xf32>
      %div3A_1052 = arith.divf %div3A_1051, %add3A_1049 : vector<16xf32>
      %mul3A_1053 = arith.mulf %exp3A_1040, %div3A_1052 : vector<16xf32>
      %mul3A_1054 = arith.mulf %exp3A_1042, %div3A_1052 : vector<16xf32>
      %mul3A_1055 = arith.mulf %exp3A_1044, %div3A_1052 : vector<16xf32>
      %mul3A_1056 = arith.mulf %exp3A_1046, %div3A_1052 : vector<16xf32>
      %scan3A_1057 = arith.constant 0 : i32
      %scan3A_1058 = arith.constant 16 : i32
      %scan3A_1059 = arith.addi %scan3A_1057, %scan3A_1058 : i32
      %scan3A_1060 = arith.constant 1 : i32
      scf.for %scan3A_1062 = %scan3A_1057 to %scan3A_1059 step %scan3A_1060  : i32 {
        %add3A_1063 = arith.constant 64 : i32
        %add3A_1064 = arith.addi %add3A_1063, %scan3A_1062 : i32
        %broadcast_in_dim3A = vector.broadcast %scan3A_1062 : i32 to vector<16x1xi32>
        %gather3A = vector.shape_cast %broadcast_in_dim3A : vector<16x1xi32> to vector<16xi32>
        %gather3A_1065 = tpu.dynamic_gather %mul3A_1053[%gather3A] in [0] : vector<16xf32>, vector<16xi32> -> vector<16xf32>
        %get3A_1066 = arith.index_cast %add3A_1064 : i32 to index
        %get3A_1067 = arith.constant 0 : index
        %get3A_1068 = tpu.vector_load %arg11[%get3A_1066, %get3A_1067] {strides = array<i32>} : memref<80x128xf32, #tpu.memory_space<vmem>>, vector<16xf32>,
        %mul3A_1069 = arith.mulf %get3A_1068, %gather3A_1065 : vector<16xf32>
        %swap3A_1070 = arith.index_cast %add3A_1064 : i32 to index
        %swap3A_1071 = arith.constant 0 : index
        %swap3A_1072 = tpu.vector_load %arg11[%swap3A_1070, %swap3A_1071] {strides = array<i32>} : memref<80x128xf32, #tpu.memory_space<vmem>>, vector<16xf32>,
        tpu.vector_store %arg11[%swap3A_1070, %swap3A_1071], %mul3A_1069 {strides = array<i32>} : memref<80x128xf32, #tpu.memory_space<vmem>>, vector<16xf32>,
        %get3A_1073 = arith.index_cast %add3A_1064 : i32 to index
        %get3A_1074 = arith.constant 16 : index
        %get3A_1075 = tpu.vector_load %arg11[%get3A_1073, %get3A_1074] {strides = array<i32>} : memref<80x128xf32, #tpu.memory_space<vmem>>, vector<16xf32>,
        %mul3A_1076 = arith.mulf %get3A_1075, %gather3A_1065 : vector<16xf32>
        %swap3A_1077 = arith.index_cast %add3A_1064 : i32 to index
        %swap3A_1078 = arith.constant 16 : index
        %swap3A_1079 = tpu.vector_load %arg11[%swap3A_1077, %swap3A_1078] {strides = array<i32>} : memref<80x128xf32, #tpu.memory_space<vmem>>, vector<16xf32>,
        tpu.vector_store %arg11[%swap3A_1077, %swap3A_1078], %mul3A_1076 {strides = array<i32>} : memref<80x128xf32, #tpu.memory_space<vmem>>, vector<16xf32>,
        %gather3A_1080 = vector.shape_cast %broadcast_in_dim3A : vector<16x1xi32> to vector<16xi32>
        %gather3A_1081 = tpu.dynamic_gather %mul3A_1054[%gather3A_1080] in [0] : vector<16xf32>, vector<16xi32> -> vector<16xf32>
        %get3A_1082 = arith.index_cast %add3A_1064 : i32 to index
        %get3A_1083 = arith.constant 32 : index
        %get3A_1084 = tpu.vector_load %arg11[%get3A_1082, %get3A_1083] {strides = array<i32>} : memref<80x128xf32, #tpu.memory_space<vmem>>, vector<16xf32>,
        %mul3A_1085 = arith.mulf %get3A_1084, %gather3A_1081 : vector<16xf32>
        %swap3A_1086 = arith.index_cast %add3A_1064 : i32 to index
        %swap3A_1087 = arith.constant 32 : index
        %swap3A_1088 = tpu.vector_load %arg11[%swap3A_1086, %swap3A_1087] {strides = array<i32>} : memref<80x128xf32, #tpu.memory_space<vmem>>, vector<16xf32>,
        tpu.vector_store %arg11[%swap3A_1086, %swap3A_1087], %mul3A_1085 {strides = array<i32>} : memref<80x128xf32, #tpu.memory_space<vmem>>, vector<16xf32>,
        %get3A_1089 = arith.index_cast %add3A_1064 : i32 to index
        %get3A_1090 = arith.constant 48 : index
        %get3A_1091 = tpu.vector_load %arg11[%get3A_1089, %get3A_1090] {strides = array<i32>} : memref<80x128xf32, #tpu.memory_space<vmem>>, vector<16xf32>,
        %mul3A_1092 = arith.mulf %get3A_1091, %gather3A_1081 : vector<16xf32>
        %swap3A_1093 = arith.index_cast %add3A_1064 : i32 to index
        %swap3A_1094 = arith.constant 48 : index
        %swap3A_1095 = tpu.vector_load %arg11[%swap3A_1093, %swap3A_1094] {strides = array<i32>} : memref<80x128xf32, #tpu.memory_space<vmem>>, vector<16xf32>,
        tpu.vector_store %arg11[%swap3A_1093, %swap3A_1094], %mul3A_1092 {strides = array<i32>} : memref<80x128xf32, #tpu.memory_space<vmem>>, vector<16xf32>,
        %gather3A_1096 = vector.shape_cast %broadcast_in_dim3A : vector<16x1xi32> to vector<16xi32>
        %gather3A_1097 = tpu.dynamic_gather %mul3A_1055[%gather3A_1096] in [0] : vector<16xf32>, vector<16xi32> -> vector<16xf32>
        %get3A_1098 = arith.index_cast %add3A_1064 : i32 to index
        %get3A_1099 = arith.constant 64 : index
        %get3A_1100 = tpu.vector_load %arg11[%get3A_1098, %get3A_1099] {strides = array<i32>} : memref<80x128xf32, #tpu.memory_space<vmem>>, vector<16xf32>,
        %mul3A_1101 = arith.mulf %get3A_1100, %gather3A_1097 : vector<16xf32>
        %swap3A_1102 = arith.index_cast %add3A_1064 : i32 to index
        %swap3A_1103 = arith.constant 64 : index
        %swap3A_1104 = tpu.vector_load %arg11[%swap3A_1102, %swap3A_1103] {strides = array<i32>} : memref<80x128xf32, #tpu.memory_space<vmem>>, vector<16xf32>,
        tpu.vector_store %arg11[%swap3A_1102, %swap3A_1103], %mul3A_1101 {strides = array<i32>} : memref<80x128xf32, #tpu.memory_space<vmem>>, vector<16xf32>,
        %get3A_1105 = arith.index_cast %add3A_1064 : i32 to index
        %get3A_1106 = arith.constant 80 : index
        %get3A_1107 = tpu.vector_load %arg11[%get3A_1105, %get3A_1106] {strides = array<i32>} : memref<80x128xf32, #tpu.memory_space<vmem>>, vector<16xf32>,
        %mul3A_1108 = arith.mulf %get3A_1107, %gather3A_1097 : vector<16xf32>
        %swap3A_1109 = arith.index_cast %add3A_1064 : i32 to index
        %swap3A_1110 = arith.constant 80 : index
        %swap3A_1111 = tpu.vector_load %arg11[%swap3A_1109, %swap3A_1110] {strides = array<i32>} : memref<80x128xf32, #tpu.memory_space<vmem>>, vector<16xf32>,
        tpu.vector_store %arg11[%swap3A_1109, %swap3A_1110], %mul3A_1108 {strides = array<i32>} : memref<80x128xf32, #tpu.memory_space<vmem>>, vector<16xf32>,
        %gather3A_1112 = vector.shape_cast %broadcast_in_dim3A : vector<16x1xi32> to vector<16xi32>
        %gather3A_1113 = tpu.dynamic_gather %mul3A_1056[%gather3A_1112] in [0] : vector<16xf32>, vector<16xi32> -> vector<16xf32>
        %get3A_1114 = arith.index_cast %add3A_1064 : i32 to index
        %get3A_1115 = arith.constant 96 : index
        %get3A_1116 = tpu.vector_load %arg11[%get3A_1114, %get3A_1115] {strides = array<i32>} : memref<80x128xf32, #tpu.memory_space<vmem>>, vector<16xf32>,
        %mul3A_1117 = arith.mulf %get3A_1116, %gather3A_1113 : vector<16xf32>
        %swap3A_1118 = arith.index_cast %add3A_1064 : i32 to index
        %swap3A_1119 = arith.constant 96 : index
        %swap3A_1120 = tpu.vector_load %arg11[%swap3A_1118, %swap3A_1119] {strides = array<i32>} : memref<80x128xf32, #tpu.memory_space<vmem>>, vector<16xf32>,
        tpu.vector_store %arg11[%swap3A_1118, %swap3A_1119], %mul3A_1117 {strides = array<i32>} : memref<80x128xf32, #tpu.memory_space<vmem>>, vector<16xf32>,
        %get3A_1121 = arith.index_cast %add3A_1064 : i32 to index
        %get3A_1122 = arith.constant 112 : index
        %get3A_1123 = tpu.vector_load %arg11[%get3A_1121, %get3A_1122] {strides = array<i32>} : memref<80x128xf32, #tpu.memory_space<vmem>>, vector<16xf32>,
        %mul3A_1124 = arith.mulf %get3A_1123, %gather3A_1113 : vector<16xf32>
        %swap3A_1125 = arith.index_cast %add3A_1064 : i32 to index
        %swap3A_1126 = arith.constant 112 : index
        %swap3A_1127 = tpu.vector_load %arg11[%swap3A_1125, %swap3A_1126] {strides = array<i32>} : memref<80x128xf32, #tpu.memory_space<vmem>>, vector<16xf32>,
        tpu.vector_store %arg11[%swap3A_1125, %swap3A_1126], %mul3A_1124 {strides = array<i32>} : memref<80x128xf32, #tpu.memory_space<vmem>>, vector<16xf32>,
      }
      %scan3A_1061 = arith.constant 16 : i32
      "tpu.region"() ({
        %run_scoped3A = tpu.sem_alloc : memref<!tpu.dma_semaphore, #tpu.memory_space<semaphore_mem>>
        %dma_start3A_1062 = arith.constant 0 : i32
        %dma_start3A_1063 = arith.constant 0 : i32
        %dma_start3A_1064 = tpu.memref_slice %arg13[%dma_start3A_1062, %dma_start3A_1063] : memref<10000x128xf32, #tpu.memory_space<vmem_shared>> -> memref<10000x128xf32, #tpu.memory_space<vmem_shared>>
        tpu.enqueue_indirect_dma source(%arg11 : memref<80x128xf32, #tpu.memory_space<vmem>>) target(%dma_start3A_1064 : memref<10000x128xf32, #tpu.memory_space<vmem_shared>>) offsets(%arg7 : memref<80xi32, #tpu.memory_space<vmem>>) semaphore(%run_scoped3A : memref<!tpu.dma_semaphore, #tpu.memory_space<semaphore_mem>>) {add = true}
        %dma_wait3A_1065 = arith.constant 0 : i32
        %dma_wait3A_1066 = arith.constant 0 : i32
        %dma_wait3A_1067 = tpu.memref_slice %arg13[%dma_wait3A_1065, %dma_wait3A_1066] : memref<10000x128xf32, #tpu.memory_space<vmem_shared>> -> memref<10000x128xf32, #tpu.memory_space<vmem_shared>>
        tpu.wait_indirect_dma semaphore(%run_scoped3A : memref<!tpu.dma_semaphore, #tpu.memory_space<semaphore_mem>>) src(%arg11 : memref<80x128xf32, #tpu.memory_space<vmem>>) dst(%dma_wait3A_1067 : memref<10000x128xf32, #tpu.memory_space<vmem_shared>>)
        tpu.yield
      }) : () -> ()
    }
    %scan3A_62 = arith.constant 125 : i32
    %barrier3A_63 = arith.constant 0 : index
    tpu.barrier barrier_id(%barrier3A_63)
    %add3A_64 = arith.constant 0 : i32
    %add3A_65 = arith.addi %add3A_64, %arg1 : i32
    %lt3A_66 = arith.constant 125 : i32
    %lt3A_67 = arith.cmpi slt, %add3A_65, %lt3A_66 : i32
    %convert_element_type3A_68 = arith.extui %lt3A_67 : i1 to i32
    %cond3A_69 = arith.constant 0 : i32
    %cond3A_70 = arith.cmpi ne, %convert_element_type3A_68, %cond3A_69 : i32
    scf.if %cond3A_70 {
      %mul3A_120 = arith.constant 80 : i32
      %mul3A_121 = arith.muli %add3A_65, %mul3A_120 : i32
      "tpu.region"() ({
        %run_scoped3A = tpu.sem_alloc : memref<!tpu.dma_semaphore, #tpu.memory_space<semaphore_mem>>
        %dma_start3A = arith.constant 0 : i32
        %dma_start3A_122 = tpu.memref_slice %arg13[%mul3A_121, %dma_start3A] : memref<10000x128xf32, #tpu.memory_space<vmem_shared>> -> memref<80x128xf32, #tpu.memory_space<vmem_shared>>
        %dma_start3A_123 = arith.constant 0 : i32
        %dma_start3A_124 = tpu.memref_slice %arg13[%mul3A_121, %dma_start3A_123] : memref<10000x128xf32, #tpu.memory_space<vmem_shared>> -> memref<80x128xf32, #tpu.memory_space<vmem_shared>>
        tpu.enqueue_dma source(%dma_start3A_124 : memref<80x128xf32, #tpu.memory_space<vmem_shared>>) target(%arg12 : memref<80x128xf32, #tpu.memory_space<vmem>>) target_semaphore(%run_scoped3A : memref<!tpu.dma_semaphore, #tpu.memory_space<semaphore_mem>>)
        %dma_wait3A = arith.constant 0 : i32
        %dma_wait3A_125 = tpu.memref_slice %arg13[%mul3A_121, %dma_wait3A] : memref<10000x128xf32, #tpu.memory_space<vmem_shared>> -> memref<80x128xf32, #tpu.memory_space<vmem_shared>>
        %dma_wait3A_126 = arith.constant 0 : i32
        %dma_wait3A_127 = tpu.memref_slice %arg13[%mul3A_121, %dma_wait3A_126] : memref<10000x128xf32, #tpu.memory_space<vmem_shared>> -> memref<80x128xf32, #tpu.memory_space<vmem_shared>>
        tpu.wait_dma2 semaphore(%run_scoped3A : memref<!tpu.dma_semaphore, #tpu.memory_space<semaphore_mem>>) src(%dma_wait3A_127 : memref<80x128xf32, #tpu.memory_space<vmem_shared>>) dst(%arg12 : memref<80x128xf32, #tpu.memory_space<vmem>>)
        tpu.yield
      }) : () -> ()
      "tpu.region"() ({
        %run_scoped3A = tpu.sem_alloc : memref<!tpu.dma_semaphore, #tpu.memory_space<semaphore_mem>>
        %dma_start3A = arith.constant 0 : i32
        %dma_start3A_122 = tpu.memref_slice %arg6[%arg0, %mul3A_121, %dma_start3A] : memref<2x10000x128xf32, #tpu.memory_space<hbm>> -> memref<1x80x128xf32, #tpu.memory_space<hbm>>
        %dma_start3A_123 = tpu.memref_squeeze %dma_start3A_122 : memref<1x80x128xf32, #tpu.memory_space<hbm>> -> memref<80x128xf32, #tpu.memory_space<hbm>>
        %dma_start3A_124 = arith.constant 0 : i32
        %dma_start3A_125 = tpu.memref_slice %arg6[%arg0, %mul3A_121, %dma_start3A_124] : memref<2x10000x128xf32, #tpu.memory_space<hbm>> -> memref<1x80x128xf32, #tpu.memory_space<hbm>>
        %dma_start3A_126 = tpu.memref_squeeze %dma_start3A_125 : memref<1x80x128xf32, #tpu.memory_space<hbm>> -> memref<80x128xf32, #tpu.memory_space<hbm>>
        tpu.enqueue_dma source(%arg12 : memref<80x128xf32, #tpu.memory_space<vmem>>) target(%dma_start3A_126 : memref<80x128xf32, #tpu.memory_space<hbm>>) target_semaphore(%run_scoped3A : memref<!tpu.dma_semaphore, #tpu.memory_space<semaphore_mem>>)
        %dma_wait3A = arith.constant 0 : i32
        %dma_wait3A_127 = tpu.memref_slice %arg6[%arg0, %mul3A_121, %dma_wait3A] : memref<2x10000x128xf32, #tpu.memory_space<hbm>> -> memref<1x80x128xf32, #tpu.memory_space<hbm>>
        %dma_wait3A_128 = tpu.memref_squeeze %dma_wait3A_127 : memref<1x80x128xf32, #tpu.memory_space<hbm>> -> memref<80x128xf32, #tpu.memory_space<hbm>>
        %dma_wait3A_129 = arith.constant 0 : i32
        %dma_wait3A_130 = tpu.memref_slice %arg6[%arg0, %mul3A_121, %dma_wait3A_129] : memref<2x10000x128xf32, #tpu.memory_space<hbm>> -> memref<1x80x128xf32, #tpu.memory_space<hbm>>
        %dma_wait3A_131 = tpu.memref_squeeze %dma_wait3A_130 : memref<1x80x128xf32, #tpu.memory_space<hbm>> -> memref<80x128xf32, #tpu.memory_space<hbm>>
        tpu.wait_dma2 semaphore(%run_scoped3A : memref<!tpu.dma_semaphore, #tpu.memory_space<semaphore_mem>>) src(%arg12 : memref<80x128xf32, #tpu.memory_space<vmem>>) dst(%dma_wait3A_131 : memref<80x128xf32, #tpu.memory_space<hbm>>)
        tpu.yield
      }) : () -> ()
    } else {
    }
    %add3A_71 = arith.constant 16 : i32
    %add3A_72 = arith.addi %add3A_71, %arg1 : i32
    %lt3A_73 = arith.constant 125 : i32
    %lt3A_74 = arith.cmpi slt, %add3A_72, %lt3A_73 : i32
    %convert_element_type3A_75 = arith.extui %lt3A_74 : i1 to i32
    %cond3A_76 = arith.constant 0 : i32
    %cond3A_77 = arith.cmpi ne, %convert_element_type3A_75, %cond3A_76 : i32
    scf.if %cond3A_77 {
      %mul3A_120 = arith.constant 80 : i32
      %mul3A_121 = arith.muli %add3A_72, %mul3A_120 : i32
      "tpu.region"() ({
        %run_scoped3A = tpu.sem_alloc : memref<!tpu.dma_semaphore, #tpu.memory_space<semaphore_mem>>
        %dma_start3A = arith.constant 0 : i32
        %dma_start3A_122 = tpu.memref_slice %arg13[%mul3A_121, %dma_start3A] : memref<10000x128xf32, #tpu.memory_space<vmem_shared>> -> memref<80x128xf32, #tpu.memory_space<vmem_shared>>
        %dma_start3A_123 = arith.constant 0 : i32
        %dma_start3A_124 = tpu.memref_slice %arg13[%mul3A_121, %dma_start3A_123] : memref<10000x128xf32, #tpu.memory_space<vmem_shared>> -> memref<80x128xf32, #tpu.memory_space<vmem_shared>>
        tpu.enqueue_dma source(%dma_start3A_124 : memref<80x128xf32, #tpu.memory_space<vmem_shared>>) target(%arg12 : memref<80x128xf32, #tpu.memory_space<vmem>>) target_semaphore(%run_scoped3A : memref<!tpu.dma_semaphore, #tpu.memory_space<semaphore_mem>>)
        %dma_wait3A = arith.constant 0 : i32
        %dma_wait3A_125 = tpu.memref_slice %arg13[%mul3A_121, %dma_wait3A] : memref<10000x128xf32, #tpu.memory_space<vmem_shared>> -> memref<80x128xf32, #tpu.memory_space<vmem_shared>>
        %dma_wait3A_126 = arith.constant 0 : i32
        %dma_wait3A_127 = tpu.memref_slice %arg13[%mul3A_121, %dma_wait3A_126] : memref<10000x128xf32, #tpu.memory_space<vmem_shared>> -> memref<80x128xf32, #tpu.memory_space<vmem_shared>>
        tpu.wait_dma2 semaphore(%run_scoped3A : memref<!tpu.dma_semaphore, #tpu.memory_space<semaphore_mem>>) src(%dma_wait3A_127 : memref<80x128xf32, #tpu.memory_space<vmem_shared>>) dst(%arg12 : memref<80x128xf32, #tpu.memory_space<vmem>>)
        tpu.yield
      }) : () -> ()
      "tpu.region"() ({
        %run_scoped3A = tpu.sem_alloc : memref<!tpu.dma_semaphore, #tpu.memory_space<semaphore_mem>>
        %dma_start3A = arith.constant 0 : i32
        %dma_start3A_122 = tpu.memref_slice %arg6[%arg0, %mul3A_121, %dma_start3A] : memref<2x10000x128xf32, #tpu.memory_space<hbm>> -> memref<1x80x128xf32, #tpu.memory_space<hbm>>
        %dma_start3A_123 = tpu.memref_squeeze %dma_start3A_122 : memref<1x80x128xf32, #tpu.memory_space<hbm>> -> memref<80x128xf32, #tpu.memory_space<hbm>>
        %dma_start3A_124 = arith.constant 0 : i32
        %dma_start3A_125 = tpu.memref_slice %arg6[%arg0, %mul3A_121, %dma_start3A_124] : memref<2x10000x128xf32, #tpu.memory_space<hbm>> -> memref<1x80x128xf32, #tpu.memory_space<hbm>>
        %dma_start3A_126 = tpu.memref_squeeze %dma_start3A_125 : memref<1x80x128xf32, #tpu.memory_space<hbm>> -> memref<80x128xf32, #tpu.memory_space<hbm>>
        tpu.enqueue_dma source(%arg12 : memref<80x128xf32, #tpu.memory_space<vmem>>) target(%dma_start3A_126 : memref<80x128xf32, #tpu.memory_space<hbm>>) target_semaphore(%run_scoped3A : memref<!tpu.dma_semaphore, #tpu.memory_space<semaphore_mem>>)
        %dma_wait3A = arith.constant 0 : i32
        %dma_wait3A_127 = tpu.memref_slice %arg6[%arg0, %mul3A_121, %dma_wait3A] : memref<2x10000x128xf32, #tpu.memory_space<hbm>> -> memref<1x80x128xf32, #tpu.memory_space<hbm>>
        %dma_wait3A_128 = tpu.memref_squeeze %dma_wait3A_127 : memref<1x80x128xf32, #tpu.memory_space<hbm>> -> memref<80x128xf32, #tpu.memory_space<hbm>>
        %dma_wait3A_129 = arith.constant 0 : i32
        %dma_wait3A_130 = tpu.memref_slice %arg6[%arg0, %mul3A_121, %dma_wait3A_129] : memref<2x10000x128xf32, #tpu.memory_space<hbm>> -> memref<1x80x128xf32, #tpu.memory_space<hbm>>
        %dma_wait3A_131 = tpu.memref_squeeze %dma_wait3A_130 : memref<1x80x128xf32, #tpu.memory_space<hbm>> -> memref<80x128xf32, #tpu.memory_space<hbm>>
        tpu.wait_dma2 semaphore(%run_scoped3A : memref<!tpu.dma_semaphore, #tpu.memory_space<semaphore_mem>>) src(%arg12 : memref<80x128xf32, #tpu.memory_space<vmem>>) dst(%dma_wait3A_131 : memref<80x128xf32, #tpu.memory_space<hbm>>)
        tpu.yield
      }) : () -> ()
    } else {
    }
    %add3A_78 = arith.constant 32 : i32
    %add3A_79 = arith.addi %add3A_78, %arg1 : i32
    %lt3A_80 = arith.constant 125 : i32
    %lt3A_81 = arith.cmpi slt, %add3A_79, %lt3A_80 : i32
    %convert_element_type3A_82 = arith.extui %lt3A_81 : i1 to i32
    %cond3A_83 = arith.constant 0 : i32
    %cond3A_84 = arith.cmpi ne, %convert_element_type3A_82, %cond3A_83 : i32
    scf.if %cond3A_84 {
      %mul3A_120 = arith.constant 80 : i32
      %mul3A_121 = arith.muli %add3A_79, %mul3A_120 : i32
      "tpu.region"() ({
        %run_scoped3A = tpu.sem_alloc : memref<!tpu.dma_semaphore, #tpu.memory_space<semaphore_mem>>
        %dma_start3A = arith.constant 0 : i32
        %dma_start3A_122 = tpu.memref_slice %arg13[%mul3A_121, %dma_start3A] : memref<10000x128xf32, #tpu.memory_space<vmem_shared>> -> memref<80x128xf32, #tpu.memory_space<vmem_shared>>
        %dma_start3A_123 = arith.constant 0 : i32
        %dma_start3A_124 = tpu.memref_slice %arg13[%mul3A_121, %dma_start3A_123] : memref<10000x128xf32, #tpu.memory_space<vmem_shared>> -> memref<80x128xf32, #tpu.memory_space<vmem_shared>>
        tpu.enqueue_dma source(%dma_start3A_124 : memref<80x128xf32, #tpu.memory_space<vmem_shared>>) target(%arg12 : memref<80x128xf32, #tpu.memory_space<vmem>>) target_semaphore(%run_scoped3A : memref<!tpu.dma_semaphore, #tpu.memory_space<semaphore_mem>>)
        %dma_wait3A = arith.constant 0 : i32
        %dma_wait3A_125 = tpu.memref_slice %arg13[%mul3A_121, %dma_wait3A] : memref<10000x128xf32, #tpu.memory_space<vmem_shared>> -> memref<80x128xf32, #tpu.memory_space<vmem_shared>>
        %dma_wait3A_126 = arith.constant 0 : i32
        %dma_wait3A_127 = tpu.memref_slice %arg13[%mul3A_121, %dma_wait3A_126] : memref<10000x128xf32, #tpu.memory_space<vmem_shared>> -> memref<80x128xf32, #tpu.memory_space<vmem_shared>>
        tpu.wait_dma2 semaphore(%run_scoped3A : memref<!tpu.dma_semaphore, #tpu.memory_space<semaphore_mem>>) src(%dma_wait3A_127 : memref<80x128xf32, #tpu.memory_space<vmem_shared>>) dst(%arg12 : memref<80x128xf32, #tpu.memory_space<vmem>>)
        tpu.yield
      }) : () -> ()
      "tpu.region"() ({
        %run_scoped3A = tpu.sem_alloc : memref<!tpu.dma_semaphore, #tpu.memory_space<semaphore_mem>>
        %dma_start3A = arith.constant 0 : i32
        %dma_start3A_122 = tpu.memref_slice %arg6[%arg0, %mul3A_121, %dma_start3A] : memref<2x10000x128xf32, #tpu.memory_space<hbm>> -> memref<1x80x128xf32, #tpu.memory_space<hbm>>
        %dma_start3A_123 = tpu.memref_squeeze %dma_start3A_122 : memref<1x80x128xf32, #tpu.memory_space<hbm>> -> memref<80x128xf32, #tpu.memory_space<hbm>>
        %dma_start3A_124 = arith.constant 0 : i32
        %dma_start3A_125 = tpu.memref_slice %arg6[%arg0, %mul3A_121, %dma_start3A_124] : memref<2x10000x128xf32, #tpu.memory_space<hbm>> -> memref<1x80x128xf32, #tpu.memory_space<hbm>>
        %dma_start3A_126 = tpu.memref_squeeze %dma_start3A_125 : memref<1x80x128xf32, #tpu.memory_space<hbm>> -> memref<80x128xf32, #tpu.memory_space<hbm>>
        tpu.enqueue_dma source(%arg12 : memref<80x128xf32, #tpu.memory_space<vmem>>) target(%dma_start3A_126 : memref<80x128xf32, #tpu.memory_space<hbm>>) target_semaphore(%run_scoped3A : memref<!tpu.dma_semaphore, #tpu.memory_space<semaphore_mem>>)
        %dma_wait3A = arith.constant 0 : i32
        %dma_wait3A_127 = tpu.memref_slice %arg6[%arg0, %mul3A_121, %dma_wait3A] : memref<2x10000x128xf32, #tpu.memory_space<hbm>> -> memref<1x80x128xf32, #tpu.memory_space<hbm>>
        %dma_wait3A_128 = tpu.memref_squeeze %dma_wait3A_127 : memref<1x80x128xf32, #tpu.memory_space<hbm>> -> memref<80x128xf32, #tpu.memory_space<hbm>>
        %dma_wait3A_129 = arith.constant 0 : i32
        %dma_wait3A_130 = tpu.memref_slice %arg6[%arg0, %mul3A_121, %dma_wait3A_129] : memref<2x10000x128xf32, #tpu.memory_space<hbm>> -> memref<1x80x128xf32, #tpu.memory_space<hbm>>
        %dma_wait3A_131 = tpu.memref_squeeze %dma_wait3A_130 : memref<1x80x128xf32, #tpu.memory_space<hbm>> -> memref<80x128xf32, #tpu.memory_space<hbm>>
        tpu.wait_dma2 semaphore(%run_scoped3A : memref<!tpu.dma_semaphore, #tpu.memory_space<semaphore_mem>>) src(%arg12 : memref<80x128xf32, #tpu.memory_space<vmem>>) dst(%dma_wait3A_131 : memref<80x128xf32, #tpu.memory_space<hbm>>)
        tpu.yield
      }) : () -> ()
    } else {
    }
    %add3A_85 = arith.constant 48 : i32
    %add3A_86 = arith.addi %add3A_85, %arg1 : i32
    %lt3A_87 = arith.constant 125 : i32
    %lt3A_88 = arith.cmpi slt, %add3A_86, %lt3A_87 : i32
    %convert_element_type3A_89 = arith.extui %lt3A_88 : i1 to i32
    %cond3A_90 = arith.constant 0 : i32
    %cond3A_91 = arith.cmpi ne, %convert_element_type3A_89, %cond3A_90 : i32
    scf.if %cond3A_91 {
      %mul3A_120 = arith.constant 80 : i32
      %mul3A_121 = arith.muli %add3A_86, %mul3A_120 : i32
      "tpu.region"() ({
        %run_scoped3A = tpu.sem_alloc : memref<!tpu.dma_semaphore, #tpu.memory_space<semaphore_mem>>
        %dma_start3A = arith.constant 0 : i32
        %dma_start3A_122 = tpu.memref_slice %arg13[%mul3A_121, %dma_start3A] : memref<10000x128xf32, #tpu.memory_space<vmem_shared>> -> memref<80x128xf32, #tpu.memory_space<vmem_shared>>
        %dma_start3A_123 = arith.constant 0 : i32
        %dma_start3A_124 = tpu.memref_slice %arg13[%mul3A_121, %dma_start3A_123] : memref<10000x128xf32, #tpu.memory_space<vmem_shared>> -> memref<80x128xf32, #tpu.memory_space<vmem_shared>>
        tpu.enqueue_dma source(%dma_start3A_124 : memref<80x128xf32, #tpu.memory_space<vmem_shared>>) target(%arg12 : memref<80x128xf32, #tpu.memory_space<vmem>>) target_semaphore(%run_scoped3A : memref<!tpu.dma_semaphore, #tpu.memory_space<semaphore_mem>>)
        %dma_wait3A = arith.constant 0 : i32
        %dma_wait3A_125 = tpu.memref_slice %arg13[%mul3A_121, %dma_wait3A] : memref<10000x128xf32, #tpu.memory_space<vmem_shared>> -> memref<80x128xf32, #tpu.memory_space<vmem_shared>>
        %dma_wait3A_126 = arith.constant 0 : i32
        %dma_wait3A_127 = tpu.memref_slice %arg13[%mul3A_121, %dma_wait3A_126] : memref<10000x128xf32, #tpu.memory_space<vmem_shared>> -> memref<80x128xf32, #tpu.memory_space<vmem_shared>>
        tpu.wait_dma2 semaphore(%run_scoped3A : memref<!tpu.dma_semaphore, #tpu.memory_space<semaphore_mem>>) src(%dma_wait3A_127 : memref<80x128xf32, #tpu.memory_space<vmem_shared>>) dst(%arg12 : memref<80x128xf32, #tpu.memory_space<vmem>>)
        tpu.yield
      }) : () -> ()
      "tpu.region"() ({
        %run_scoped3A = tpu.sem_alloc : memref<!tpu.dma_semaphore, #tpu.memory_space<semaphore_mem>>
        %dma_start3A = arith.constant 0 : i32
        %dma_start3A_122 = tpu.memref_slice %arg6[%arg0, %mul3A_121, %dma_start3A] : memref<2x10000x128xf32, #tpu.memory_space<hbm>> -> memref<1x80x128xf32, #tpu.memory_space<hbm>>
        %dma_start3A_123 = tpu.memref_squeeze %dma_start3A_122 : memref<1x80x128xf32, #tpu.memory_space<hbm>> -> memref<80x128xf32, #tpu.memory_space<hbm>>
        %dma_start3A_124 = arith.constant 0 : i32
        %dma_start3A_125 = tpu.memref_slice %arg6[%arg0, %mul3A_121, %dma_start3A_124] : memref<2x10000x128xf32, #tpu.memory_space<hbm>> -> memref<1x80x128xf32, #tpu.memory_space<hbm>>
        %dma_start3A_126 = tpu.memref_squeeze %dma_start3A_125 : memref<1x80x128xf32, #tpu.memory_space<hbm>> -> memref<80x128xf32, #tpu.memory_space<hbm>>
        tpu.enqueue_dma source(%arg12 : memref<80x128xf32, #tpu.memory_space<vmem>>) target(%dma_start3A_126 : memref<80x128xf32, #tpu.memory_space<hbm>>) target_semaphore(%run_scoped3A : memref<!tpu.dma_semaphore, #tpu.memory_space<semaphore_mem>>)
        %dma_wait3A = arith.constant 0 : i32
        %dma_wait3A_127 = tpu.memref_slice %arg6[%arg0, %mul3A_121, %dma_wait3A] : memref<2x10000x128xf32, #tpu.memory_space<hbm>> -> memref<1x80x128xf32, #tpu.memory_space<hbm>>
        %dma_wait3A_128 = tpu.memref_squeeze %dma_wait3A_127 : memref<1x80x128xf32, #tpu.memory_space<hbm>> -> memref<80x128xf32, #tpu.memory_space<hbm>>
        %dma_wait3A_129 = arith.constant 0 : i32
        %dma_wait3A_130 = tpu.memref_slice %arg6[%arg0, %mul3A_121, %dma_wait3A_129] : memref<2x10000x128xf32, #tpu.memory_space<hbm>> -> memref<1x80x128xf32, #tpu.memory_space<hbm>>
        %dma_wait3A_131 = tpu.memref_squeeze %dma_wait3A_130 : memref<1x80x128xf32, #tpu.memory_space<hbm>> -> memref<80x128xf32, #tpu.memory_space<hbm>>
        tpu.wait_dma2 semaphore(%run_scoped3A : memref<!tpu.dma_semaphore, #tpu.memory_space<semaphore_mem>>) src(%arg12 : memref<80x128xf32, #tpu.memory_space<vmem>>) dst(%dma_wait3A_131 : memref<80x128xf32, #tpu.memory_space<hbm>>)
        tpu.yield
      }) : () -> ()
    } else {
    }
    %add3A_92 = arith.constant 64 : i32
    %add3A_93 = arith.addi %add3A_92, %arg1 : i32
    %lt3A_94 = arith.constant 125 : i32
    %lt3A_95 = arith.cmpi slt, %add3A_93, %lt3A_94 : i32
    %convert_element_type3A_96 = arith.extui %lt3A_95 : i1 to i32
    %cond3A_97 = arith.constant 0 : i32
    %cond3A_98 = arith.cmpi ne, %convert_element_type3A_96, %cond3A_97 : i32
    scf.if %cond3A_98 {
      %mul3A_120 = arith.constant 80 : i32
      %mul3A_121 = arith.muli %add3A_93, %mul3A_120 : i32
      "tpu.region"() ({
        %run_scoped3A = tpu.sem_alloc : memref<!tpu.dma_semaphore, #tpu.memory_space<semaphore_mem>>
        %dma_start3A = arith.constant 0 : i32
        %dma_start3A_122 = tpu.memref_slice %arg13[%mul3A_121, %dma_start3A] : memref<10000x128xf32, #tpu.memory_space<vmem_shared>> -> memref<80x128xf32, #tpu.memory_space<vmem_shared>>
        %dma_start3A_123 = arith.constant 0 : i32
        %dma_start3A_124 = tpu.memref_slice %arg13[%mul3A_121, %dma_start3A_123] : memref<10000x128xf32, #tpu.memory_space<vmem_shared>> -> memref<80x128xf32, #tpu.memory_space<vmem_shared>>
        tpu.enqueue_dma source(%dma_start3A_124 : memref<80x128xf32, #tpu.memory_space<vmem_shared>>) target(%arg12 : memref<80x128xf32, #tpu.memory_space<vmem>>) target_semaphore(%run_scoped3A : memref<!tpu.dma_semaphore, #tpu.memory_space<semaphore_mem>>)
        %dma_wait3A = arith.constant 0 : i32
        %dma_wait3A_125 = tpu.memref_slice %arg13[%mul3A_121, %dma_wait3A] : memref<10000x128xf32, #tpu.memory_space<vmem_shared>> -> memref<80x128xf32, #tpu.memory_space<vmem_shared>>
        %dma_wait3A_126 = arith.constant 0 : i32
        %dma_wait3A_127 = tpu.memref_slice %arg13[%mul3A_121, %dma_wait3A_126] : memref<10000x128xf32, #tpu.memory_space<vmem_shared>> -> memref<80x128xf32, #tpu.memory_space<vmem_shared>>
        tpu.wait_dma2 semaphore(%run_scoped3A : memref<!tpu.dma_semaphore, #tpu.memory_space<semaphore_mem>>) src(%dma_wait3A_127 : memref<80x128xf32, #tpu.memory_space<vmem_shared>>) dst(%arg12 : memref<80x128xf32, #tpu.memory_space<vmem>>)
        tpu.yield
      }) : () -> ()
      "tpu.region"() ({
        %run_scoped3A = tpu.sem_alloc : memref<!tpu.dma_semaphore, #tpu.memory_space<semaphore_mem>>
        %dma_start3A = arith.constant 0 : i32
        %dma_start3A_122 = tpu.memref_slice %arg6[%arg0, %mul3A_121, %dma_start3A] : memref<2x10000x128xf32, #tpu.memory_space<hbm>> -> memref<1x80x128xf32, #tpu.memory_space<hbm>>
        %dma_start3A_123 = tpu.memref_squeeze %dma_start3A_122 : memref<1x80x128xf32, #tpu.memory_space<hbm>> -> memref<80x128xf32, #tpu.memory_space<hbm>>
        %dma_start3A_124 = arith.constant 0 : i32
        %dma_start3A_125 = tpu.memref_slice %arg6[%arg0, %mul3A_121, %dma_start3A_124] : memref<2x10000x128xf32, #tpu.memory_space<hbm>> -> memref<1x80x128xf32, #tpu.memory_space<hbm>>
        %dma_start3A_126 = tpu.memref_squeeze %dma_start3A_125 : memref<1x80x128xf32, #tpu.memory_space<hbm>> -> memref<80x128xf32, #tpu.memory_space<hbm>>
        tpu.enqueue_dma source(%arg12 : memref<80x128xf32, #tpu.memory_space<vmem>>) target(%dma_start3A_126 : memref<80x128xf32, #tpu.memory_space<hbm>>) target_semaphore(%run_scoped3A : memref<!tpu.dma_semaphore, #tpu.memory_space<semaphore_mem>>)
        %dma_wait3A = arith.constant 0 : i32
        %dma_wait3A_127 = tpu.memref_slice %arg6[%arg0, %mul3A_121, %dma_wait3A] : memref<2x10000x128xf32, #tpu.memory_space<hbm>> -> memref<1x80x128xf32, #tpu.memory_space<hbm>>
        %dma_wait3A_128 = tpu.memref_squeeze %dma_wait3A_127 : memref<1x80x128xf32, #tpu.memory_space<hbm>> -> memref<80x128xf32, #tpu.memory_space<hbm>>
        %dma_wait3A_129 = arith.constant 0 : i32
        %dma_wait3A_130 = tpu.memref_slice %arg6[%arg0, %mul3A_121, %dma_wait3A_129] : memref<2x10000x128xf32, #tpu.memory_space<hbm>> -> memref<1x80x128xf32, #tpu.memory_space<hbm>>
        %dma_wait3A_131 = tpu.memref_squeeze %dma_wait3A_130 : memref<1x80x128xf32, #tpu.memory_space<hbm>> -> memref<80x128xf32, #tpu.memory_space<hbm>>
        tpu.wait_dma2 semaphore(%run_scoped3A : memref<!tpu.dma_semaphore, #tpu.memory_space<semaphore_mem>>) src(%arg12 : memref<80x128xf32, #tpu.memory_space<vmem>>) dst(%dma_wait3A_131 : memref<80x128xf32, #tpu.memory_space<hbm>>)
        tpu.yield
      }) : () -> ()
    } else {
    }
    %add3A_99 = arith.constant 80 : i32
    %add3A_100 = arith.addi %add3A_99, %arg1 : i32
    %lt3A_101 = arith.constant 125 : i32
    %lt3A_102 = arith.cmpi slt, %add3A_100, %lt3A_101 : i32
    %convert_element_type3A_103 = arith.extui %lt3A_102 : i1 to i32
    %cond3A_104 = arith.constant 0 : i32
    %cond3A_105 = arith.cmpi ne, %convert_element_type3A_103, %cond3A_104 : i32
    scf.if %cond3A_105 {
      %mul3A_120 = arith.constant 80 : i32
      %mul3A_121 = arith.muli %add3A_100, %mul3A_120 : i32
      "tpu.region"() ({
        %run_scoped3A = tpu.sem_alloc : memref<!tpu.dma_semaphore, #tpu.memory_space<semaphore_mem>>
        %dma_start3A = arith.constant 0 : i32
        %dma_start3A_122 = tpu.memref_slice %arg13[%mul3A_121, %dma_start3A] : memref<10000x128xf32, #tpu.memory_space<vmem_shared>> -> memref<80x128xf32, #tpu.memory_space<vmem_shared>>
        %dma_start3A_123 = arith.constant 0 : i32
        %dma_start3A_124 = tpu.memref_slice %arg13[%mul3A_121, %dma_start3A_123] : memref<10000x128xf32, #tpu.memory_space<vmem_shared>> -> memref<80x128xf32, #tpu.memory_space<vmem_shared>>
        tpu.enqueue_dma source(%dma_start3A_124 : memref<80x128xf32, #tpu.memory_space<vmem_shared>>) target(%arg12 : memref<80x128xf32, #tpu.memory_space<vmem>>) target_semaphore(%run_scoped3A : memref<!tpu.dma_semaphore, #tpu.memory_space<semaphore_mem>>)
        %dma_wait3A = arith.constant 0 : i32
        %dma_wait3A_125 = tpu.memref_slice %arg13[%mul3A_121, %dma_wait3A] : memref<10000x128xf32, #tpu.memory_space<vmem_shared>> -> memref<80x128xf32, #tpu.memory_space<vmem_shared>>
        %dma_wait3A_126 = arith.constant 0 : i32
        %dma_wait3A_127 = tpu.memref_slice %arg13[%mul3A_121, %dma_wait3A_126] : memref<10000x128xf32, #tpu.memory_space<vmem_shared>> -> memref<80x128xf32, #tpu.memory_space<vmem_shared>>
        tpu.wait_dma2 semaphore(%run_scoped3A : memref<!tpu.dma_semaphore, #tpu.memory_space<semaphore_mem>>) src(%dma_wait3A_127 : memref<80x128xf32, #tpu.memory_space<vmem_shared>>) dst(%arg12 : memref<80x128xf32, #tpu.memory_space<vmem>>)
        tpu.yield
      }) : () -> ()
      "tpu.region"() ({
        %run_scoped3A = tpu.sem_alloc : memref<!tpu.dma_semaphore, #tpu.memory_space<semaphore_mem>>
        %dma_start3A = arith.constant 0 : i32
        %dma_start3A_122 = tpu.memref_slice %arg6[%arg0, %mul3A_121, %dma_start3A] : memref<2x10000x128xf32, #tpu.memory_space<hbm>> -> memref<1x80x128xf32, #tpu.memory_space<hbm>>
        %dma_start3A_123 = tpu.memref_squeeze %dma_start3A_122 : memref<1x80x128xf32, #tpu.memory_space<hbm>> -> memref<80x128xf32, #tpu.memory_space<hbm>>
        %dma_start3A_124 = arith.constant 0 : i32
        %dma_start3A_125 = tpu.memref_slice %arg6[%arg0, %mul3A_121, %dma_start3A_124] : memref<2x10000x128xf32, #tpu.memory_space<hbm>> -> memref<1x80x128xf32, #tpu.memory_space<hbm>>
        %dma_start3A_126 = tpu.memref_squeeze %dma_start3A_125 : memref<1x80x128xf32, #tpu.memory_space<hbm>> -> memref<80x128xf32, #tpu.memory_space<hbm>>
        tpu.enqueue_dma source(%arg12 : memref<80x128xf32, #tpu.memory_space<vmem>>) target(%dma_start3A_126 : memref<80x128xf32, #tpu.memory_space<hbm>>) target_semaphore(%run_scoped3A : memref<!tpu.dma_semaphore, #tpu.memory_space<semaphore_mem>>)
        %dma_wait3A = arith.constant 0 : i32
        %dma_wait3A_127 = tpu.memref_slice %arg6[%arg0, %mul3A_121, %dma_wait3A] : memref<2x10000x128xf32, #tpu.memory_space<hbm>> -> memref<1x80x128xf32, #tpu.memory_space<hbm>>
        %dma_wait3A_128 = tpu.memref_squeeze %dma_wait3A_127 : memref<1x80x128xf32, #tpu.memory_space<hbm>> -> memref<80x128xf32, #tpu.memory_space<hbm>>
        %dma_wait3A_129 = arith.constant 0 : i32
        %dma_wait3A_130 = tpu.memref_slice %arg6[%arg0, %mul3A_121, %dma_wait3A_129] : memref<2x10000x128xf32, #tpu.memory_space<hbm>> -> memref<1x80x128xf32, #tpu.memory_space<hbm>>
        %dma_wait3A_131 = tpu.memref_squeeze %dma_wait3A_130 : memref<1x80x128xf32, #tpu.memory_space<hbm>> -> memref<80x128xf32, #tpu.memory_space<hbm>>
        tpu.wait_dma2 semaphore(%run_scoped3A : memref<!tpu.dma_semaphore, #tpu.memory_space<semaphore_mem>>) src(%arg12 : memref<80x128xf32, #tpu.memory_space<vmem>>) dst(%dma_wait3A_131 : memref<80x128xf32, #tpu.memory_space<hbm>>)
        tpu.yield
      }) : () -> ()
    } else {
    }
    %add3A_106 = arith.constant 96 : i32
    %add3A_107 = arith.addi %add3A_106, %arg1 : i32
    %lt3A_108 = arith.constant 125 : i32
    %lt3A_109 = arith.cmpi slt, %add3A_107, %lt3A_108 : i32
    %convert_element_type3A_110 = arith.extui %lt3A_109 : i1 to i32
    %cond3A_111 = arith.constant 0 : i32
    %cond3A_112 = arith.cmpi ne, %convert_element_type3A_110, %cond3A_111 : i32
    scf.if %cond3A_112 {
      %mul3A_120 = arith.constant 80 : i32
      %mul3A_121 = arith.muli %add3A_107, %mul3A_120 : i32
      "tpu.region"() ({
        %run_scoped3A = tpu.sem_alloc : memref<!tpu.dma_semaphore, #tpu.memory_space<semaphore_mem>>
        %dma_start3A = arith.constant 0 : i32
        %dma_start3A_122 = tpu.memref_slice %arg13[%mul3A_121, %dma_start3A] : memref<10000x128xf32, #tpu.memory_space<vmem_shared>> -> memref<80x128xf32, #tpu.memory_space<vmem_shared>>
        %dma_start3A_123 = arith.constant 0 : i32
        %dma_start3A_124 = tpu.memref_slice %arg13[%mul3A_121, %dma_start3A_123] : memref<10000x128xf32, #tpu.memory_space<vmem_shared>> -> memref<80x128xf32, #tpu.memory_space<vmem_shared>>
        tpu.enqueue_dma source(%dma_start3A_124 : memref<80x128xf32, #tpu.memory_space<vmem_shared>>) target(%arg12 : memref<80x128xf32, #tpu.memory_space<vmem>>) target_semaphore(%run_scoped3A : memref<!tpu.dma_semaphore, #tpu.memory_space<semaphore_mem>>)
        %dma_wait3A = arith.constant 0 : i32
        %dma_wait3A_125 = tpu.memref_slice %arg13[%mul3A_121, %dma_wait3A] : memref<10000x128xf32, #tpu.memory_space<vmem_shared>> -> memref<80x128xf32, #tpu.memory_space<vmem_shared>>
        %dma_wait3A_126 = arith.constant 0 : i32
        %dma_wait3A_127 = tpu.memref_slice %arg13[%mul3A_121, %dma_wait3A_126] : memref<10000x128xf32, #tpu.memory_space<vmem_shared>> -> memref<80x128xf32, #tpu.memory_space<vmem_shared>>
        tpu.wait_dma2 semaphore(%run_scoped3A : memref<!tpu.dma_semaphore, #tpu.memory_space<semaphore_mem>>) src(%dma_wait3A_127 : memref<80x128xf32, #tpu.memory_space<vmem_shared>>) dst(%arg12 : memref<80x128xf32, #tpu.memory_space<vmem>>)
        tpu.yield
      }) : () -> ()
      "tpu.region"() ({
        %run_scoped3A = tpu.sem_alloc : memref<!tpu.dma_semaphore, #tpu.memory_space<semaphore_mem>>
        %dma_start3A = arith.constant 0 : i32
        %dma_start3A_122 = tpu.memref_slice %arg6[%arg0, %mul3A_121, %dma_start3A] : memref<2x10000x128xf32, #tpu.memory_space<hbm>> -> memref<1x80x128xf32, #tpu.memory_space<hbm>>
        %dma_start3A_123 = tpu.memref_squeeze %dma_start3A_122 : memref<1x80x128xf32, #tpu.memory_space<hbm>> -> memref<80x128xf32, #tpu.memory_space<hbm>>
        %dma_start3A_124 = arith.constant 0 : i32
        %dma_start3A_125 = tpu.memref_slice %arg6[%arg0, %mul3A_121, %dma_start3A_124] : memref<2x10000x128xf32, #tpu.memory_space<hbm>> -> memref<1x80x128xf32, #tpu.memory_space<hbm>>
        %dma_start3A_126 = tpu.memref_squeeze %dma_start3A_125 : memref<1x80x128xf32, #tpu.memory_space<hbm>> -> memref<80x128xf32, #tpu.memory_space<hbm>>
        tpu.enqueue_dma source(%arg12 : memref<80x128xf32, #tpu.memory_space<vmem>>) target(%dma_start3A_126 : memref<80x128xf32, #tpu.memory_space<hbm>>) target_semaphore(%run_scoped3A : memref<!tpu.dma_semaphore, #tpu.memory_space<semaphore_mem>>)
        %dma_wait3A = arith.constant 0 : i32
        %dma_wait3A_127 = tpu.memref_slice %arg6[%arg0, %mul3A_121, %dma_wait3A] : memref<2x10000x128xf32, #tpu.memory_space<hbm>> -> memref<1x80x128xf32, #tpu.memory_space<hbm>>
        %dma_wait3A_128 = tpu.memref_squeeze %dma_wait3A_127 : memref<1x80x128xf32, #tpu.memory_space<hbm>> -> memref<80x128xf32, #tpu.memory_space<hbm>>
        %dma_wait3A_129 = arith.constant 0 : i32
        %dma_wait3A_130 = tpu.memref_slice %arg6[%arg0, %mul3A_121, %dma_wait3A_129] : memref<2x10000x128xf32, #tpu.memory_space<hbm>> -> memref<1x80x128xf32, #tpu.memory_space<hbm>>
        %dma_wait3A_131 = tpu.memref_squeeze %dma_wait3A_130 : memref<1x80x128xf32, #tpu.memory_space<hbm>> -> memref<80x128xf32, #tpu.memory_space<hbm>>
        tpu.wait_dma2 semaphore(%run_scoped3A : memref<!tpu.dma_semaphore, #tpu.memory_space<semaphore_mem>>) src(%arg12 : memref<80x128xf32, #tpu.memory_space<vmem>>) dst(%dma_wait3A_131 : memref<80x128xf32, #tpu.memory_space<hbm>>)
        tpu.yield
      }) : () -> ()
    } else {
    }
    %add3A_113 = arith.constant 112 : i32
    %add3A_114 = arith.addi %add3A_113, %arg1 : i32
    %lt3A_115 = arith.constant 125 : i32
    %lt3A_116 = arith.cmpi slt, %add3A_114, %lt3A_115 : i32
    %convert_element_type3A_117 = arith.extui %lt3A_116 : i1 to i32
    %cond3A_118 = arith.constant 0 : i32
    %cond3A_119 = arith.cmpi ne, %convert_element_type3A_117, %cond3A_118 : i32
    scf.if %cond3A_119 {
      %mul3A_120 = arith.constant 80 : i32
      %mul3A_121 = arith.muli %add3A_114, %mul3A_120 : i32
      "tpu.region"() ({
        %run_scoped3A = tpu.sem_alloc : memref<!tpu.dma_semaphore, #tpu.memory_space<semaphore_mem>>
        %dma_start3A = arith.constant 0 : i32
        %dma_start3A_122 = tpu.memref_slice %arg13[%mul3A_121, %dma_start3A] : memref<10000x128xf32, #tpu.memory_space<vmem_shared>> -> memref<80x128xf32, #tpu.memory_space<vmem_shared>>
        %dma_start3A_123 = arith.constant 0 : i32
        %dma_start3A_124 = tpu.memref_slice %arg13[%mul3A_121, %dma_start3A_123] : memref<10000x128xf32, #tpu.memory_space<vmem_shared>> -> memref<80x128xf32, #tpu.memory_space<vmem_shared>>
        tpu.enqueue_dma source(%dma_start3A_124 : memref<80x128xf32, #tpu.memory_space<vmem_shared>>) target(%arg12 : memref<80x128xf32, #tpu.memory_space<vmem>>) target_semaphore(%run_scoped3A : memref<!tpu.dma_semaphore, #tpu.memory_space<semaphore_mem>>)
        %dma_wait3A = arith.constant 0 : i32
        %dma_wait3A_125 = tpu.memref_slice %arg13[%mul3A_121, %dma_wait3A] : memref<10000x128xf32, #tpu.memory_space<vmem_shared>> -> memref<80x128xf32, #tpu.memory_space<vmem_shared>>
        %dma_wait3A_126 = arith.constant 0 : i32
        %dma_wait3A_127 = tpu.memref_slice %arg13[%mul3A_121, %dma_wait3A_126] : memref<10000x128xf32, #tpu.memory_space<vmem_shared>> -> memref<80x128xf32, #tpu.memory_space<vmem_shared>>
        tpu.wait_dma2 semaphore(%run_scoped3A : memref<!tpu.dma_semaphore, #tpu.memory_space<semaphore_mem>>) src(%dma_wait3A_127 : memref<80x128xf32, #tpu.memory_space<vmem_shared>>) dst(%arg12 : memref<80x128xf32, #tpu.memory_space<vmem>>)
        tpu.yield
      }) : () -> ()
      "tpu.region"() ({
        %run_scoped3A = tpu.sem_alloc : memref<!tpu.dma_semaphore, #tpu.memory_space<semaphore_mem>>
        %dma_start3A = arith.constant 0 : i32
        %dma_start3A_122 = tpu.memref_slice %arg6[%arg0, %mul3A_121, %dma_start3A] : memref<2x10000x128xf32, #tpu.memory_space<hbm>> -> memref<1x80x128xf32, #tpu.memory_space<hbm>>
        %dma_start3A_123 = tpu.memref_squeeze %dma_start3A_122 : memref<1x80x128xf32, #tpu.memory_space<hbm>> -> memref<80x128xf32, #tpu.memory_space<hbm>>
        %dma_start3A_124 = arith.constant 0 : i32
        %dma_start3A_125 = tpu.memref_slice %arg6[%arg0, %mul3A_121, %dma_start3A_124] : memref<2x10000x128xf32, #tpu.memory_space<hbm>> -> memref<1x80x128xf32, #tpu.memory_space<hbm>>
        %dma_start3A_126 = tpu.memref_squeeze %dma_start3A_125 : memref<1x80x128xf32, #tpu.memory_space<hbm>> -> memref<80x128xf32, #tpu.memory_space<hbm>>
        tpu.enqueue_dma source(%arg12 : memref<80x128xf32, #tpu.memory_space<vmem>>) target(%dma_start3A_126 : memref<80x128xf32, #tpu.memory_space<hbm>>) target_semaphore(%run_scoped3A : memref<!tpu.dma_semaphore, #tpu.memory_space<semaphore_mem>>)
        %dma_wait3A = arith.constant 0 : i32
        %dma_wait3A_127 = tpu.memref_slice %arg6[%arg0, %mul3A_121, %dma_wait3A] : memref<2x10000x128xf32, #tpu.memory_space<hbm>> -> memref<1x80x128xf32, #tpu.memory_space<hbm>>
        %dma_wait3A_128 = tpu.memref_squeeze %dma_wait3A_127 : memref<1x80x128xf32, #tpu.memory_space<hbm>> -> memref<80x128xf32, #tpu.memory_space<hbm>>
        %dma_wait3A_129 = arith.constant 0 : i32
        %dma_wait3A_130 = tpu.memref_slice %arg6[%arg0, %mul3A_121, %dma_wait3A_129] : memref<2x10000x128xf32, #tpu.memory_space<hbm>> -> memref<1x80x128xf32, #tpu.memory_space<hbm>>
        %dma_wait3A_131 = tpu.memref_squeeze %dma_wait3A_130 : memref<1x80x128xf32, #tpu.memory_space<hbm>> -> memref<80x128xf32, #tpu.memory_space<hbm>>
        tpu.wait_dma2 semaphore(%run_scoped3A : memref<!tpu.dma_semaphore, #tpu.memory_space<semaphore_mem>>) src(%arg12 : memref<80x128xf32, #tpu.memory_space<vmem>>) dst(%dma_wait3A_131 : memref<80x128xf32, #tpu.memory_space<hbm>>)
        tpu.yield
      }) : () -> ()
    } else {
    }
    return
  }
}

module attributes {stable_mosaic.version = 14 : i64} {
  func.func @_proj_body(%arg0: memref<10000x128xf32, #tpu.memory_space<vmem>>, %arg1: memref<128x128xf32, #tpu.memory_space<vmem>>, %arg2: memref<1x128xf32, #tpu.memory_space<vmem>>, %arg3: memref<128x128xf32, #tpu.memory_space<vmem>>, %arg4: memref<1x128xf32, #tpu.memory_space<vmem>>, %arg5: memref<128x128xf32, #tpu.memory_space<vmem>>, %arg6: memref<1x128xf32, #tpu.memory_space<vmem>>, %arg7: memref<128x8xf32, #tpu.memory_space<vmem>>, %arg8: memref<128x8xf32, #tpu.memory_space<vmem>>, %arg9: memref<10000x128xf32, #tpu.memory_space<vmem>>, %arg10: memref<10000x8xf32, #tpu.memory_space<vmem>>) attributes {dimension_semantics = [], scalar_prefetch = 0 : i64, scratch_operands = 0 : i64, tpu.core_type = #tpu.core_type<tc>} {
    %get3A = arith.constant 0 : index
    %get3A_0 = arith.constant 0 : index
    %get3A_1 = vector.load %arg0[%get3A, %get3A_0] : memref<10000x128xf32, #tpu.memory_space<vmem>>, vector<10000x128xf32>
    %get3A_2 = arith.constant 0 : index
    %get3A_3 = arith.constant 0 : index
    %get3A_4 = vector.load %arg1[%get3A_2, %get3A_3] : memref<128x128xf32, #tpu.memory_space<vmem>>, vector<128x128xf32>
    %dot_general3A = arith.constant dense<0.000000e+00> : vector<10000x128xf32>
    %dot_general3A_5 = tpu.matmul %get3A_1, %get3A_4, %dot_general3A {dimension_numbers = #tpu.dot_dimension_numbers<[1], [0], [0], [1], [0, 0, 1, 1], [], []>, transpose_lhs_hint = false} : vector<10000x128xf32>, vector<128x128xf32>, vector<10000x128xf32> -> vector<10000x128xf32>
    %get3A_6 = arith.constant 0 : index
    %get3A_7 = arith.constant 0 : index
    %get3A_8 = vector.load %arg2[%get3A_6, %get3A_7] : memref<1x128xf32, #tpu.memory_space<vmem>>, vector<1x128xf32>
    %add3A = vector.broadcast %get3A_8 : vector<1x128xf32> to vector<10000x128xf32>
    %add3A_9 = arith.addf %dot_general3A_5, %add3A : vector<10000x128xf32>
    %get3A_10 = arith.constant 0 : index
    %get3A_11 = arith.constant 0 : index
    %get3A_12 = vector.load %arg3[%get3A_10, %get3A_11] : memref<128x128xf32, #tpu.memory_space<vmem>>, vector<128x128xf32>
    %dot_general3A_13 = arith.constant dense<0.000000e+00> : vector<10000x128xf32>
    %dot_general3A_14 = tpu.matmul %get3A_1, %get3A_12, %dot_general3A_13 {dimension_numbers = #tpu.dot_dimension_numbers<[1], [0], [0], [1], [0, 0, 1, 1], [], []>, transpose_lhs_hint = false} : vector<10000x128xf32>, vector<128x128xf32>, vector<10000x128xf32> -> vector<10000x128xf32>
    %get3A_15 = arith.constant 0 : index
    %get3A_16 = arith.constant 0 : index
    %get3A_17 = vector.load %arg4[%get3A_15, %get3A_16] : memref<1x128xf32, #tpu.memory_space<vmem>>, vector<1x128xf32>
    %add3A_18 = vector.broadcast %get3A_17 : vector<1x128xf32> to vector<10000x128xf32>
    %add3A_19 = arith.addf %dot_general3A_14, %add3A_18 : vector<10000x128xf32>
    %get3A_20 = arith.constant 0 : index
    %get3A_21 = arith.constant 0 : index
    %get3A_22 = vector.load %arg5[%get3A_20, %get3A_21] : memref<128x128xf32, #tpu.memory_space<vmem>>, vector<128x128xf32>
    %dot_general3A_23 = arith.constant dense<0.000000e+00> : vector<10000x128xf32>
    %dot_general3A_24 = tpu.matmul %get3A_1, %get3A_22, %dot_general3A_23 {dimension_numbers = #tpu.dot_dimension_numbers<[1], [0], [0], [1], [0, 0, 1, 1], [], []>, transpose_lhs_hint = false} : vector<10000x128xf32>, vector<128x128xf32>, vector<10000x128xf32> -> vector<10000x128xf32>
    %get3A_25 = arith.constant 0 : index
    %get3A_26 = arith.constant 0 : index
    %get3A_27 = vector.load %arg6[%get3A_25, %get3A_26] : memref<1x128xf32, #tpu.memory_space<vmem>>, vector<1x128xf32>
    %add3A_28 = vector.broadcast %get3A_27 : vector<1x128xf32> to vector<10000x128xf32>
    %add3A_29 = arith.addf %dot_general3A_24, %add3A_28 : vector<10000x128xf32>
    %swap3A = arith.constant 0 : index
    %swap3A_30 = arith.constant 0 : index
    %swap3A_31 = vector.load %arg9[%swap3A, %swap3A_30] : memref<10000x128xf32, #tpu.memory_space<vmem>>, vector<10000x128xf32>
    tpu.vector_store %arg9[%swap3A, %swap3A_30], %add3A_29 {strides = array<i32>} : memref<10000x128xf32, #tpu.memory_space<vmem>>, vector<10000x128xf32>,
    %get3A_32 = arith.constant 0 : index
    %get3A_33 = arith.constant 0 : index
    %get3A_34 = vector.load %arg7[%get3A_32, %get3A_33] : memref<128x8xf32, #tpu.memory_space<vmem>>, vector<128x8xf32>
    %dot_general3A_35 = arith.constant dense<0.000000e+00> : vector<10000x8xf32>
    %dot_general3A_36 = tpu.matmul %add3A_9, %get3A_34, %dot_general3A_35 {dimension_numbers = #tpu.dot_dimension_numbers<[1], [0], [0], [1], [0, 0, 1, 1], [], []>, transpose_lhs_hint = false} : vector<10000x128xf32>, vector<128x8xf32>, vector<10000x8xf32> -> vector<10000x8xf32>
    %get3A_37 = arith.constant 0 : index
    %get3A_38 = arith.constant 0 : index
    %get3A_39 = vector.load %arg8[%get3A_37, %get3A_38] : memref<128x8xf32, #tpu.memory_space<vmem>>, vector<128x8xf32>
    %dot_general3A_40 = arith.constant dense<0.000000e+00> : vector<10000x8xf32>
    %dot_general3A_41 = tpu.matmul %add3A_19, %get3A_39, %dot_general3A_40 {dimension_numbers = #tpu.dot_dimension_numbers<[1], [0], [0], [1], [0, 0, 1, 1], [], []>, transpose_lhs_hint = false} : vector<10000x128xf32>, vector<128x8xf32>, vector<10000x8xf32> -> vector<10000x8xf32>
    %add3A_42 = arith.addf %dot_general3A_36, %dot_general3A_41 : vector<10000x8xf32>
    %swap3A_43 = arith.constant 0 : index
    %swap3A_44 = arith.constant 0 : index
    %swap3A_45 = vector.load %arg10[%swap3A_43, %swap3A_44] : memref<10000x8xf32, #tpu.memory_space<vmem>>, vector<10000x8xf32>
    tpu.vector_store %arg10[%swap3A_43, %swap3A_44], %add3A_42 {strides = array<i32>} : memref<10000x8xf32, #tpu.memory_space<vmem>>, vector<10000x8xf32>,
    return
  }
}

module attributes {stable_mosaic.version = 14 : i64} {
  func.func @_add_body(%arg0: memref<2x10000x128xf32, #tpu.memory_space<vmem>>, %arg1: memref<10000x128xf32, #tpu.memory_space<vmem>>) attributes {dimension_semantics = [], scalar_prefetch = 0 : i64, scratch_operands = 0 : i64, tpu.core_type = #tpu.core_type<tc>} {
    %get3A = arith.constant 0 : index
    %get3A_0 = arith.constant 0 : index
    %get3A_1 = arith.constant 0 : index
    %get3A_2 = vector.load %arg0[%get3A, %get3A_0, %get3A_1] : memref<2x10000x128xf32, #tpu.memory_space<vmem>>, vector<1x10000x128xf32>
    %get3A_3 = vector.shape_cast %get3A_2 : vector<1x10000x128xf32> to vector<10000x128xf32>
    %get3A_4 = arith.constant 1 : index
    %get3A_5 = arith.constant 0 : index
    %get3A_6 = arith.constant 0 : index
    %get3A_7 = vector.load %arg0[%get3A_4, %get3A_5, %get3A_6] : memref<2x10000x128xf32, #tpu.memory_space<vmem>>, vector<1x10000x128xf32>
    %get3A_8 = vector.shape_cast %get3A_7 : vector<1x10000x128xf32> to vector<10000x128xf32>
    %add3A = arith.addf %get3A_3, %get3A_8 : vector<10000x128xf32>
    %swap3A = arith.constant 0 : index
    %swap3A_9 = arith.constant 0 : index
    %swap3A_10 = vector.load %arg1[%swap3A, %swap3A_9] : memref<10000x128xf32, #tpu.memory_space<vmem>>, vector<10000x128xf32>
    tpu.vector_store %arg1[%swap3A, %swap3A_9], %add3A {strides = array<i32>} : memref<10000x128xf32, #tpu.memory_space<vmem>>, vector<10000x128xf32>,
    return
  }
}

</mosaic_0001>

<sc_bundles>
// kernel: kernel.7.cloned.1.call-start
scs
__scs_entry_jumppad:
0x0: {  	(pc) =	sbr.rel $0x88, $3  }
0x1: {  	(tag) =	ssettag $0x0;
	lr =	simm.s32 $0x1  }
0x2: {  	[smem:$0x3F92] =	sst lr;
	_ =	strace $0xD0000000  }
0x3: {  	_ = 	snop  }
0x4: {  	_ = 	snop  }
0x5: {  	_ = 	snop  }
0x6: {  	_ = 	snop  }
0x7: {  	_ = 	snop  }
__scs_overlays_trampoline_lowered:
0x8: {  	[smem:$0x3FA1] =	sst s0  }
0x9: {  	[smem:$0x3FA2] =	sst s1  }
0xa: {  	[smem:$0x3FA3] =	sst s2  }
0xb: {  	[smem:$0x3FA4] =	sst s3  }
0xc: {  	[smem:$0x3FA5] =	sst s4  }
0xd: {  	[smem:$0x3FA6] =	sst s5  }
0xe: {  	[smem:$0x3FA7] =	sst s6  }
0xf: {  	[smem:$0x3FA8] =	sst s7  }
0x10: {  	[smem:$0x3FA9] =	sst s8  }
0x11: {  	[smem:$0x3FAA] =	sst s9;
	s0 =	simm.s32 @!p0 $0x0  }
0x12: {  	s1 =	sld [smem:$0x3F90];
	s0 =	simm.s32 @p0 $0x1  }
0x13: {  	[smem:$0x3FAB] =	sst s0;
	s0 =	simm.s32 @!p1 $0x0  }
0x14: {  	s2 =	sld [smem:$0x3F8F];
	s0 =	simm.s32 @p1 $0x1  }
0x15: {  	[smem:$0x3FAC] =	sst s0;
	s0 =	simm.s32 @!p2 $0x0  }
0x16: {  	s3 =	sld [smem:$0x3FDB];
	s0 =	simm.s32 @p2 $0x1  }
0x17: {  	s4 =	simm.s32 $0x1BF5;
	[smem:$0x3FAE] =	sst s0  }
0x18: {  	s0 =	sld [smem:$0x3F91];
	_ =	swait.ge [sflag:s4], $0x0  }
0x19: {  	s7 =	sld [smem:$0x3F92]  }
0x1a: {  	s8 =	sadd.s32 $0xFFFFE003, lr  }
0x1b: {  	s9 =	sadd.s32 $0xFFFFFEF7, lr;
	s5 =	simm.s32 $0xFFFFFFFF;
	p2 =	slt.u32 s8, $0xFFFFF086  }
0x1c: {  	p1 =	slt.u32 s9, $0xF7A;
	s5 =	simm.s32 @!p2 $0x0  }
0x1d: {  	s5 =	simm.s32 @p1 $0x1;
	p0 =	seq.s32 s7, s2  }
0x1e: {  	s7 =	smul.u32 @!p0 $0xF7A, s2;
	p2 =	seq.s32 @!p0 s5, $0x0  }
0x1f: {  	s9 =	smul.u32 $0xF7A, s1;
	s8 =	simm.s32 @!p0 $0x1BF5;
	p2 =	por !p2, p0  }
0x20: {  	[sflag:s8] =	ssyncset.s32 @!p0 $0xFFFFF086;
	s6 =	sadd.s32 @!p0 s3, s7;
	s7 =	simm.s32 @!p0 $0x108  }
0x21: {  	s3 =	sadd.s32 s3, s9;
	s6 =	sadd.s32 @!p0 $0x88, s6;
	s7 =	simm.s32 @p2 $0x1082  }
0x22: {  	[simem:s7], [sflag:s8] =	dma.local @!p0 [hbm:s6], $0xF7A  }
0x23: {  	s9 =	sor.u32 $0xD0000000, s2;
	s6 =	simm.s32 $0x108;
	_ =	swait.ge @!p0 [sflag:s8], $0x0  }
0x24: {  	s3 =	sadd.s32 $0x88, s3;
	s6 =	simm.s32 @!p1 $0x1082;
	[sflag:s4] =	ssyncset.s32 $0xFFFFF086  }
0x25: {  	[simem:s6], [sflag:s4] =	dma.local [hbm:s3], $0xF7A  }
0x26: {  	[smem:$0x3F92] =	sst s1;
	(tag) =	ssettag s2;
	_ =	strace s9  }
0x27: {  	s1 =	sld [smem:$0x3FA2]  }
0x28: {  	s2 =	sld [smem:$0x3FA3]  }
0x29: {  	s4 =	sld [smem:$0x3FA5]  }
0x2a: {  	p0 =	seq.s32 s5, $0x0;
	s5 =	sld [smem:$0x3FA6]  }
0x2b: {  	s6 =	sld [smem:$0x3FA7]  }
0x2c: {  	s7 =	sld [smem:$0x3FA8]  }
0x2d: {  	s3 =	simm.s32 $0x108;
	s8 =	sld [smem:$0x3FA9]  }
0x2e: {  	s3 =	simm.s32 @!p0 $0x1082;
	s9 =	sld [smem:$0x3FAA]  }
0x2f: {  	lr =	sadd.s32 s0, s3;
	s0 =	sld [smem:$0x3FA1]  }
0x30: {  	s3 =	sld [smem:$0x3FA4]  }
0x31: {  	[smem:$0x3FAD] =	sst s10  }
0x32: {  	s10 =	sld [smem:$0x3FAB];
	_ =	sdelay $0x3  }
0x33: {  	p0 =	seq.s32 s10, $0x1;
	s10 =	sld [smem:$0x3FAD];
	_ =	sdelay $0x3  }
0x34: {  	[smem:$0x3FAD] =	sst s10  }
0x35: {  	s10 =	sld [smem:$0x3FAC];
	_ =	sdelay $0x3  }
0x36: {  	p1 =	seq.s32 s10, $0x1;
	s10 =	sld [smem:$0x3FAD];
	_ =	sdelay $0x3  }
0x37: {  	[smem:$0x3FAD] =	sst s10  }
0x38: {  	s10 =	sld [smem:$0x3FAE]  }
0x39: {  	_ = 	snop;
	(pc) =	sbr.ind lr, $3  }
0x3a: {  	_ = 	snop  }
0x3b: {  	_ = 	snop  }
0x3c: {  	p2 =	seq.s32 s10, $0x1;
	s10 =	sld [smem:$0x3FAD]  }
0x3d: {  	_ =	shalt  }
0x3e: {  	_ =	shalt  }
0x3f: {  	_ =	shalt  }
0x40: {  	_ =	shalt  }
0x41: {  	_ =	shalt  }
0x42: {  	_ =	shalt  }
0x43: {  	_ =	shalt  }
0x44: {  	_ =	shalt  }
0x45: {  	_ =	shalt  }
0x46: {  	_ =	shalt  }
0x47: {  	_ =	shalt  }
0x48: {  	_ =	shalt  }
0x49: {  	_ =	shalt  }
0x4a: {  	_ =	shalt  }
0x4b: {  	_ =	shalt  }
0x4c: {  	_ =	shalt  }
0x4d: {  	_ =	shalt  }
0x4e: {  	_ =	shalt  }
0x4f: {  	_ =	shalt  }
0x50: {  	_ =	shalt  }
0x51: {  	_ =	shalt  }
0x52: {  	_ =	shalt  }
0x53: {  	_ =	shalt  }
0x54: {  	_ =	shalt  }
0x55: {  	_ =	shalt  }
0x56: {  	_ =	shalt  }
0x57: {  	_ =	shalt  }
0x58: {  	_ =	shalt  }
0x59: {  	_ =	shalt  }
0x5a: {  	_ =	shalt  }
0x5b: {  	_ =	shalt  }
0x5c: {  	_ =	shalt  }
0x5d: {  	_ =	shalt  }
0x5e: {  	_ =	shalt  }
0x5f: {  	_ =	shalt  }
0x60: {  	_ =	shalt  }
0x61: {  	_ =	shalt  }
0x62: {  	_ =	shalt  }
0x63: {  	_ =	shalt  }
0x64: {  	_ =	shalt  }
0x65: {  	_ =	shalt  }
0x66: {  	_ =	shalt  }
0x67: {  	_ =	shalt  }
0x68: {  	_ =	shalt  }
0x69: {  	_ =	shalt  }
0x6a: {  	_ =	shalt  }
0x6b: {  	_ =	shalt  }
0x6c: {  	_ =	shalt  }
0x6d: {  	_ =	shalt  }
0x6e: {  	_ =	shalt  }
0x6f: {  	_ =	shalt  }
0x70: {  	_ =	shalt  }
0x71: {  	_ =	shalt  }
0x72: {  	_ =	shalt  }
0x73: {  	_ =	shalt  }
0x74: {  	_ =	shalt  }
0x75: {  	_ =	shalt  }
0x76: {  	_ =	shalt  }
0x77: {  	_ =	shalt  }
0x78: {  	_ =	shalt  }
0x79: {  	_ =	shalt  }
0x7a: {  	_ =	shalt  }
0x7b: {  	_ =	shalt  }
0x7c: {  	_ =	shalt  }
0x7d: {  	_ =	shalt  }
0x7e: {  	_ =	shalt  }
0x7f: {  	_ =	shalt  }
0x80: {  	_ =	shalt  }
0x81: {  	_ =	shalt  }
0x82: {  	_ =	shalt  }
0x83: {  	_ =	shalt  }
0x84: {  	_ =	shalt  }
0x85: {  	_ =	shalt  }
0x86: {  	_ =	shalt  }
0x87: {  	_ =	shalt  }
.Lfunc_end0:
.L_simem_size_0:
called_computation_lowered:
.L_overlay_start_0:
0x88: {  	s2 =	sld [smem:$0x3FD9]  }
0x89: {  	s3 =	sld [smem:$0x3FFE];
	_ =	sdelay $0x1  }
0x8a: {  	s1 =	srdreg.scid  }
0x8b: {  	s0 =	sand.u32 $0x1, s1  }
0x8c: {  	s17 =	sshll.u32 s0, $0xA;
	s2 =	sadd.s32 s3, s2  }
0x8d: {  	s2 =	sadd.s32 s2, s17  }
0x8e: {  	[smem:$0x3FB9] =	sst s2  }
0x8f: {  	_ = 	snop  }
0x90: {  	s2 =	sld [smem:$0x3FD0];
	(tm) =	ssettm $0x1  }
0x91: {  	s18 =	sld [smem:$0x3FFB];
	_ =	sdelay $0x3  }
0x92: {  	_ =	strace s18  }
0x93: {  	s3 =	sld [smem:$0x3FFC];
	_ =	sdelay $0x3  }
0x94: {  	_ =	strace s3  }
0x95: {  	s3 =	sld [smem:$0x3FFD];
	_ =	sdelay $0x3  }
0x96: {  	_ =	strace s3  }
0x97: {  	_ =	strace $0x8FFFFFFF  }
0x98: {  	s19 =	sld [smem:$0x3FDB];
	_ =	sdelay $0x1  }
0x99: {  	s4 =	simm.s32 $_scs_section_size  }
0x9a: {  	s5 =	simm.s32 $_size__tile_overlayer_lowered;
	s6 =	simm.s32 $_tile_overlayer_lowered  }
0x9b: {  	s22 =	simm.s32 $0x1BFF;
	s21 =	sshll.u32 s6, $0x1;
	s3 =	sadd.s32 s4, s19  }
0x9c: {  	s7 =	simm.s32 $0x0;
	s20 =	sshll.u32 s5, $0x1;
	s5 =	sadd.s32 s21, s3  }
0x9d: {  	[timem:s7], [sflag:s22] =	dma.local [hbm:s5], s20  }
0x9e: {  	_ =	swait.ge [sflag:s22], s20  }
0x9f: {  	s4 =	ssub.s32 $0x0, s20;
	[sflag:s22] =	ssyncset.done $0x0  }
0xa0: {  	[sflag:s22] =	ssyncadd.s32 s4;
	_ =	sdelay $0x1  }
0xa1: {  	s23 =	simm.s32 $0x1B8B  }
0xa2: {  	_ =	swait.ge [sflag:s23], $0x1  }
0xa3: {  	[sflag:s23] =	ssyncset.done $0x0  }
0xa4: {  	s25 =	simm.s32 $0x1B8E;
	s24 =	sld [smem:$0x3FFE];
	[sflag:s23] =	ssyncadd.s32 $0xFFFFFFFF  }
0xa5: {  	s26 =	simm.s32 $execute0_lowered;
	[smem:$0x3FD2] =	sst s25  }
0xa6: {  	s5 =	sshll.u32 s26, $0x1;
	_ =	strace $0x80000046;
	[dreg:$0x1] =	wrdreg $0xFFFFFFFF  }
0xa7: {  	s28 =	simm.s32 $_size_execute0_lowered;
	s3 =	sadd.s32 s3, s5;
	[dreg:$0x0] =	wrdreg $0x0  }
0xa8: {  	s5 =	sshll.u32 s28, $0x1;
	[dreg:$0x2] =	wrdreg s3  }
0xa9: {  	[dreg:$0x3] =	wrdreg s5  }
0xaa: {  	[dreg:$0x4] =	wrdreg $0xC0  }
0xab: {  	_ =	task [dreg:s7], $0x5FFFF  }
0xac: {  	[dreg:$0x1] =	wrdreg $0xFFFFFFFF  }
0xad: {  	[dreg:$0x0] =	wrdreg $0x60  }
0xae: {  	[dreg:$0x2] =	wrdreg s24  }
0xaf: {  	[dreg:$0x3] =	wrdreg s2  }
0xb0: {  	[dreg:$0x4] =	wrdreg $0x55A00  }
0xb1: {  	[dreg:$0x5] =	wrdreg $0x9  }
0xb2: {  	_ =	task.clear_ibuf [dreg:s7], $0x6FFFF;
	_ =	strace $0x90000046  }
0xb3: {  	s29 =	simm.s32 $0x9;
	_ =	strace $0x80000048  }
0xb4: {  	_ =	swait.ge [sflag:s29], $0x1  }
0xb5: {  	[sflag:s29] =	ssyncadd.s32 $0xFFFFFFFF  }
0xb6: {  	_ =	strace $0x90000048  }
0xb7: {  	_ =	sfence  }
0xb8: {  	s30 =	sld [smem:$0x0];
	_ =	sdelay $0x2  }
0xb9: {  	s31 =	sshll.u32 s1, $0xD;
	s1 =	sshrl.u32 s1, $0x2  }
0xba: {  	s3 =	sand.u32 $0x4000, s31;
	s1 =	sadd.s32 s1, s30  }
0xbb: {  	s0 =	sor.u32 s3, s0;
	s1 =	sshll.u32 s1, $0x11  }
0xbc: {  	s0 =	sor.u32 s1, s0  }
0xbd: {  	s0 =	sadd.s32 $0x8F2B, s0  }
0xbe: {  	[sflag:s0] =	ssyncadd.remote.s32 $0x1  }
0xbf: {  	_ =	sfence.sel $0xFFFF  }
0xc0: {  	[dreg:$0x0] =	wrdreg $0xFFFFFFFF;
	(pc) =	sbr.abs _section_cstart, $3  }
0xc1: {  	[dreg:$0x1] =	wrdreg $0xFFFFFFFF  }
0xc2: {  	_ =	task.clear_ibuf [dreg:s7], $0x2FFFF;
	_ =	strace $0x9FFFFFFF  }
0xc3: {  	(tm) =	ssettm $0x7FFFFFFF  }
tec
execute0_lowered:
.L_overlay_start_1:
0x0: {  	(tag) =	ssettag $0x1  }
0x1: {  	s1 =	srdreg.scid;
	s6 =	rddreg [dreg:$0x0]  }
0x2: {  	s0 =	simm.s32 $0x0;
	s25 =	stileid.u32;
	s28 =	simm.s32 $0x500  }
0x3: {  	s29 =	simm.s32 $0x2D0;
	s30 =	simm.s32 $0x550;
	s31 =	simm.s32 $0x1  }
0x4: {  	s7 =	sand.u32 $0x1, s1;
	[smem:$0x7FF] =	sst s0;
	s8 =	sadd.s32 $0x1B200, s6  }
0x5: {  	s9 =	sor.u32 $0x10, s25;
	s10 =	sor.u32 $0x20, s25;
	s11 =	sor.u32 $0x30, s25  }
0x6: {  	s16 =	sor.u32 $0x40, s25;
	s17 =	sor.u32 $0x50, s25;
	s12 =	smul.u32 $0x138800, s7  }
0x7: {  	s18 =	sor.u32 $0x60, s25;
	s19 =	sor.u32 $0x70, s25;
	s3 =	smul.u32 $0x2800, s9  }
0x8: {  	p0 =	sgt.u32 s25, $0xC;
	s1 =	ssub.s32 $0x2, s7;
	s4 =	smul.u32 $0x2800, s10  }
0x9: {  	s20 =	smul.u32 $0x2800, s16;
	s7 =	sshll.u32 s7, $0x4;
	s2 =	sshrl.u32 s1, $0x1  }
0xa: {  	s10 =	smul.u32 $0xA000, s10;
	s7 =	sor.u32 s25, s7;
	s1 =	ssub.s32 s1, s2  }
0xb: {  	s2 =	smul.u32 $0x2800, s25;
	s14 =	sadd.s32 s12, s3;
	s21 =	sadd.s32 s12, s4  }
0xc: {  	s24 =	sadd.s32 s12, s20;
	s26 =	sshrl.u32 s14, $0x3;
	s14 =	sshrl.u32 s21, $0x3  }
0xd: {  	s21 =	smul.u32 $0x2800, s17;
	s1 =	smax.u32 s1, $0x1;
	s5 =	sadd.s32 s2, s12  }
0xe: {  	s22 =	sadd.s32 s8, s14;
	s13 =	sshrl.u32 s5, $0x3;
	s5 =	smul.u32 $0x2800, s11  }
0xf: {  	[dreg:$0x6] =	wrdreg s22;
	s22 =	smul.u32 $0x2800, s18;
	s13 =	sadd.s32 s8, s13  }
0x10: {  	s11 =	smul.u32 $0xA000, s11;
	[dreg:$0x4] =	wrdreg s13;
	s15 =	sadd.s32 s12, s5  }
0x11: {  	s13 =	sadd.s32 s8, s26;
	s26 =	sadd.s32 s12, s21;
	s15 =	sshrl.u32 s15, $0x3  }
0x12: {  	[dreg:$0x5] =	wrdreg s13;
	s13 =	sshrl.u32 s24, $0x3;
	s14 =	sshrl.u32 s26, $0x3  }
0x13: {  	s26 =	rddreg [dreg:$0x2];
	s24 =	smul.u32 $0xA000, s25;
	s25 =	simm.s32 $0x4B0  }
0x14: {  	s23 =	sadd.s32 s8, s15;
	s13 =	sadd.s32 s8, s13;
	s14 =	sadd.s32 s8, s14  }
0x15: {  	s15 =	sadd.s32 s12, s22;
	s2 =	sadd.s32 s2, s26;
	[dreg:$0x7] =	wrdreg s23  }
0x16: {  	s20 =	sadd.s32 s20, s26;
	s23 =	smul.u32 $0x2800, s19;
	[dreg:$0x8] =	wrdreg s13  }
0x17: {  	s21 =	sadd.s32 s21, s26;
	s22 =	sadd.s32 s22, s26;
	[dreg:$0x9] =	wrdreg s14  }
0x18: {  	s13 =	sshrl.u32 s15, $0x3;
	s14 =	sadd.s32 $0x4E00, s6;
	s12 =	sadd.s32 s12, s23  }
0x19: {  	s15 =	sadd.s32 $0x18A00, s6;
	s13 =	sadd.s32 s8, s13;
	s12 =	sshrl.u32 s12, $0x3  }
0x1a: {  	[dreg:$0xa] =	wrdreg s13;
	s8 =	sadd.s32 s8, s12;
	s12 =	smul.u32 $0xA000, s16  }
0x1b: {  	s13 =	sadd.s32 $0xEC00, s6;
	s6 =	sshrl.u32 s10, $0x2;
	s16 =	smul.u32 $0xA000, s17  }
0x1c: {  	s6 =	sadd.s32 s6, s26;
	[dreg:$0xb] =	wrdreg s8;
	s8 =	smul.u32 $0xA000, s9  }
0x1d: {  	s9 =	sshrl.u32 s24, $0x2;
	_ =	strace $0x80000047;
	[dreg:$0xe] =	wrdreg s6  }
0x1e: {  	s24 =	smul.u32 $0xA000, s19;
	s19 =	sadd.s32 s5, s26;
	[dreg:$0x14] =	wrdreg s2  }
0x1f: {  	s10 =	simm.s32 $0x320;
	s17 =	smul.u32 $0xA000, s18;
	[dreg:$0x17] =	wrdreg s19  }
0x20: {  	s18 =	sshrl.u32 s11, $0x2;
	s5 =	simm.s32 $0x50;
	[dreg:$0x18] =	wrdreg s20  }
0x21: {  	s9 =	sadd.s32 s9, s26;
	s11 =	sshrl.u32 s16, $0x2;
	[dreg:$0x19] =	wrdreg s21  }
0x22: {  	s6 =	sshrl.u32 s17, $0x2;
	s17 =	sadd.s32 s3, s26;
	[dreg:$0x1a] =	wrdreg s22  }
0x23: {  	[dreg:$0x1c] =	wrdreg s1;
	s19 =	simm.s32 $0x190;
	s20 =	simm.s32 $0x410  }
0x24: {  	s21 =	simm.s32 $0x1E0;
	s22 =	simm.s32 $0x460;
	s3 =	simm.s32 $0x0  }
0x25: {  	[dreg:$0xc] =	wrdreg s9;
	s8 =	sshrl.u32 s8, $0x2;
	s9 =	sshrl.u32 s12, $0x2  }
0x26: {  	s12 =	sshrl.u32 s24, $0x2;
	s6 =	sadd.s32 s6, s26;
	s24 =	smul.u32 $0x2710, s7  }
0x27: {  	[dreg:$0x15] =	wrdreg s17;
	s7 =	smov.u32 s26;
	s17 =	simm.s32 $0x140  }
0x28: {  	s8 =	sadd.s32 s8, s26;
	s9 =	sadd.s32 s9, s26;
	[dreg:$0x12] =	wrdreg s6  }
0x29: {  	s16 =	sadd.s32 s12, s26;
	s6 =	simm.s32 $0x5A0;
	[dreg:$0xd] =	wrdreg s8  }
0x2a: {  	s12 =	simm.s32 $0xF0;
	s8 =	sadd.s32 s18, s26;
	[dreg:$0x10] =	wrdreg s9  }
0x2b: {  	[dreg:$0x13] =	wrdreg s16;
	s18 =	sadd.s32 s4, s26;
	s4 =	simm.s32 $0x3  }
0x2c: {  	s16 =	simm.s32 $0x370;
	[dreg:$0xf] =	wrdreg s8;
	s8 =	sadd.s32 s11, s26  }
0x2d: {  	[dreg:$0x16] =	wrdreg s18;
	s26 =	sadd.s32 s23, s26;
	s11 =	simm.s32 $0x2DA0  }
0x2e: {  	s18 =	simm.s32 $0x3C0;
	s23 =	simm.s32 $0x230;
	[dreg:$0x11] =	wrdreg s8  }
0x2f: {  	v0 =	vimm.f32 $0.0e+00;
	[dreg:$0x1b] =	wrdreg s26;
	s26 =	simm.s32 $0x280;
	s8 =	simm.s32 $0x2  }
.LBB2_1:
0x30: {  	s1 =	sand.u32 $0xFE00, s0  }
0x31: {  	[dreg:$0x1d] =	wrdreg s3;
	s2 =	sand.u32 $0x70, s0;
	s9 =	sshrl.u32 s1, $0x2  }
0x32: {  	s1 =	simm.s32 $0x40;
	s3 =	sor.u32 s2, s9;
	s2 =	simm.s32 $0x0  }
.LBB2_2:
0x33: {  	p1 =	sne.s32 s1, $0x9FC0  }
0x34: {  	[tilespmem:s3+$0x2DA0] =	vst v0;
	s2 =	sadd.s32 $0x10, s2;
	s3 =	smov.u32 s1;
	s1 =	sadd.s32 $0x40, s1  }
.Ltmp0:
0x35: {  	(pc) =	sbr.rel @p1 .LBB2_2-.Ltmp0, $4  }
0x36: {  	_ = 	snop  }
0x37: {  	s3 =	sand.u32 $0xFE00, s3  }
0x38: {  	s9 =	sand.u32 $0x70, s2;
	s3 =	sshrl.u32 s3, $0x2  }
0x39: {  	s3 =	sor.u32 s9, s3  }
0x3a: {  	[tilespmem:s3+$0x2DA0] =	vst v0;
	s1 =	rddreg [dreg:$0xc]  }
0x3b: {  	[spmem:s1] =	stream.linear.scatter [tilespmem:s11], [sflag:$0x3], $0x2800, $0x38;
	[tilespmem:$0x18E20] =	vst v63  }
0x3c: {  	_ =	swait.ge [sflag:s4], $0x2800  }
0x3d: {  	[sflag:s4] =	ssyncset.done $0x0  }
0x3e: {  	s2 =	rddreg [dreg:$0xd];
	[sflag:s4] =	ssyncadd.s32 $0xFFFFD800  }
0x3f: {  	[spmem:s2] =	stream.linear.scatter [tilespmem:s11], [sflag:$0x3], $0x2800, $0x38;
	[tilespmem:$0x18E20] =	vst v63  }
0x40: {  	_ =	swait.ge [sflag:s4], $0x2800  }
0x41: {  	[sflag:s4] =	ssyncset.done $0x0  }
0x42: {  	s3 =	rddreg [dreg:$0xe];
	[sflag:s4] =	ssyncadd.s32 $0xFFFFD800  }
0x43: {  	[spmem:s3] =	stream.linear.scatter [tilespmem:s11], [sflag:$0x3], $0x2800, $0x38;
	[tilespmem:$0x18E20] =	vst v63  }
0x44: {  	_ =	swait.ge [sflag:s4], $0x2800  }
0x45: {  	[sflag:s4] =	ssyncset.done $0x0  }
0x46: {  	s9 =	rddreg [dreg:$0xf];
	[sflag:s4] =	ssyncadd.s32 $0xFFFFD800  }
0x47: {  	[spmem:s9] =	stream.linear.scatter [tilespmem:s11], [sflag:$0x3], $0x2800, $0x38;
	[tilespmem:$0x18E20] =	vst v63  }
0x48: {  	_ =	swait.ge [sflag:s4], $0x2800  }
0x49: {  	[sflag:s4] =	ssyncset.done $0x0  }
0x4a: {  	s2 =	rddreg [dreg:$0x10];
	[sflag:s4] =	ssyncadd.s32 $0xFFFFD800  }
0x4b: {  	[spmem:s2] =	stream.linear.scatter [tilespmem:s11], [sflag:$0x3], $0x2800, $0x38;
	[tilespmem:$0x18E20] =	vst v63  }
0x4c: {  	_ =	swait.ge [sflag:s4], $0x2800  }
0x4d: {  	[sflag:s4] =	ssyncset.done $0x0  }
0x4e: {  	s3 =	rddreg [dreg:$0x11];
	[sflag:s4] =	ssyncadd.s32 $0xFFFFD800  }
0x4f: {  	[spmem:s3] =	stream.linear.scatter [tilespmem:s11], [sflag:$0x3], $0x2800, $0x38;
	[tilespmem:$0x18E20] =	vst v63  }
0x50: {  	_ =	swait.ge [sflag:s4], $0x2800  }
0x51: {  	[sflag:s4] =	ssyncset.done $0x0  }
0x52: {  	s9 =	rddreg [dreg:$0x12];
	[sflag:s4] =	ssyncadd.s32 $0xFFFFD800  }
0x53: {  	[spmem:s9] =	stream.linear.scatter [tilespmem:s11], [sflag:$0x3], $0x2800, $0x38;
	[tilespmem:$0x18E20] =	vst v63  }
0x54: {  	_ =	swait.ge [sflag:s4], $0x2800  }
0x55: {  	[sflag:s4] =	ssyncset.done $0x0  }
0x56: {  	s1 =	simm.s32 @!p0 $0x2DA0;
	s2 =	rddreg [dreg:$0x13];
	[sflag:s4] =	ssyncadd.s32 $0xFFFFD800  }
0x57: {  	[spmem:s2] =	stream.linear.scatter @!p0 [tilespmem:s1], [sflag:$0x3], $0x2800, $0x38;
	[tilespmem:$0x18E20] =	vst v63  }
0x58: {  	s1 =	simm.s32 @!p0 $0x3  }
0x59: {  	_ =	swait.ge @!p0 [sflag:s1], $0x2800  }
0x5a: {  	[sflag:s1] =	ssyncset.done @!p0 $0x0  }
0x5b: {  	[sflag:s1] =	ssyncadd.s32 @!p0 $0xFFFFD800  }
0x5c: {  	s2 =	simm.s32 $0x0;
	s1 =	simm.s32 $0x0;
	[bflag:$0x0] =	sbarrier.arrive $0xFFFF  }
.LBB2_4:
0x5d: {  	s3 =	smul.u32 $0x50, s1;
	_ =	sdelay $0x1  }
0x5e: {  	s3 =	sadd.s32 s24, s3  }
0x5f: {  	s3 =	sshrl.u32 s3, $0x3  }
0x60: {  	s9 =	sadd.s32 s13, s3  }
0x61: {  	[tilespmem:s2], [sflag:$0x3] =	stream.linear.gather [hbm4b:s9+s2], $0x50, $0x38;
	[tilespmem:$0x18E20] =	vst v63  }
0x62: {  	_ =	swait.ge [sflag:s4], $0x50  }
0x63: {  	[sflag:s4] =	ssyncset.done $0x0  }
0x64: {  	s3 =	sadd.s32 s14, s3;
	[sflag:s4] =	ssyncadd.s32 $0xFFFFFFB0  }
0x65: {  	[tilespmem:s5], [sflag:$0x3] =	stream.linear.gather [hbm4b:s3+s2], $0x50, $0x38;
	[tilespmem:$0x18E20] =	vst v63  }
0x66: {  	_ =	swait.ge [sflag:s4], $0x50  }
0x67: {  	[sflag:s4] =	ssyncset.done $0x0  }
0x68: {  	[sflag:s4] =	ssyncadd.s32 $0xFFFFFFB0  }
0x69: {  	s9 =	rddreg [dreg:$0x1]  }
0x6a: {  	[tilespmem:s6], [sflag:$0x2] =	stream.indirect.gather [hbm4b:s9+s5], $0x80, s5, s5, $0xb8;
	[tilespmem:$0x18E20] =	vst v63  }
0x6b: {  	v1 =	vld [tilespmem:$0x0]  }
0x6c: {  	v2 =	vld [tilespmem:$0x50];
	_ =	sdelay $0x4  }
0x6d: {  	v1 =	vshll.u32 v1, $0x3;
	v2 =	vshll.u32 v2, $0x3  }
0x6e: {  	[tilespmem:$0xA0] =	vst v1;
	v3 =	vor.u32 $0x4, v2  }
0x6f: {  	v4 =	vld [tilespmem:$0x10];
	[tilespmem:$0x1E0] =	vst v3;
	v3 =	vor.u32 $0x1, v1  }
0x70: {  	v5 =	vld [tilespmem:$0x60];
	[tilespmem:$0xF0] =	vst v3;
	v3 =	vor.u32 $0x5, v2  }
0x71: {  	[tilespmem:$0x230] =	vst v3;
	v3 =	vor.u32 $0x2, v1  }
0x72: {  	v1 =	vor.u32 $0x3, v1;
	[tilespmem:$0x140] =	vst v3  }
0x73: {  	v3 =	vor.u32 $0x6, v2;
	[tilespmem:$0x190] =	vst v1  }
0x74: {  	v1 =	vor.u32 $0x7, v2;
	[tilespmem:$0x280] =	vst v3  }
0x75: {  	v2 =	vshll.u32 v5, $0x3;
	[tilespmem:$0x2D0] =	vst v1;
	v1 =	vshll.u32 v4, $0x3  }
0x76: {  	v3 =	vor.u32 $0x4, v2;
	[tilespmem:$0xB0] =	vst v1  }
0x77: {  	v5 =	vld [tilespmem:$0x70];
	[tilespmem:$0x1F0] =	vst v3;
	v3 =	vor.u32 $0x1, v1  }
0x78: {  	v4 =	vld [tilespmem:$0x20];
	[tilespmem:$0x100] =	vst v3;
	v3 =	vor.u32 $0x5, v2  }
0x79: {  	[tilespmem:$0x240] =	vst v3;
	v3 =	vor.u32 $0x2, v1  }
0x7a: {  	v1 =	vor.u32 $0x3, v1;
	[tilespmem:$0x150] =	vst v3  }
0x7b: {  	v3 =	vor.u32 $0x6, v2;
	[tilespmem:$0x1A0] =	vst v1  }
0x7c: {  	v1 =	vor.u32 $0x7, v2;
	[tilespmem:$0x290] =	vst v3  }
0x7d: {  	v2 =	vshll.u32 v5, $0x3;
	[tilespmem:$0x2E0] =	vst v1;
	v1 =	vshll.u32 v4, $0x3  }
0x7e: {  	v3 =	vor.u32 $0x4, v2;
	[tilespmem:$0xC0] =	vst v1  }
0x7f: {  	v5 =	vld [tilespmem:$0x80];
	[tilespmem:$0x200] =	vst v3;
	v3 =	vor.u32 $0x1, v1  }
0x80: {  	v4 =	vld [tilespmem:$0x30];
	[tilespmem:$0x110] =	vst v3;
	v3 =	vor.u32 $0x5, v2  }
0x81: {  	[tilespmem:$0x250] =	vst v3;
	v3 =	vor.u32 $0x2, v1  }
0x82: {  	v1 =	vor.u32 $0x3, v1;
	[tilespmem:$0x160] =	vst v3  }
0x83: {  	v3 =	vor.u32 $0x6, v2;
	[tilespmem:$0x1B0] =	vst v1  }
0x84: {  	v1 =	vor.u32 $0x7, v2;
	[tilespmem:$0x2A0] =	vst v3  }
0x85: {  	v2 =	vshll.u32 v5, $0x3;
	[tilespmem:$0x2F0] =	vst v1;
	v1 =	vshll.u32 v4, $0x3  }
0x86: {  	v3 =	vor.u32 $0x4, v2;
	[tilespmem:$0xD0] =	vst v1  }
0x87: {  	v5 =	vld [tilespmem:$0x90];
	[tilespmem:$0x210] =	vst v3;
	v3 =	vor.u32 $0x1, v1  }
0x88: {  	v4 =	vld [tilespmem:$0x40];
	[tilespmem:$0x120] =	vst v3;
	v3 =	vor.u32 $0x5, v2  }
0x89: {  	[tilespmem:$0x260] =	vst v3;
	v3 =	vor.u32 $0x2, v1  }
0x8a: {  	v1 =	vor.u32 $0x3, v1;
	[tilespmem:$0x170] =	vst v3  }
0x8b: {  	v3 =	vor.u32 $0x6, v2;
	[tilespmem:$0x1C0] =	vst v1  }
0x8c: {  	v1 =	vor.u32 $0x7, v2;
	[tilespmem:$0x2B0] =	vst v3  }
0x8d: {  	v2 =	vshll.u32 v5, $0x3;
	[tilespmem:$0x300] =	vst v1;
	v1 =	vshll.u32 v4, $0x3  }
0x8e: {  	v3 =	vor.u32 $0x4, v2;
	[tilespmem:$0xE0] =	vst v1  }
0x8f: {  	[tilespmem:$0x220] =	vst v3;
	v3 =	vor.u32 $0x1, v1  }
0x90: {  	[tilespmem:$0x130] =	vst v3;
	v3 =	vor.u32 $0x5, v2  }
0x91: {  	[tilespmem:$0x270] =	vst v3;
	v3 =	vor.u32 $0x2, v1  }
0x92: {  	v1 =	vor.u32 $0x3, v1;
	[tilespmem:$0x180] =	vst v3  }
0x93: {  	v3 =	vor.u32 $0x6, v2;
	[tilespmem:$0x1D0] =	vst v1  }
0x94: {  	v1 =	vor.u32 $0x7, v2;
	[tilespmem:$0x2C0] =	vst v3  }
0x95: {  	s11 =	simm.s32 $0xA0;
	[tilespmem:$0x310] =	vst v1  }
0x96: {  	[tilespmem:s10], [sflag:$0x1] =	stream.indirect.gather [hbm4b:s15+s5], $0x1, s11, s5, $0xb8;
	[tilespmem:$0x18E20] =	vst v63  }
0x97: {  	_ = 	snop  }
0x98: {  	[tilespmem:s16], [sflag:$0x1] =	stream.indirect.gather [hbm4b:s15+s5], $0x1, s12, s5, $0xb8;
	[tilespmem:$0x18E20] =	vst v63  }
0x99: {  	_ = 	snop  }
0x9a: {  	[tilespmem:s18], [sflag:$0x1] =	stream.indirect.gather [hbm4b:s15+s5], $0x1, s17, s5, $0xb8;
	[tilespmem:$0x18E20] =	vst v63  }
0x9b: {  	_ = 	snop  }
0x9c: {  	[tilespmem:s20], [sflag:$0x1] =	stream.indirect.gather [hbm4b:s15+s5], $0x1, s19, s5, $0xb8;
	[tilespmem:$0x18E20] =	vst v63  }
0x9d: {  	_ = 	snop  }
0x9e: {  	[tilespmem:s22], [sflag:$0x1] =	stream.indirect.gather [hbm4b:s15+s5], $0x1, s21, s5, $0xb8;
	[tilespmem:$0x18E20] =	vst v63  }
0x9f: {  	_ = 	snop  }
0xa0: {  	[tilespmem:s25], [sflag:$0x1] =	stream.indirect.gather [hbm4b:s15+s5], $0x1, s23, s5, $0xb8;
	[tilespmem:$0x18E20] =	vst v63  }
0xa1: {  	_ = 	snop  }
0xa2: {  	[tilespmem:s28], [sflag:$0x1] =	stream.indirect.gather [hbm4b:s15+s5], $0x1, s26, s5, $0xb8;
	[tilespmem:$0x18E20] =	vst v63  }
0xa3: {  	_ = 	snop  }
0xa4: {  	[tilespmem:s30], [sflag:$0x1] =	stream.indirect.gather [hbm4b:s15+s5], $0x1, s29, s5, $0xb8;
	[tilespmem:$0x18E20] =	vst v63  }
0xa5: {  	_ =	swait.ge [sflag:s31], $0x50  }
0xa6: {  	[sflag:s31] =	ssyncset.done $0x0  }
0xa7: {  	[sflag:s31] =	ssyncadd.s32 $0xFFFFFFB0  }
0xa8: {  	_ =	swait.ge [sflag:s31], $0x50  }
0xa9: {  	[sflag:s31] =	ssyncset.done $0x0  }
0xaa: {  	[sflag:s31] =	ssyncadd.s32 $0xFFFFFFB0  }
0xab: {  	_ =	swait.ge [sflag:s31], $0x50  }
0xac: {  	[sflag:s31] =	ssyncset.done $0x0  }
0xad: {  	[sflag:s31] =	ssyncadd.s32 $0xFFFFFFB0  }
0xae: {  	_ =	swait.ge [sflag:s31], $0x50  }
0xaf: {  	[sflag:s31] =	ssyncset.done $0x0  }
0xb0: {  	[sflag:s31] =	ssyncadd.s32 $0xFFFFFFB0  }
0xb1: {  	_ =	swait.ge [sflag:s31], $0x50  }
0xb2: {  	[sflag:s31] =	ssyncset.done $0x0  }
0xb3: {  	[sflag:s31] =	ssyncadd.s32 $0xFFFFFFB0  }
0xb4: {  	_ =	swait.ge [sflag:s31], $0x50  }
0xb5: {  	[sflag:s31] =	ssyncset.done $0x0  }
0xb6: {  	[sflag:s31] =	ssyncadd.s32 $0xFFFFFFB0  }
0xb7: {  	_ =	swait.ge [sflag:s31], $0x50  }
0xb8: {  	[sflag:s31] =	ssyncset.done $0x0  }
0xb9: {  	[sflag:s31] =	ssyncadd.s32 $0xFFFFFFB0  }
0xba: {  	_ =	swait.ge [sflag:s31], $0x50  }
0xbb: {  	[sflag:s31] =	ssyncset.done $0x0  }
0xbc: {  	[sflag:s31] =	ssyncadd.s32 $0xFFFFFFB0  }
0xbd: {  	_ =	swait.ge [sflag:s8], $0x2800  }
0xbe: {  	[sflag:s8] =	ssyncset.done $0x0  }
0xbf: {  	[sflag:s8] =	ssyncadd.s32 $0xFFFFD800  }
0xc0: {  	v1 =	vld [tilespmem:$0x320]  }
0xc1: {  	v2 =	vld [tilespmem:$0x460]  }
0xc2: {  	v3 =	vld [tilespmem:$0x370]  }
0xc3: {  	v4 =	vld [tilespmem:$0x4B0]  }
0xc4: {  	v5 =	vld [tilespmem:$0x3C0]  }
0xc5: {  	v6 =	vld [tilespmem:$0x500]  }
0xc6: {  	v7 =	vld [tilespmem:$0x410]  }
0xc7: {  	v8 =	vld [tilespmem:$0x550];
	_ =	sdelay $0x2  }
0xc8: {  	v1 =	vadd.f32 v2, v1  }
0xc9: {  	v2 =	vadd.f32 v4, v3  }
0xca: {  	v4 =	vadd.f32 v6, v5;
	v5 =	vadd.f32 v8, v7;
	v3 =	vmul.f32 $2.000000030e-01, v1  }
0xcb: {  	vm0 =	vge.f32 v1, $0.0e+00;
	v6 =	vmul.f32 $2.000000030e-01, v2  }
0xcc: {  	v7 =	vmul.f32 $2.000000030e-01, v5;
	v1 =	vsel vm0, v1, v3;
	v3 =	vmul.f32 $2.000000030e-01, v4  }
0xcd: {  	vm15 =	vge.f32 v2, $0.0e+00;
	vm1 =	vge.f32 v4, $0.0e+00;
	vm2 =	vge.f32 v5, $0.0e+00  }
0xce: {  	v2 =	vsel vm15, v2, v6;
	v3 =	vsel vm1, v4, v3;
	v4 =	vsel vm2, v5, v7  }
0xcf: {  	v5 =	vmax.f32 v1, v2;
	v6 =	vmax.f32 v3, v4  }
0xd0: {  	v5 =	vmax.f32 v5, v6  }
0xd1: {  	v1 =	vsub.f32 v1, v5  }
0xd2: {  	v2 =	vsub.f32 v2, v5  }
0xd3: {  	v1 =	vmul.f32 $1.442695020e+00, v1  }
0xd4: {  	v3 =	vsub.f32 v3, v5;
	v2 =	vmul.f32 $1.442695020e+00, v2  }
0xd5: {  	(erf) = vpow2.f32 v1  }
0xd6: {  	v1 =	vmul.f32 $1.442695020e+00, v3;
	(erf) = vpow2.f32 v2;
	v2 =	vsub.f32 v4, v5;
	_ =	sdelay $0x1  }
0xd7: {  	(erf) = vpow2.f32 v1;
	v1 =	vmul.f32 $1.442695020e+00, v2;
	_ =	sdelay $0x1  }
0xd8: {  	(erf) = vpow2.f32 v1;
	_ =	sdelay $0x3  }
0xd9: {  	v1 =	vpop (erf)  }
0xda: {  	v2 =	vpop (erf)  }
0xdb: {  	v3 =	vadd.f32 v2, v1  }
0xdc: {  	v6 =	vpop (erf)  }
0xdd: {  	v3 =	vadd.f32 v3, v6  }
0xde: {  	v7 =	vpop (erf)  }
0xdf: {  	v3 =	vadd.f32 v3, v7;
	_ =	sdelay $0x1  }
0xe0: {  	(erf) = vrcp.f32 v3;
	_ =	sdelay $0x7  }
0xe1: {  	s3 =	simm.s32 $0x5E0  }
0xe2: {  	v10 =	vld [tilespmem:s3+$0xFFFFFFC0];
	v3 =	vpop (erf)  }
0xe3: {  	v11 =	vld [tilespmem:s3+$0xFFFFFFD0];
	v1 =	vmul.f32 v3, v1  }
0xe4: {  	v9 =	vld [tilespmem:s3+$0xFFFFFFE0];
	v4 =	vmov s2  }
0xe5: {  	v8 =	vld [tilespmem:s3+$0x0];
	v5 =	vmul.f32 v3, v2;
	v12 =	vperm.xlane v1, v4  }
0xe6: {  	v6 =	vmul.f32 v3, v6;
	v2 =	vmul.f32 v3, v7;
	v7 =	vld [tilespmem:s3+$0x10]  }
0xe7: {  	v3 =	vperm.xlane v5, v4;
	v14 =	vmul.f32 v10, v12;
	v10 =	vld [tilespmem:s3+$0x20]  }
0xe8: {  	s9 =	simm.s32 $0x1;
	s11 =	simm.s32 $0x5E0;
	v13 =	vmul.f32 v11, v12;
	v12 =	vperm.xlane v6, v4;
	v11 =	vld [tilespmem:s3+$0x30]  }
.LBB2_5:
0xe9: {  	p1 =	sne.s32 s9, $0xF;
	[tilespmem:s3+$0xFFFFFFC0] =	vst v14;
	v9 =	vmul.f32 v9, v3;
	v14 =	vld [tilespmem:s3+$0xFFFFFFF0];
	s11 =	sadd.s32 $0x80, s11  }
0xea: {  	v15 =	vld [tilespmem:s11+$0xFFFFFFC0];
	[tilespmem:s3+$0xFFFFFFD0] =	vst v13;
	v8 =	vmul.f32 v8, v12;
	v13 =	vperm.xlane v2, v4  }
0xeb: {  	v16 =	vld [tilespmem:s11+$0xFFFFFFD0];
	[tilespmem:s3+$0xFFFFFFE0] =	vst v9;
	v7 =	vmul.f32 v7, v12  }
.Ltmp1:
0xec: {  	v4 =	vmov s9;
	v9 =	vld [tilespmem:s11+$0xFFFFFFE0];
	[tilespmem:s3+$0x0] =	vst v8;
	v10 =	vmul.f32 v10, v13;
	(pc) =	sbr.rel @p1 .LBB2_5-.Ltmp1, $4  }
0xed: {  	v12 =	vperm.xlane v1, v4;
	v8 =	vld [tilespmem:s11+$0x0];
	[tilespmem:s3+$0x10] =	vst v7;
	v11 =	vmul.f32 v11, v13  }
0xee: {  	v7 =	vld [tilespmem:s11+$0x10];
	v17 =	vmul.f32 v14, v3;
	[tilespmem:s3+$0x20] =	vst v10  }
0xef: {  	v3 =	vperm.xlane v5, v4;
	v14 =	vmul.f32 v15, v12;
	v10 =	vld [tilespmem:s11+$0x20];
	[tilespmem:s3+$0x30] =	vst v11  }
0xf0: {  	s9 =	sadd.s32 $0x1, s9;
	v13 =	vmul.f32 v16, v12;
	v12 =	vperm.xlane v6, v4;
	v11 =	vld [tilespmem:s11+$0x30];
	[tilespmem:s3+$0xFFFFFFF0] =	vst v17;
	s3 =	smov.u32 s11  }
0xf1: {  	[tilespmem:s3+$0xFFFFFFC0] =	vst v14;
	v1 =	vmul.f32 v9, v3;
	v5 =	vld [tilespmem:s3+$0xFFFFFFF0]  }
0xf2: {  	v2 =	vperm.xlane v2, v4;
	[tilespmem:s3+$0xFFFFFFD0] =	vst v13;
	v6 =	vmul.f32 v8, v12  }
0xf3: {  	[tilespmem:s3+$0xFFFFFFE0] =	vst v1;
	v1 =	vmul.f32 v7, v12  }
0xf4: {  	[tilespmem:s3+$0x0] =	vst v6;
	v4 =	vmul.f32 v10, v2  }
0xf5: {  	[tilespmem:s3+$0x10] =	vst v1;
	v1 =	vmul.f32 v11, v2  }
0xf6: {  	v2 =	vmul.f32 v5, v3;
	[tilespmem:s3+$0x20] =	vst v4  }
0xf7: {  	[tilespmem:s3+$0x30] =	vst v1  }
0xf8: {  	[tilespmem:s3+$0xFFFFFFF0] =	vst v2  }
0xf9: {  	v1 =	vld [tilespmem:$0x330]  }
0xfa: {  	v2 =	vld [tilespmem:$0x470]  }
0xfb: {  	v3 =	vld [tilespmem:$0x380]  }
0xfc: {  	v4 =	vld [tilespmem:$0x4C0]  }
0xfd: {  	v5 =	vld [tilespmem:$0x3D0]  }
0xfe: {  	v6 =	vld [tilespmem:$0x510]  }
0xff: {  	v7 =	vld [tilespmem:$0x420]  }
0x100: {  	v8 =	vld [tilespmem:$0x560];
	_ =	sdelay $0x2  }
0x101: {  	v1 =	vadd.f32 v2, v1  }
0x102: {  	v2 =	vadd.f32 v4, v3  }
0x103: {  	v4 =	vadd.f32 v6, v5;
	v5 =	vadd.f32 v8, v7;
	v3 =	vmul.f32 $2.000000030e-01, v1  }
0x104: {  	vm0 =	vge.f32 v1, $0.0e+00;
	v6 =	vmul.f32 $2.000000030e-01, v2  }
0x105: {  	v7 =	vmul.f32 $2.000000030e-01, v5;
	v1 =	vsel vm0, v1, v3;
	v3 =	vmul.f32 $2.000000030e-01, v4  }
0x106: {  	vm15 =	vge.f32 v2, $0.0e+00;
	vm1 =	vge.f32 v4, $0.0e+00;
	vm2 =	vge.f32 v5, $0.0e+00  }
0x107: {  	v2 =	vsel vm15, v2, v6;
	v3 =	vsel vm1, v4, v3;
	v4 =	vsel vm2, v5, v7  }
0x108: {  	v5 =	vmax.f32 v1, v2;
	v6 =	vmax.f32 v3, v4  }
0x109: {  	v5 =	vmax.f32 v5, v6  }
0x10a: {  	v1 =	vsub.f32 v1, v5  }
0x10b: {  	v2 =	vsub.f32 v2, v5  }
0x10c: {  	v1 =	vmul.f32 $1.442695020e+00, v1  }
0x10d: {  	v3 =	vsub.f32 v3, v5;
	v2 =	vmul.f32 $1.442695020e+00, v2  }
0x10e: {  	(erf) = vpow2.f32 v1  }
0x10f: {  	v1 =	vmul.f32 $1.442695020e+00, v3;
	(erf) = vpow2.f32 v2;
	v2 =	vsub.f32 v4, v5;
	_ =	sdelay $0x1  }
0x110: {  	(erf) = vpow2.f32 v1;
	v1 =	vmul.f32 $1.442695020e+00, v2;
	_ =	sdelay $0x1  }
0x111: {  	(erf) = vpow2.f32 v1;
	_ =	sdelay $0x3  }
0x112: {  	v1 =	vpop (erf)  }
0x113: {  	v3 =	vpop (erf)  }
0x114: {  	v2 =	vadd.f32 v3, v1  }
0x115: {  	v4 =	vpop (erf)  }
0x116: {  	v2 =	vadd.f32 v2, v4  }
0x117: {  	v8 =	vpop (erf)  }
0x118: {  	v2 =	vadd.f32 v2, v8;
	_ =	sdelay $0x1  }
0x119: {  	(erf) = vrcp.f32 v2;
	_ =	sdelay $0x7  }
0x11a: {  	s3 =	simm.s32 $0xE10  }
0x11b: {  	v11 =	vld [tilespmem:s3+$0xFFFFFF90];
	v9 =	vpop (erf)  }
0x11c: {  	s9 =	simm.s32 $0x0;
	v12 =	vld [tilespmem:s3+$0xFFFFFFA0];
	v2 =	vmul.f32 v9, v1  }
0x11d: {  	v10 =	vld [tilespmem:s3+$0xFFFFFFB0];
	v1 =	vmov s9  }
0x11e: {  	v6 =	vld [tilespmem:s3+$0xFFFFFFC0];
	v5 =	vmul.f32 v9, v3;
	v14 =	vperm.xlane v2, v1  }
0x11f: {  	v7 =	vld [tilespmem:s3+$0xFFFFFFD0];
	v4 =	vmul.f32 v9, v4;
	v3 =	vmul.f32 v9, v8  }
0x120: {  	v8 =	vld [tilespmem:s3+$0xFFFFFFE0];
	v13 =	vmul.f32 v11, v14;
	v11 =	vperm.xlane v5, v1  }
0x121: {  	s11 =	simm.s32 $0xE10;
	v9 =	vld [tilespmem:s3+$0x0];
	s9 =	simm.s32 $0x1;
	v12 =	vmul.f32 v12, v14  }
.LBB2_7:
0x122: {  	p1 =	sne.s32 s9, $0xF;
	[tilespmem:s3+$0xFFFFFF90] =	vst v13;
	v10 =	vmul.f32 v10, v11;
	v13 =	vperm.xlane v4, v1;
	v14 =	vld [tilespmem:s3+$0xFFFFFFF0];
	s11 =	sadd.s32 $0x80, s11  }
0x123: {  	v15 =	vld [tilespmem:s11+$0xFFFFFF90];
	[tilespmem:s3+$0xFFFFFFA0] =	vst v12;
	v6 =	vmul.f32 v6, v11  }
0x124: {  	v11 =	vperm.xlane v3, v1;
	v12 =	vld [tilespmem:s11+$0xFFFFFFA0];
	[tilespmem:s3+$0xFFFFFFB0] =	vst v10;
	v7 =	vmul.f32 v7, v13  }
.Ltmp2:
0x125: {  	v1 =	vmov s9;
	v10 =	vld [tilespmem:s11+$0xFFFFFFB0];
	[tilespmem:s3+$0xFFFFFFC0] =	vst v6;
	v8 =	vmul.f32 v8, v13;
	(pc) =	sbr.rel @p1 .LBB2_7-.Ltmp2, $4  }
0x126: {  	v16 =	vperm.xlane v2, v1;
	v6 =	vld [tilespmem:s11+$0xFFFFFFC0];
	[tilespmem:s3+$0xFFFFFFD0] =	vst v7;
	v9 =	vmul.f32 v9, v11  }
0x127: {  	v7 =	vld [tilespmem:s11+$0xFFFFFFD0];
	[tilespmem:s3+$0xFFFFFFE0] =	vst v8;
	v14 =	vmul.f32 v14, v11  }
0x128: {  	v11 =	vperm.xlane v5, v1;
	v13 =	vmul.f32 v15, v16;
	v8 =	vld [tilespmem:s11+$0xFFFFFFE0];
	[tilespmem:s3+$0x0] =	vst v9  }
0x129: {  	s9 =	sadd.s32 $0x1, s9;
	v12 =	vmul.f32 v12, v16;
	v9 =	vld [tilespmem:s11+$0x0];
	[tilespmem:s3+$0xFFFFFFF0] =	vst v14;
	s3 =	smov.u32 s11  }
0x12a: {  	[tilespmem:s3+$0xFFFFFF90] =	vst v13;
	v2 =	vmul.f32 v10, v11;
	v4 =	vperm.xlane v4, v1;
	v5 =	vld [tilespmem:s3+$0xFFFFFFF0]  }
0x12b: {  	[tilespmem:s3+$0xFFFFFFA0] =	vst v12;
	v6 =	vmul.f32 v6, v11  }
0x12c: {  	v1 =	vperm.xlane v3, v1;
	[tilespmem:s3+$0xFFFFFFB0] =	vst v2;
	v2 =	vmul.f32 v7, v4  }
0x12d: {  	[tilespmem:s3+$0xFFFFFFC0] =	vst v6;
	v3 =	vmul.f32 v8, v4  }
0x12e: {  	[tilespmem:s3+$0xFFFFFFD0] =	vst v2;
	v2 =	vmul.f32 v9, v1  }
0x12f: {  	[tilespmem:s3+$0xFFFFFFE0] =	vst v3;
	v1 =	vmul.f32 v5, v1  }
0x130: {  	[tilespmem:s3+$0x0] =	vst v2  }
0x131: {  	[tilespmem:s3+$0xFFFFFFF0] =	vst v1  }
0x132: {  	v1 =	vld [tilespmem:$0x340]  }
0x133: {  	v2 =	vld [tilespmem:$0x480]  }
0x134: {  	v3 =	vld [tilespmem:$0x390]  }
0x135: {  	v4 =	vld [tilespmem:$0x4D0]  }
0x136: {  	v5 =	vld [tilespmem:$0x3E0]  }
0x137: {  	v6 =	vld [tilespmem:$0x520]  }
0x138: {  	v7 =	vld [tilespmem:$0x430]  }
0x139: {  	v8 =	vld [tilespmem:$0x570];
	_ =	sdelay $0x2  }
0x13a: {  	v1 =	vadd.f32 v2, v1  }
0x13b: {  	v2 =	vadd.f32 v4, v3  }
0x13c: {  	v4 =	vadd.f32 v6, v5;
	v5 =	vadd.f32 v8, v7;
	v3 =	vmul.f32 $2.000000030e-01, v1  }
0x13d: {  	vm0 =	vge.f32 v1, $0.0e+00;
	v6 =	vmul.f32 $2.000000030e-01, v2  }
0x13e: {  	v7 =	vmul.f32 $2.000000030e-01, v5;
	v1 =	vsel vm0, v1, v3;
	v3 =	vmul.f32 $2.000000030e-01, v4  }
0x13f: {  	vm15 =	vge.f32 v2, $0.0e+00;
	vm1 =	vge.f32 v4, $0.0e+00;
	vm2 =	vge.f32 v5, $0.0e+00  }
0x140: {  	v2 =	vsel vm15, v2, v6;
	v3 =	vsel vm1, v4, v3;
	v4 =	vsel vm2, v5, v7  }
0x141: {  	v5 =	vmax.f32 v1, v2;
	v6 =	vmax.f32 v3, v4  }
0x142: {  	v5 =	vmax.f32 v5, v6  }
0x143: {  	v1 =	vsub.f32 v1, v5  }
0x144: {  	v2 =	vsub.f32 v2, v5  }
0x145: {  	v1 =	vmul.f32 $1.442695020e+00, v1  }
0x146: {  	v3 =	vsub.f32 v3, v5;
	v2 =	vmul.f32 $1.442695020e+00, v2  }
0x147: {  	(erf) = vpow2.f32 v1  }
0x148: {  	v1 =	vmul.f32 $1.442695020e+00, v3;
	(erf) = vpow2.f32 v2;
	v2 =	vsub.f32 v4, v5;
	_ =	sdelay $0x1  }
0x149: {  	(erf) = vpow2.f32 v1;
	v1 =	vmul.f32 $1.442695020e+00, v2;
	_ =	sdelay $0x1  }
0x14a: {  	(erf) = vpow2.f32 v1;
	_ =	sdelay $0x3  }
0x14b: {  	v1 =	vpop (erf)  }
0x14c: {  	v3 =	vpop (erf)  }
0x14d: {  	v2 =	vadd.f32 v3, v1  }
0x14e: {  	v4 =	vpop (erf)  }
0x14f: {  	v2 =	vadd.f32 v2, v4  }
0x150: {  	v8 =	vpop (erf)  }
0x151: {  	v2 =	vadd.f32 v2, v8;
	_ =	sdelay $0x1  }
0x152: {  	(erf) = vrcp.f32 v2;
	_ =	sdelay $0x7  }
0x153: {  	s3 =	simm.s32 $0x1610  }
0x154: {  	v11 =	vld [tilespmem:s3+$0xFFFFFF90];
	v9 =	vpop (erf)  }
0x155: {  	s9 =	simm.s32 $0x0;
	v12 =	vld [tilespmem:s3+$0xFFFFFFA0];
	v2 =	vmul.f32 v9, v1  }
0x156: {  	v10 =	vld [tilespmem:s3+$0xFFFFFFB0];
	v1 =	vmov s9  }
0x157: {  	v6 =	vld [tilespmem:s3+$0xFFFFFFC0];
	v5 =	vmul.f32 v9, v3;
	v14 =	vperm.xlane v2, v1  }
0x158: {  	v7 =	vld [tilespmem:s3+$0xFFFFFFD0];
	v4 =	vmul.f32 v9, v4;
	v3 =	vmul.f32 v9, v8  }
0x159: {  	v8 =	vld [tilespmem:s3+$0xFFFFFFE0];
	v13 =	vmul.f32 v11, v14;
	v11 =	vperm.xlane v5, v1  }
0x15a: {  	s11 =	simm.s32 $0x1610;
	v9 =	vld [tilespmem:s3+$0x0];
	s9 =	simm.s32 $0x1;
	v12 =	vmul.f32 v12, v14  }
.LBB2_9:
0x15b: {  	p1 =	sne.s32 s9, $0xF;
	[tilespmem:s3+$0xFFFFFF90] =	vst v13;
	v10 =	vmul.f32 v10, v11;
	v13 =	vperm.xlane v4, v1;
	v14 =	vld [tilespmem:s3+$0xFFFFFFF0];
	s11 =	sadd.s32 $0x80, s11  }
0x15c: {  	v15 =	vld [tilespmem:s11+$0xFFFFFF90];
	[tilespmem:s3+$0xFFFFFFA0] =	vst v12;
	v6 =	vmul.f32 v6, v11  }
0x15d: {  	v11 =	vperm.xlane v3, v1;
	v12 =	vld [tilespmem:s11+$0xFFFFFFA0];
	[tilespmem:s3+$0xFFFFFFB0] =	vst v10;
	v7 =	vmul.f32 v7, v13  }
.Ltmp3:
0x15e: {  	v1 =	vmov s9;
	v10 =	vld [tilespmem:s11+$0xFFFFFFB0];
	[tilespmem:s3+$0xFFFFFFC0] =	vst v6;
	v8 =	vmul.f32 v8, v13;
	(pc) =	sbr.rel @p1 .LBB2_9-.Ltmp3, $4  }
0x15f: {  	v16 =	vperm.xlane v2, v1;
	v6 =	vld [tilespmem:s11+$0xFFFFFFC0];
	[tilespmem:s3+$0xFFFFFFD0] =	vst v7;
	v9 =	vmul.f32 v9, v11  }
0x160: {  	v7 =	vld [tilespmem:s11+$0xFFFFFFD0];
	[tilespmem:s3+$0xFFFFFFE0] =	vst v8;
	v14 =	vmul.f32 v14, v11  }
0x161: {  	v11 =	vperm.xlane v5, v1;
	v13 =	vmul.f32 v15, v16;
	v8 =	vld [tilespmem:s11+$0xFFFFFFE0];
	[tilespmem:s3+$0x0] =	vst v9  }
0x162: {  	s9 =	sadd.s32 $0x1, s9;
	v12 =	vmul.f32 v12, v16;
	v9 =	vld [tilespmem:s11+$0x0];
	[tilespmem:s3+$0xFFFFFFF0] =	vst v14;
	s3 =	smov.u32 s11  }
0x163: {  	[tilespmem:s3+$0xFFFFFF90] =	vst v13;
	v2 =	vmul.f32 v10, v11;
	v4 =	vperm.xlane v4, v1;
	v5 =	vld [tilespmem:s3+$0xFFFFFFF0]  }
0x164: {  	[tilespmem:s3+$0xFFFFFFA0] =	vst v12;
	v6 =	vmul.f32 v6, v11  }
0x165: {  	v1 =	vperm.xlane v3, v1;
	[tilespmem:s3+$0xFFFFFFB0] =	vst v2;
	v2 =	vmul.f32 v7, v4  }
0x166: {  	[tilespmem:s3+$0xFFFFFFC0] =	vst v6;
	v3 =	vmul.f32 v8, v4  }
0x167: {  	[tilespmem:s3+$0xFFFFFFD0] =	vst v2;
	v2 =	vmul.f32 v9, v1  }
0x168: {  	[tilespmem:s3+$0xFFFFFFE0] =	vst v3;
	v1 =	vmul.f32 v5, v1  }
0x169: {  	[tilespmem:s3+$0x0] =	vst v2  }
0x16a: {  	[tilespmem:s3+$0xFFFFFFF0] =	vst v1  }
0x16b: {  	v1 =	vld [tilespmem:$0x350]  }
0x16c: {  	v2 =	vld [tilespmem:$0x490]  }
0x16d: {  	v3 =	vld [tilespmem:$0x3A0]  }
0x16e: {  	v4 =	vld [tilespmem:$0x4E0]  }
0x16f: {  	v5 =	vld [tilespmem:$0x3F0]  }
0x170: {  	v6 =	vld [tilespmem:$0x530]  }
0x171: {  	v7 =	vld [tilespmem:$0x440]  }
0x172: {  	v8 =	vld [tilespmem:$0x580];
	_ =	sdelay $0x2  }
0x173: {  	v1 =	vadd.f32 v2, v1  }
0x174: {  	v2 =	vadd.f32 v4, v3  }
0x175: {  	v4 =	vadd.f32 v6, v5;
	v5 =	vadd.f32 v8, v7;
	v3 =	vmul.f32 $2.000000030e-01, v1  }
0x176: {  	vm0 =	vge.f32 v1, $0.0e+00;
	v6 =	vmul.f32 $2.000000030e-01, v2  }
0x177: {  	v7 =	vmul.f32 $2.000000030e-01, v5;
	v1 =	vsel vm0, v1, v3;
	v3 =	vmul.f32 $2.000000030e-01, v4  }
0x178: {  	vm15 =	vge.f32 v2, $0.0e+00;
	vm1 =	vge.f32 v4, $0.0e+00;
	vm2 =	vge.f32 v5, $0.0e+00  }
0x179: {  	v2 =	vsel vm15, v2, v6;
	v3 =	vsel vm1, v4, v3;
	v4 =	vsel vm2, v5, v7  }
0x17a: {  	v5 =	vmax.f32 v1, v2;
	v6 =	vmax.f32 v3, v4  }
0x17b: {  	v5 =	vmax.f32 v5, v6  }
0x17c: {  	v1 =	vsub.f32 v1, v5  }
0x17d: {  	v2 =	vsub.f32 v2, v5  }
0x17e: {  	v1 =	vmul.f32 $1.442695020e+00, v1  }
0x17f: {  	v3 =	vsub.f32 v3, v5;
	v2 =	vmul.f32 $1.442695020e+00, v2  }
0x180: {  	(erf) = vpow2.f32 v1  }
0x181: {  	v1 =	vmul.f32 $1.442695020e+00, v3;
	(erf) = vpow2.f32 v2;
	v2 =	vsub.f32 v4, v5;
	_ =	sdelay $0x1  }
0x182: {  	(erf) = vpow2.f32 v1;
	v1 =	vmul.f32 $1.442695020e+00, v2;
	_ =	sdelay $0x1  }
0x183: {  	(erf) = vpow2.f32 v1;
	_ =	sdelay $0x3  }
0x184: {  	v1 =	vpop (erf)  }
0x185: {  	v3 =	vpop (erf)  }
0x186: {  	v2 =	vadd.f32 v3, v1  }
0x187: {  	v4 =	vpop (erf)  }
0x188: {  	v2 =	vadd.f32 v2, v4  }
0x189: {  	v8 =	vpop (erf)  }
0x18a: {  	v2 =	vadd.f32 v2, v8;
	_ =	sdelay $0x1  }
0x18b: {  	(erf) = vrcp.f32 v2;
	_ =	sdelay $0x7  }
0x18c: {  	s3 =	simm.s32 $0x1E10  }
0x18d: {  	v11 =	vld [tilespmem:s3+$0xFFFFFF90];
	v9 =	vpop (erf)  }
0x18e: {  	s9 =	simm.s32 $0x0;
	v12 =	vld [tilespmem:s3+$0xFFFFFFA0];
	v2 =	vmul.f32 v9, v1  }
0x18f: {  	v10 =	vld [tilespmem:s3+$0xFFFFFFB0];
	v1 =	vmov s9  }
0x190: {  	v6 =	vld [tilespmem:s3+$0xFFFFFFC0];
	v5 =	vmul.f32 v9, v3;
	v14 =	vperm.xlane v2, v1  }
0x191: {  	v7 =	vld [tilespmem:s3+$0xFFFFFFD0];
	v4 =	vmul.f32 v9, v4;
	v3 =	vmul.f32 v9, v8  }
0x192: {  	v8 =	vld [tilespmem:s3+$0xFFFFFFE0];
	v13 =	vmul.f32 v11, v14;
	v11 =	vperm.xlane v5, v1  }
0x193: {  	s11 =	simm.s32 $0x1E10;
	v9 =	vld [tilespmem:s3+$0x0];
	s9 =	simm.s32 $0x1;
	v12 =	vmul.f32 v12, v14  }
.LBB2_11:
0x194: {  	p1 =	sne.s32 s9, $0xF;
	[tilespmem:s3+$0xFFFFFF90] =	vst v13;
	v10 =	vmul.f32 v10, v11;
	v13 =	vperm.xlane v4, v1;
	v14 =	vld [tilespmem:s3+$0xFFFFFFF0];
	s11 =	sadd.s32 $0x80, s11  }
0x195: {  	v15 =	vld [tilespmem:s11+$0xFFFFFF90];
	[tilespmem:s3+$0xFFFFFFA0] =	vst v12;
	v6 =	vmul.f32 v6, v11  }
0x196: {  	v11 =	vperm.xlane v3, v1;
	v12 =	vld [tilespmem:s11+$0xFFFFFFA0];
	[tilespmem:s3+$0xFFFFFFB0] =	vst v10;
	v7 =	vmul.f32 v7, v13  }
.Ltmp4:
0x197: {  	v1 =	vmov s9;
	v10 =	vld [tilespmem:s11+$0xFFFFFFB0];
	[tilespmem:s3+$0xFFFFFFC0] =	vst v6;
	v8 =	vmul.f32 v8, v13;
	(pc) =	sbr.rel @p1 .LBB2_11-.Ltmp4, $4  }
0x198: {  	v16 =	vperm.xlane v2, v1;
	v6 =	vld [tilespmem:s11+$0xFFFFFFC0];
	[tilespmem:s3+$0xFFFFFFD0] =	vst v7;
	v9 =	vmul.f32 v9, v11  }
0x199: {  	v7 =	vld [tilespmem:s11+$0xFFFFFFD0];
	[tilespmem:s3+$0xFFFFFFE0] =	vst v8;
	v14 =	vmul.f32 v14, v11  }
0x19a: {  	v11 =	vperm.xlane v5, v1;
	v13 =	vmul.f32 v15, v16;
	v8 =	vld [tilespmem:s11+$0xFFFFFFE0];
	[tilespmem:s3+$0x0] =	vst v9  }
0x19b: {  	s9 =	sadd.s32 $0x1, s9;
	v12 =	vmul.f32 v12, v16;
	v9 =	vld [tilespmem:s11+$0x0];
	[tilespmem:s3+$0xFFFFFFF0] =	vst v14;
	s3 =	smov.u32 s11  }
0x19c: {  	[tilespmem:s3+$0xFFFFFF90] =	vst v13;
	v2 =	vmul.f32 v10, v11;
	v4 =	vperm.xlane v4, v1;
	v5 =	vld [tilespmem:s3+$0xFFFFFFF0]  }
0x19d: {  	[tilespmem:s3+$0xFFFFFFA0] =	vst v12;
	v6 =	vmul.f32 v6, v11  }
0x19e: {  	v1 =	vperm.xlane v3, v1;
	[tilespmem:s3+$0xFFFFFFB0] =	vst v2;
	v2 =	vmul.f32 v7, v4  }
0x19f: {  	[tilespmem:s3+$0xFFFFFFC0] =	vst v6;
	v3 =	vmul.f32 v8, v4  }
0x1a0: {  	[tilespmem:s3+$0xFFFFFFD0] =	vst v2;
	v2 =	vmul.f32 v9, v1  }
0x1a1: {  	[tilespmem:s3+$0xFFFFFFE0] =	vst v3;
	v1 =	vmul.f32 v5, v1  }
0x1a2: {  	[tilespmem:s3+$0x0] =	vst v2  }
0x1a3: {  	[tilespmem:s3+$0xFFFFFFF0] =	vst v1  }
0x1a4: {  	v1 =	vld [tilespmem:$0x360]  }
0x1a5: {  	v2 =	vld [tilespmem:$0x4A0]  }
0x1a6: {  	v3 =	vld [tilespmem:$0x3B0]  }
0x1a7: {  	v4 =	vld [tilespmem:$0x4F0]  }
0x1a8: {  	v5 =	vld [tilespmem:$0x400]  }
0x1a9: {  	v6 =	vld [tilespmem:$0x540]  }
0x1aa: {  	v7 =	vld [tilespmem:$0x450]  }
0x1ab: {  	v8 =	vld [tilespmem:$0x590];
	_ =	sdelay $0x2  }
0x1ac: {  	v1 =	vadd.f32 v2, v1  }
0x1ad: {  	v2 =	vadd.f32 v4, v3  }
0x1ae: {  	v4 =	vadd.f32 v6, v5;
	v5 =	vadd.f32 v8, v7;
	v3 =	vmul.f32 $2.000000030e-01, v1  }
0x1af: {  	vm0 =	vge.f32 v1, $0.0e+00;
	v6 =	vmul.f32 $2.000000030e-01, v2  }
0x1b0: {  	v7 =	vmul.f32 $2.000000030e-01, v5;
	v1 =	vsel vm0, v1, v3;
	v3 =	vmul.f32 $2.000000030e-01, v4  }
0x1b1: {  	vm15 =	vge.f32 v2, $0.0e+00;
	vm1 =	vge.f32 v4, $0.0e+00;
	vm2 =	vge.f32 v5, $0.0e+00  }
0x1b2: {  	v2 =	vsel vm15, v2, v6;
	v3 =	vsel vm1, v4, v3;
	v4 =	vsel vm2, v5, v7  }
0x1b3: {  	v5 =	vmax.f32 v1, v2;
	v6 =	vmax.f32 v3, v4  }
0x1b4: {  	v5 =	vmax.f32 v5, v6  }
0x1b5: {  	v1 =	vsub.f32 v1, v5  }
0x1b6: {  	v2 =	vsub.f32 v2, v5  }
0x1b7: {  	v1 =	vmul.f32 $1.442695020e+00, v1  }
0x1b8: {  	v3 =	vsub.f32 v3, v5;
	v2 =	vmul.f32 $1.442695020e+00, v2  }
0x1b9: {  	(erf) = vpow2.f32 v1  }
0x1ba: {  	v1 =	vmul.f32 $1.442695020e+00, v3;
	(erf) = vpow2.f32 v2;
	v2 =	vsub.f32 v4, v5;
	_ =	sdelay $0x1  }
0x1bb: {  	(erf) = vpow2.f32 v1;
	v1 =	vmul.f32 $1.442695020e+00, v2;
	_ =	sdelay $0x1  }
0x1bc: {  	(erf) = vpow2.f32 v1;
	_ =	sdelay $0x3  }
0x1bd: {  	v1 =	vpop (erf)  }
0x1be: {  	v3 =	vpop (erf)  }
0x1bf: {  	v2 =	vadd.f32 v3, v1  }
0x1c0: {  	v4 =	vpop (erf)  }
0x1c1: {  	v2 =	vadd.f32 v2, v4  }
0x1c2: {  	v8 =	vpop (erf)  }
0x1c3: {  	v2 =	vadd.f32 v2, v8;
	_ =	sdelay $0x1  }
0x1c4: {  	(erf) = vrcp.f32 v2;
	_ =	sdelay $0x7  }
0x1c5: {  	s3 =	simm.s32 $0x2610  }
0x1c6: {  	v11 =	vld [tilespmem:s3+$0xFFFFFF90];
	v9 =	vpop (erf)  }
0x1c7: {  	s9 =	simm.s32 $0x0;
	v12 =	vld [tilespmem:s3+$0xFFFFFFA0];
	v2 =	vmul.f32 v9, v1  }
0x1c8: {  	v10 =	vld [tilespmem:s3+$0xFFFFFFB0];
	v1 =	vmov s9  }
0x1c9: {  	v6 =	vld [tilespmem:s3+$0xFFFFFFC0];
	v5 =	vmul.f32 v9, v3;
	v14 =	vperm.xlane v2, v1  }
0x1ca: {  	v7 =	vld [tilespmem:s3+$0xFFFFFFD0];
	v4 =	vmul.f32 v9, v4;
	v3 =	vmul.f32 v9, v8  }
0x1cb: {  	v8 =	vld [tilespmem:s3+$0xFFFFFFE0];
	v13 =	vmul.f32 v11, v14;
	v11 =	vperm.xlane v5, v1  }
0x1cc: {  	s11 =	simm.s32 $0x2610;
	v9 =	vld [tilespmem:s3+$0x0];
	s9 =	simm.s32 $0x1;
	v12 =	vmul.f32 v12, v14  }
.LBB2_13:
0x1cd: {  	p1 =	sne.s32 s9, $0xF;
	[tilespmem:s3+$0xFFFFFF90] =	vst v13;
	v10 =	vmul.f32 v10, v11;
	v13 =	vperm.xlane v4, v1;
	v14 =	vld [tilespmem:s3+$0xFFFFFFF0];
	s11 =	sadd.s32 $0x80, s11  }
0x1ce: {  	v15 =	vld [tilespmem:s11+$0xFFFFFF90];
	[tilespmem:s3+$0xFFFFFFA0] =	vst v12;
	v6 =	vmul.f32 v6, v11  }
0x1cf: {  	v11 =	vperm.xlane v3, v1;
	v12 =	vld [tilespmem:s11+$0xFFFFFFA0];
	[tilespmem:s3+$0xFFFFFFB0] =	vst v10;
	v7 =	vmul.f32 v7, v13  }
.Ltmp5:
0x1d0: {  	v1 =	vmov s9;
	v10 =	vld [tilespmem:s11+$0xFFFFFFB0];
	[tilespmem:s3+$0xFFFFFFC0] =	vst v6;
	v8 =	vmul.f32 v8, v13;
	(pc) =	sbr.rel @p1 .LBB2_13-.Ltmp5, $4  }
0x1d1: {  	v16 =	vperm.xlane v2, v1;
	v6 =	vld [tilespmem:s11+$0xFFFFFFC0];
	[tilespmem:s3+$0xFFFFFFD0] =	vst v7;
	v9 =	vmul.f32 v9, v11  }
0x1d2: {  	v7 =	vld [tilespmem:s11+$0xFFFFFFD0];
	[tilespmem:s3+$0xFFFFFFE0] =	vst v8;
	v14 =	vmul.f32 v14, v11  }
0x1d3: {  	v11 =	vperm.xlane v5, v1;
	v13 =	vmul.f32 v15, v16;
	v8 =	vld [tilespmem:s11+$0xFFFFFFE0];
	[tilespmem:s3+$0x0] =	vst v9  }
0x1d4: {  	s9 =	sadd.s32 $0x1, s9;
	v12 =	vmul.f32 v12, v16;
	v9 =	vld [tilespmem:s11+$0x0];
	[tilespmem:s3+$0xFFFFFFF0] =	vst v14;
	s3 =	smov.u32 s11  }
0x1d5: {  	[tilespmem:s3+$0xFFFFFF90] =	vst v13;
	v2 =	vmul.f32 v10, v11;
	v4 =	vperm.xlane v4, v1;
	v5 =	vld [tilespmem:s3+$0xFFFFFFF0]  }
0x1d6: {  	[tilespmem:s3+$0xFFFFFFA0] =	vst v12;
	v6 =	vmul.f32 v6, v11  }
0x1d7: {  	v1 =	vperm.xlane v3, v1;
	[tilespmem:s3+$0xFFFFFFB0] =	vst v2;
	v2 =	vmul.f32 v7, v4  }
0x1d8: {  	[tilespmem:s3+$0xFFFFFFC0] =	vst v6;
	v3 =	vmul.f32 v8, v4  }
0x1d9: {  	[tilespmem:s3+$0xFFFFFFD0] =	vst v2;
	v2 =	vmul.f32 v9, v1  }
0x1da: {  	s1 =	sadd.s32 $0x1, s1;
	[tilespmem:s3+$0xFFFFFFE0] =	vst v3;
	v1 =	vmul.f32 v5, v1  }
0x1db: {  	p1 =	sne.s32 s1, $0x7D;
	[tilespmem:s3+$0x0] =	vst v2  }
.Ltmp6:
0x1dc: {  	[tilespmem:s3+$0xFFFFFFF0] =	vst v1;
	(pc) =	sbr.rel @p1 .LBB2_4-.Ltmp6, $4  }
0x1dd: {  	[spmem:s7] =	stream.indirect.scatter.add.f32 [tilespmem:s6], [sflag:$0x3], $0x80, s0, s5, $0xb8;
	[tilespmem:$0x18E20] =	vst v63  }
0x1de: {  	_ =	swait.ge [sflag:s4], $0x2800  }
0x1df: {  	[sflag:s4] =	ssyncset.done $0x0  }
0x1e0: {  	[sflag:s4] =	ssyncadd.s32 $0xFFFFD800  }
0x1e1: {  	[bflag:$0x0] =	sbarrier.arrive $0xFFFF  }
0x1e2: {  	s11 =	simm.s32 $0x2DA0;
	s1 =	rddreg [dreg:$0x14]  }
0x1e3: {  	[tilespmem:s11], [sflag:$0x3] =	stream.linear.gather [spmem:s1], $0x2800, $0x38;
	[tilespmem:$0x18E20] =	vst v63  }
0x1e4: {  	_ =	swait.ge [sflag:s4], $0x2800  }
0x1e5: {  	[sflag:s4] =	ssyncset.done $0x0  }
0x1e6: {  	s9 =	rddreg [dreg:$0x4];
	[sflag:s4] =	ssyncadd.s32 $0xFFFFD800  }
0x1e7: {  	[hbm4b:s9+s0] =	stream.linear.scatter [tilespmem:s11], [sflag:$0x3], $0x2800, $0x38;
	[tilespmem:$0x18E20] =	vst v63  }
0x1e8: {  	_ =	swait.ge [sflag:s4], $0x2800  }
0x1e9: {  	[sflag:s4] =	ssyncset.done $0x0  }
0x1ea: {  	s2 =	rddreg [dreg:$0x15];
	[sflag:s4] =	ssyncadd.s32 $0xFFFFD800  }
0x1eb: {  	[tilespmem:s11], [sflag:$0x3] =	stream.linear.gather [spmem:s2], $0x2800, $0x38;
	[tilespmem:$0x18E20] =	vst v63  }
0x1ec: {  	_ =	swait.ge [sflag:s4], $0x2800  }
0x1ed: {  	[sflag:s4] =	ssyncset.done $0x0  }
0x1ee: {  	s3 =	rddreg [dreg:$0x5];
	[sflag:s4] =	ssyncadd.s32 $0xFFFFD800  }
0x1ef: {  	[hbm4b:s3+s0] =	stream.linear.scatter [tilespmem:s11], [sflag:$0x3], $0x2800, $0x38;
	[tilespmem:$0x18E20] =	vst v63  }
0x1f0: {  	_ =	swait.ge [sflag:s4], $0x2800  }
0x1f1: {  	[sflag:s4] =	ssyncset.done $0x0  }
0x1f2: {  	s9 =	rddreg [dreg:$0x16];
	[sflag:s4] =	ssyncadd.s32 $0xFFFFD800  }
0x1f3: {  	[tilespmem:s11], [sflag:$0x3] =	stream.linear.gather [spmem:s9], $0x2800, $0x38;
	[tilespmem:$0x18E20] =	vst v63  }
0x1f4: {  	_ =	swait.ge [sflag:s4], $0x2800  }
0x1f5: {  	[sflag:s4] =	ssyncset.done $0x0  }
0x1f6: {  	s2 =	rddreg [dreg:$0x6];
	[sflag:s4] =	ssyncadd.s32 $0xFFFFD800  }
0x1f7: {  	[hbm4b:s2+s0] =	stream.linear.scatter [tilespmem:s11], [sflag:$0x3], $0x2800, $0x38;
	[tilespmem:$0x18E20] =	vst v63  }
0x1f8: {  	_ =	swait.ge [sflag:s4], $0x2800  }
0x1f9: {  	[sflag:s4] =	ssyncset.done $0x0  }
0x1fa: {  	s3 =	rddreg [dreg:$0x17];
	[sflag:s4] =	ssyncadd.s32 $0xFFFFD800  }
0x1fb: {  	[tilespmem:s11], [sflag:$0x3] =	stream.linear.gather [spmem:s3], $0x2800, $0x38;
	[tilespmem:$0x18E20] =	vst v63  }
0x1fc: {  	_ =	swait.ge [sflag:s4], $0x2800  }
0x1fd: {  	[sflag:s4] =	ssyncset.done $0x0  }
0x1fe: {  	s9 =	rddreg [dreg:$0x7];
	[sflag:s4] =	ssyncadd.s32 $0xFFFFD800  }
0x1ff: {  	[hbm4b:s9+s0] =	stream.linear.scatter [tilespmem:s11], [sflag:$0x3], $0x2800, $0x38;
	[tilespmem:$0x18E20] =	vst v63  }
0x200: {  	_ =	swait.ge [sflag:s4], $0x2800  }
0x201: {  	[sflag:s4] =	ssyncset.done $0x0  }
0x202: {  	s2 =	rddreg [dreg:$0x18];
	[sflag:s4] =	ssyncadd.s32 $0xFFFFD800  }
0x203: {  	[tilespmem:s11], [sflag:$0x3] =	stream.linear.gather [spmem:s2], $0x2800, $0x38;
	[tilespmem:$0x18E20] =	vst v63  }
0x204: {  	_ =	swait.ge [sflag:s4], $0x2800  }
0x205: {  	[sflag:s4] =	ssyncset.done $0x0  }
0x206: {  	s3 =	rddreg [dreg:$0x8];
	[sflag:s4] =	ssyncadd.s32 $0xFFFFD800  }
0x207: {  	[hbm4b:s3+s0] =	stream.linear.scatter [tilespmem:s11], [sflag:$0x3], $0x2800, $0x38;
	[tilespmem:$0x18E20] =	vst v63  }
0x208: {  	_ =	swait.ge [sflag:s4], $0x2800  }
0x209: {  	[sflag:s4] =	ssyncset.done $0x0  }
0x20a: {  	s9 =	rddreg [dreg:$0x19];
	[sflag:s4] =	ssyncadd.s32 $0xFFFFD800  }
0x20b: {  	[tilespmem:s11], [sflag:$0x3] =	stream.linear.gather [spmem:s9], $0x2800, $0x38;
	[tilespmem:$0x18E20] =	vst v63  }
0x20c: {  	_ =	swait.ge [sflag:s4], $0x2800  }
0x20d: {  	[sflag:s4] =	ssyncset.done $0x0  }
0x20e: {  	s2 =	rddreg [dreg:$0x9];
	[sflag:s4] =	ssyncadd.s32 $0xFFFFD800  }
0x20f: {  	[hbm4b:s2+s0] =	stream.linear.scatter [tilespmem:s11], [sflag:$0x3], $0x2800, $0x38;
	[tilespmem:$0x18E20] =	vst v63  }
0x210: {  	_ =	swait.ge [sflag:s4], $0x2800  }
0x211: {  	[sflag:s4] =	ssyncset.done $0x0  }
0x212: {  	s3 =	rddreg [dreg:$0x1a];
	[sflag:s4] =	ssyncadd.s32 $0xFFFFD800  }
0x213: {  	[tilespmem:s11], [sflag:$0x3] =	stream.linear.gather [spmem:s3], $0x2800, $0x38;
	[tilespmem:$0x18E20] =	vst v63  }
0x214: {  	_ =	swait.ge [sflag:s4], $0x2800  }
0x215: {  	[sflag:s4] =	ssyncset.done $0x0  }
0x216: {  	s9 =	rddreg [dreg:$0xa];
	[sflag:s4] =	ssyncadd.s32 $0xFFFFD800  }
0x217: {  	[hbm4b:s9+s0] =	stream.linear.scatter [tilespmem:s11], [sflag:$0x3], $0x2800, $0x38;
	[tilespmem:$0x18E20] =	vst v63  }
0x218: {  	_ =	swait.ge [sflag:s4], $0x2800  }
0x219: {  	[sflag:s4] =	ssyncset.done $0x0  }
0x21a: {  	s1 =	simm.s32 @!p0 $0x2DA0;
	s2 =	rddreg [dreg:$0x1b];
	[sflag:s4] =	ssyncadd.s32 $0xFFFFD800  }
0x21b: {  	[tilespmem:s1], [sflag:$0x3] =	stream.linear.gather @!p0 [spmem:s2], $0x2800, $0x38;
	[tilespmem:$0x18E20] =	vst v63  }
0x21c: {  	s2 =	simm.s32 @!p0 $0x3  }
0x21d: {  	_ =	swait.ge @!p0 [sflag:s2], $0x2800  }
0x21e: {  	[sflag:s2] =	ssyncset.done @!p0 $0x0  }
0x21f: {  	s3 =	simm.s32 @!p0 $0x0;
	s9 =	rddreg [dreg:$0xb];
	[sflag:s2] =	ssyncadd.s32 @!p0 $0xFFFFD800  }
0x220: {  	[hbm4b:s9+s3] =	stream.linear.scatter @!p0 [tilespmem:s1], [sflag:$0x3], $0x2800, $0x38;
	[tilespmem:$0x18E20] =	vst v63  }
0x221: {  	_ =	swait.ge @!p0 [sflag:s2], $0x2800  }
0x222: {  	s1 =	rddreg [dreg:$0x1d]  }
0x223: {  	s9 =	rddreg [dreg:$0x1c];
	s3 =	sadd.s32 $0x1, s1  }
0x224: {  	p1 =	sne.s32 s3, s9  }
.Ltmp7:
0x225: {  	_ = 	snop;
	(pc) =	sbr.rel @p1 .LBB2_1-.Ltmp7, $3  }
0x226: {  	_ =	sdelay $0x1  }
0x227: {  	[sflag:s2] =	ssyncset.done @!p0 $0x0  }
0x228: {  	[sflag:s2] =	ssyncadd.s32 @!p0 $0xFFFFD800  }
0x229: {  	_ =	sfence.sel $0x180000  }
0x22a: {  	[bflag:$0x0] =	sbarrier.arrive $0xFFFF  }
0x22b: {  	_ =	strace $0x90000047  }
0x22c: {  	s0 =	stileid.u32;
	[bflag:$0x2] =	sbarrier.arrive $0xFFFF  }
0x22d: {  	p0 =	sne.s32 s0, $0x0;
	s0 =	rddreg [dreg:$0x3]  }
0x22e: {  	s0 =	sadd.s32 @!p0 $0x100000, s0  }
0x22f: {  	[sflag:s0] =	ssyncadd.tile.s32 @!p0 $0x1;
	_ =	shalt  }
.Lfunc_end2:
_tile_overlayer_lowered:
.L_overlay_start_2:
0x230: {  	(tag) =	ssettag $0x2  }
0x231: {  	s0 =	rddreg [dreg:$0x0];
	s2 =	stileid.u32  }
0x232: {  	s1 =	rddreg [dreg:$0x1];
	p0 =	sne.s32 s2, $0x0  }
0x233: {  	s3 =	rddreg [dreg:$0x2];
	[bflag:$0x3] =	sbarrier.arrive $0xFFFF;
	s2 =	simm.s32 @!p0 $0x1C03  }
0x234: {  	[timem:s3], [sflag:s2] =	dma.local @!p0 [hbm:s0], s1  }
0x235: {  	s0 =	simm.s32 @!p0 $0x3  }
0x236: {  	_ =	swait.ge @!p0 [sflag:s0], s1  }
0x237: {  	s1 =	ssub.s32 @!p0 $0x0, s1;
	[sflag:s0] =	ssyncset.done @!p0 $0x0  }
0x238: {  	[sflag:s0] =	ssyncadd.s32 @!p0 s1  }
0x239: {  	[bflag:$0x3] =	sbarrier.arrive $0xFFFF  }
0x23a: {  	_ =	shalt  }

</sc_bundles>
